<compile_context>
chip_gen: v7x
topology: tpu7x:2x2x1
jax: 0.10.2.dev20260603
libtpu: 0.0.44.dev20260713+nightly
codegen_flags: <defaults>
</compile_context>

<pallas_src>
import functools

import jax
import jax.numpy as jnp
from jax import lax
from jax.experimental import pallas as pl
from jax.experimental.pallas import tpu as pltpu
from jax.experimental.pallas import tpu_sc as plsc


def _tc_scores_body(xq_ref, ek_ref, xb_ref, idx_out, xb_out):
    xq = xq_ref[...]
    ek = ek_ref[...]
    nk = ek / jnp.maximum(
        jnp.sqrt(jnp.sum(ek * ek, axis=1, keepdims=True)), 1e-12)
    nq = xq / jnp.maximum(
        jnp.sqrt(jnp.sum(xq * xq, axis=1, keepdims=True)), 1e-12)
    scores = jax.lax.dot_general(nq, nk, (((1,), (1,)), ((), ())))
    idx_out[...] = jnp.argmax(scores, axis=1).astype(jnp.int32)
    xb_out[...] = xb_ref[...]


def _tc_scores(x_querry, x_block, e_k, blk=512):
    b, key_d = x_querry.shape
    pool, _ = e_k.shape
    emb_d = x_block.shape[1]
    grid = (b // blk,)
    return pl.pallas_call(
        _tc_scores_body,
        grid=grid,
        in_specs=[
            pl.BlockSpec((blk, key_d), lambda i: (i, 0)),
            pl.BlockSpec((pool, key_d), lambda i: (0, 0)),
            pl.BlockSpec((blk, emb_d), lambda i: (i, 0)),
        ],
        out_specs=[
            pl.BlockSpec((blk,), lambda i: (i,)),
            pl.BlockSpec((blk, emb_d), lambda i: (i, 0)),
        ],
        out_shape=[
            jax.ShapeDtypeStruct((b,), jnp.int32),
            jax.ShapeDtypeStruct((b, emb_d), jnp.float32),
        ],
    )(x_querry, e_k, x_block)


def _sc_gather(e_p, idx, nc, ns, ch=8):
    b = idx.shape[0]
    pool, p_len, emb_d = e_p.shape
    half = p_len // 2
    nw = nc * ns
    bw = b // nw
    nch = bw // ch
    mesh = plsc.VectorSubcoreMesh(core_axis_name="c", subcore_axis_name="s")

    nb = 5

    @functools.partial(
        pl.kernel,
        out_type=[
            jax.ShapeDtypeStruct((b, half, emb_d), jnp.float32),
            jax.ShapeDtypeStruct((b, half, emb_d), jnp.float32),
        ],
        mesh=mesh,
        scratch_types=[
            pltpu.VMEM((bw,), jnp.int32),
            pltpu.VMEM((nb, ch, half, emb_d), jnp.float32),
            pltpu.SemaphoreType.DMA,
            pltpu.SemaphoreType.DMA,
            pltpu.SemaphoreType.DMA,
            pltpu.SemaphoreType.DMA,
            pltpu.SemaphoreType.DMA,
            pltpu.SemaphoreType.DMA,
            pltpu.SemaphoreType.DMA,
            pltpu.SemaphoreType.DMA,
            pltpu.SemaphoreType.DMA,
            pltpu.SemaphoreType.DMA,
        ],
    )
    def k(ep_hbm, idx_hbm, ek_out, ev_out,
          idx_v, bufs, g0, g1, g2, g3, g4, o0, o1, o2, o3, o4):
        wid = lax.axis_index("s") * nc + lax.axis_index("c")
        base = wid * bw

        pltpu.sync_copy(idx_hbm.at[pl.ds(base, bw)], idx_v)

        gsem = [g0, g1, g2, g3, g4]
        osem = [o0, o1, o2, o3, o4]
        jobs = 2 * nch

        def fire(j):
            c, h = divmod(j, 2)
            iref = idx_v.at[pl.ds(c * ch, ch)]
            src = ep_hbm.at[iref, pl.ds(h * half, half)]
            return pltpu.async_copy(src, bufs.at[j % nb], gsem[j % nb])

        gh = [None] * jobs
        oh = [None] * jobs
        for j in range(min(nb, jobs)):
            gh[j] = fire(j)
        for j in range(jobs):
            r = j % nb
            gh[j].wait()
            c, h = divmod(j, 2)
            dst = (ek_out if h == 0 else ev_out).at[pl.ds(base + c * ch, ch)]
            oh[j] = pltpu.async_copy(bufs.at[r], dst, osem[r])
            if j + nb < jobs:
                oh[j].wait()
                gh[j + nb] = fire(j + nb)
        for j in range(max(0, jobs - nb), jobs):
            oh[j].wait()

    return k(e_p, idx)


def kernel(x_querry, l, x_block, e_p, e_k):
    idx, xb_out = _tc_scores(x_querry, x_block, e_k)

    info = plsc.get_sparse_core_info()
    ekf, evf = _sc_gather(e_p, idx, info.num_cores, info.num_subcores)
    return (ekf, evf, xb_out)

# --- scband reference (transcript-rebuilt; emitter-appended) ---
"""Pipeline reference for scband-dual-prompt-69458211110971 (READ-ONLY COPY).

The authoritative reference and input builder live on the scoring server;
editing this copy changes nothing except your own understanding.
"""

import jax, jax.numpy as jnp
import numpy as np

E_POOL = 100
E_P_LEN = 8
EMB_D = 768
KEY_D = 768
TOP_K = 1
B = 4096


def _l2norm(x, axis):
    n = jnp.linalg.norm(x, axis=axis, keepdims=True)
    return x / jnp.maximum(n, 1e-12)


def setup_inputs(seed: int = 0) -> dict:
    key = jax.random.key(seed)
    k1, k2, k3, k4 = jax.random.split(key, 4)
    x_querry = jax.random.normal(k1, (B, KEY_D), dtype=jnp.float32)
    x_block = jax.random.normal(k2, (B, EMB_D), dtype=jnp.float32)
    # learned params for e-layer l=3 (nn.init.uniform_ default U[0,1))
    e_p = jax.random.uniform(k3, (E_POOL, E_P_LEN, EMB_D), dtype=jnp.float32)
    e_k = jax.random.uniform(k4, (E_POOL, KEY_D), dtype=jnp.float32)
    return {"x_querry": x_querry, "l": 3, "x_block": x_block, "e_p": e_p, "e_k": e_k}


def reference(x_querry, l, x_block, e_p, e_k):
    # Eval-mode (train=False) forward of DualPrompt for l in e_layers=[3,4,5],
    # l not in g_layers=[0,1]; expand_and_freeze=False.
    n_K = _l2norm(e_k, axis=1)
    q = jax.lax.stop_gradient(_l2norm(x_querry, axis=1))
    cos_sim = jnp.einsum('bj,kj->bk', q, n_K)              # [B, E_POOL]
    _, k_idx = jax.lax.top_k(cos_sim, TOP_K)               # [B, top_k]
    P_ = e_p[k_idx][:, 0]                                  # gather -> [B, E_P_LEN, EMB_D]
    i = E_P_LEN // 2
    Ek = P_[:, :i, :]
    Ev = P_[:, i:, :]
    # returns (p_return=[Ek, Ev], loss=0, x_block); packaged as a flat tuple
    return (Ek, Ev, x_block)

if __name__ == "__main__":
    import jax
    _d = setup_inputs()
    print(jax.jit(kernel)(*tuple(_d.values())))

</pallas_src>

<mosaic_0001>
#map = affine_map<(d0, d1) -> (0, 0, 0)>
#map1 = affine_map<(d0, d1) -> (0)>
module attributes {stable_mosaic.version = 14 : i64} {
  func.func @k(%arg0: i32, %arg1: i32, %arg2: memref<100x8x768xf32, #tpu.memory_space<hbm>>, %arg3: memref<4096xi32, #tpu.memory_space<hbm>>, %arg4: memref<4096x4x768xf32, #tpu.memory_space<hbm>>, %arg5: memref<4096x4x768xf32, #tpu.memory_space<hbm>>, %arg6: memref<128xi32, #tpu.memory_space<vmem>>, %arg7: memref<5x8x4x768xf32, #tpu.memory_space<vmem>>, %arg8: memref<!tpu.dma_semaphore, #tpu.memory_space<semaphore_mem>>, %arg9: memref<!tpu.dma_semaphore, #tpu.memory_space<semaphore_mem>>, %arg10: memref<!tpu.dma_semaphore, #tpu.memory_space<semaphore_mem>>, %arg11: memref<!tpu.dma_semaphore, #tpu.memory_space<semaphore_mem>>, %arg12: memref<!tpu.dma_semaphore, #tpu.memory_space<semaphore_mem>>, %arg13: memref<!tpu.dma_semaphore, #tpu.memory_space<semaphore_mem>>, %arg14: memref<!tpu.dma_semaphore, #tpu.memory_space<semaphore_mem>>, %arg15: memref<!tpu.dma_semaphore, #tpu.memory_space<semaphore_mem>>, %arg16: memref<!tpu.dma_semaphore, #tpu.memory_space<semaphore_mem>>, %arg17: memref<!tpu.dma_semaphore, #tpu.memory_space<semaphore_mem>>) attributes {dimension_semantics = [#tpu.dimension_semantics<core_parallel>, #tpu.dimension_semantics<subcore_parallel>], iteration_bounds = array<i64: 2, 16>, scalar_prefetch = 0 : i64, scratch_operands = 12 : i64, tpu.core_type = #tpu.core_type<sc_vector_subcore>, window_params = [{transform_indices = #map}, {transform_indices = #map1}, {transform_indices = #map}, {transform_indices = #map}]} {
    %mul3A = arith.constant 2 : i32
    %mul3A_0 = arith.muli %arg1, %mul3A : i32
    %add3A = arith.addi %mul3A_0, %arg0 : i32
    %mul3A_1 = arith.constant 128 : i32
    %mul3A_2 = arith.muli %add3A, %mul3A_1 : i32
    "tpu.region"() ({
      %run_scoped3A = tpu.sem_alloc : memref<!tpu.dma_semaphore, #tpu.memory_space<semaphore_mem>>
      %dma_start3A_1921 = tpu.memref_slice %arg3[%mul3A_2] : memref<4096xi32, #tpu.memory_space<hbm>> -> memref<128xi32, #tpu.memory_space<hbm>>
      %dma_start3A_1922 = tpu.memref_slice %arg3[%mul3A_2] : memref<4096xi32, #tpu.memory_space<hbm>> -> memref<128xi32, #tpu.memory_space<hbm>>
      tpu.enqueue_dma source(%dma_start3A_1922 : memref<128xi32, #tpu.memory_space<hbm>>) target(%arg6 : memref<128xi32, #tpu.memory_space<vmem>>) target_semaphore(%run_scoped3A : memref<!tpu.dma_semaphore, #tpu.memory_space<semaphore_mem>>)
      %dma_wait3A_1923 = tpu.memref_slice %arg3[%mul3A_2] : memref<4096xi32, #tpu.memory_space<hbm>> -> memref<128xi32, #tpu.memory_space<hbm>>
      %dma_wait3A_1924 = tpu.memref_slice %arg3[%mul3A_2] : memref<4096xi32, #tpu.memory_space<hbm>> -> memref<128xi32, #tpu.memory_space<hbm>>
      tpu.wait_dma2 semaphore(%run_scoped3A : memref<!tpu.dma_semaphore, #tpu.memory_space<semaphore_mem>>) src(%dma_wait3A_1924 : memref<128xi32, #tpu.memory_space<hbm>>) dst(%arg6 : memref<128xi32, #tpu.memory_space<vmem>>)
      tpu.yield
    }) : () -> ()
    %dma_start3A = arith.constant 0 : i32
    %dma_start3A_3 = arith.constant 0 : i32
    %dma_start3A_4 = arith.constant 0 : i32
    %dma_start3A_5 = arith.constant 0 : i32
    %dma_start3A_6 = tpu.memref_slice %arg7[%dma_start3A, %dma_start3A_3, %dma_start3A_4, %dma_start3A_5] : memref<5x8x4x768xf32, #tpu.memory_space<vmem>> -> memref<1x8x4x768xf32, #tpu.memory_space<vmem>>
    %dma_start3A_7 = tpu.memref_squeeze %dma_start3A_6 : memref<1x8x4x768xf32, #tpu.memory_space<vmem>> -> memref<8x4x768xf32, #tpu.memory_space<vmem>>
    %dma_start3A_8 = arith.constant 0 : i32
    %dma_start3A_9 = tpu.memref_slice %arg6[%dma_start3A_8] : memref<128xi32, #tpu.memory_space<vmem>> -> memref<8xi32, #tpu.memory_space<vmem>>
    %dma_start3A_10 = arith.constant 0 : i32
    %dma_start3A_11 = arith.constant 0 : i32
    %dma_start3A_12 = arith.constant 0 : i32
    %dma_start3A_13 = tpu.memref_slice %arg2[%dma_start3A_10, %dma_start3A_11, %dma_start3A_12] : memref<100x8x768xf32, #tpu.memory_space<hbm>> -> memref<100x4x768xf32, #tpu.memory_space<hbm>>
    tpu.enqueue_indirect_dma source(%dma_start3A_13 : memref<100x4x768xf32, #tpu.memory_space<hbm>>) target(%dma_start3A_7 : memref<8x4x768xf32, #tpu.memory_space<vmem>>) offsets(%dma_start3A_9 : memref<8xi32, #tpu.memory_space<vmem>>) semaphore(%arg8 : memref<!tpu.dma_semaphore, #tpu.memory_space<semaphore_mem>>)
    %dma_start3A_14 = arith.constant 1 : i32
    %dma_start3A_15 = arith.constant 0 : i32
    %dma_start3A_16 = arith.constant 0 : i32
    %dma_start3A_17 = arith.constant 0 : i32
    %dma_start3A_18 = tpu.memref_slice %arg7[%dma_start3A_14, %dma_start3A_15, %dma_start3A_16, %dma_start3A_17] : memref<5x8x4x768xf32, #tpu.memory_space<vmem>> -> memref<1x8x4x768xf32, #tpu.memory_space<vmem>>
    %dma_start3A_19 = tpu.memref_squeeze %dma_start3A_18 : memref<1x8x4x768xf32, #tpu.memory_space<vmem>> -> memref<8x4x768xf32, #tpu.memory_space<vmem>>
    %dma_start3A_20 = arith.constant 0 : i32
    %dma_start3A_21 = tpu.memref_slice %arg6[%dma_start3A_20] : memref<128xi32, #tpu.memory_space<vmem>> -> memref<8xi32, #tpu.memory_space<vmem>>
    %dma_start3A_22 = arith.constant 0 : i32
    %dma_start3A_23 = arith.constant 4 : i32
    %dma_start3A_24 = arith.constant 0 : i32
    %dma_start3A_25 = tpu.memref_slice %arg2[%dma_start3A_22, %dma_start3A_23, %dma_start3A_24] : memref<100x8x768xf32, #tpu.memory_space<hbm>> -> memref<100x4x768xf32, #tpu.memory_space<hbm>>
    tpu.enqueue_indirect_dma source(%dma_start3A_25 : memref<100x4x768xf32, #tpu.memory_space<hbm>>) target(%dma_start3A_19 : memref<8x4x768xf32, #tpu.memory_space<vmem>>) offsets(%dma_start3A_21 : memref<8xi32, #tpu.memory_space<vmem>>) semaphore(%arg9 : memref<!tpu.dma_semaphore, #tpu.memory_space<semaphore_mem>>)
    %dma_start3A_26 = arith.constant 2 : i32
    %dma_start3A_27 = arith.constant 0 : i32
    %dma_start3A_28 = arith.constant 0 : i32
    %dma_start3A_29 = arith.constant 0 : i32
    %dma_start3A_30 = tpu.memref_slice %arg7[%dma_start3A_26, %dma_start3A_27, %dma_start3A_28, %dma_start3A_29] : memref<5x8x4x768xf32, #tpu.memory_space<vmem>> -> memref<1x8x4x768xf32, #tpu.memory_space<vmem>>
    %dma_start3A_31 = tpu.memref_squeeze %dma_start3A_30 : memref<1x8x4x768xf32, #tpu.memory_space<vmem>> -> memref<8x4x768xf32, #tpu.memory_space<vmem>>
    %dma_start3A_32 = arith.constant 8 : i32
    %dma_start3A_33 = tpu.memref_slice %arg6[%dma_start3A_32] : memref<128xi32, #tpu.memory_space<vmem>> -> memref<8xi32, #tpu.memory_space<vmem>>
    %dma_start3A_34 = arith.constant 0 : i32
    %dma_start3A_35 = arith.constant 0 : i32
    %dma_start3A_36 = arith.constant 0 : i32
    %dma_start3A_37 = tpu.memref_slice %arg2[%dma_start3A_34, %dma_start3A_35, %dma_start3A_36] : memref<100x8x768xf32, #tpu.memory_space<hbm>> -> memref<100x4x768xf32, #tpu.memory_space<hbm>>
    tpu.enqueue_indirect_dma source(%dma_start3A_37 : memref<100x4x768xf32, #tpu.memory_space<hbm>>) target(%dma_start3A_31 : memref<8x4x768xf32, #tpu.memory_space<vmem>>) offsets(%dma_start3A_33 : memref<8xi32, #tpu.memory_space<vmem>>) semaphore(%arg10 : memref<!tpu.dma_semaphore, #tpu.memory_space<semaphore_mem>>)
    %dma_start3A_38 = arith.constant 3 : i32
    %dma_start3A_39 = arith.constant 0 : i32
    %dma_start3A_40 = arith.constant 0 : i32
    %dma_start3A_41 = arith.constant 0 : i32
    %dma_start3A_42 = tpu.memref_slice %arg7[%dma_start3A_38, %dma_start3A_39, %dma_start3A_40, %dma_start3A_41] : memref<5x8x4x768xf32, #tpu.memory_space<vmem>> -> memref<1x8x4x768xf32, #tpu.memory_space<vmem>>
    %dma_start3A_43 = tpu.memref_squeeze %dma_start3A_42 : memref<1x8x4x768xf32, #tpu.memory_space<vmem>> -> memref<8x4x768xf32, #tpu.memory_space<vmem>>
    %dma_start3A_44 = arith.constant 8 : i32
    %dma_start3A_45 = tpu.memref_slice %arg6[%dma_start3A_44] : memref<128xi32, #tpu.memory_space<vmem>> -> memref<8xi32, #tpu.memory_space<vmem>>
    %dma_start3A_46 = arith.constant 0 : i32
    %dma_start3A_47 = arith.constant 4 : i32
    %dma_start3A_48 = arith.constant 0 : i32
    %dma_start3A_49 = tpu.memref_slice %arg2[%dma_start3A_46, %dma_start3A_47, %dma_start3A_48] : memref<100x8x768xf32, #tpu.memory_space<hbm>> -> memref<100x4x768xf32, #tpu.memory_space<hbm>>
    tpu.enqueue_indirect_dma source(%dma_start3A_49 : memref<100x4x768xf32, #tpu.memory_space<hbm>>) target(%dma_start3A_43 : memref<8x4x768xf32, #tpu.memory_space<vmem>>) offsets(%dma_start3A_45 : memref<8xi32, #tpu.memory_space<vmem>>) semaphore(%arg11 : memref<!tpu.dma_semaphore, #tpu.memory_space<semaphore_mem>>)
    %dma_start3A_50 = arith.constant 4 : i32
    %dma_start3A_51 = arith.constant 0 : i32
    %dma_start3A_52 = arith.constant 0 : i32
    %dma_start3A_53 = arith.constant 0 : i32
    %dma_start3A_54 = tpu.memref_slice %arg7[%dma_start3A_50, %dma_start3A_51, %dma_start3A_52, %dma_start3A_53] : memref<5x8x4x768xf32, #tpu.memory_space<vmem>> -> memref<1x8x4x768xf32, #tpu.memory_space<vmem>>
    %dma_start3A_55 = tpu.memref_squeeze %dma_start3A_54 : memref<1x8x4x768xf32, #tpu.memory_space<vmem>> -> memref<8x4x768xf32, #tpu.memory_space<vmem>>
    %dma_start3A_56 = arith.constant 16 : i32
    %dma_start3A_57 = tpu.memref_slice %arg6[%dma_start3A_56] : memref<128xi32, #tpu.memory_space<vmem>> -> memref<8xi32, #tpu.memory_space<vmem>>
    %dma_start3A_58 = arith.constant 0 : i32
    %dma_start3A_59 = arith.constant 0 : i32
    %dma_start3A_60 = arith.constant 0 : i32
    %dma_start3A_61 = tpu.memref_slice %arg2[%dma_start3A_58, %dma_start3A_59, %dma_start3A_60] : memref<100x8x768xf32, #tpu.memory_space<hbm>> -> memref<100x4x768xf32, #tpu.memory_space<hbm>>
    tpu.enqueue_indirect_dma source(%dma_start3A_61 : memref<100x4x768xf32, #tpu.memory_space<hbm>>) target(%dma_start3A_55 : memref<8x4x768xf32, #tpu.memory_space<vmem>>) offsets(%dma_start3A_57 : memref<8xi32, #tpu.memory_space<vmem>>) semaphore(%arg12 : memref<!tpu.dma_semaphore, #tpu.memory_space<semaphore_mem>>)
    %dma_wait3A = arith.constant 0 : i32
    %dma_wait3A_62 = arith.constant 0 : i32
    %dma_wait3A_63 = arith.constant 0 : i32
    %dma_wait3A_64 = arith.constant 0 : i32
    %dma_wait3A_65 = tpu.memref_slice %arg7[%dma_wait3A, %dma_wait3A_62, %dma_wait3A_63, %dma_wait3A_64] : memref<5x8x4x768xf32, #tpu.memory_space<vmem>> -> memref<1x8x4x768xf32, #tpu.memory_space<vmem>>
    %dma_wait3A_66 = tpu.memref_squeeze %dma_wait3A_65 : memref<1x8x4x768xf32, #tpu.memory_space<vmem>> -> memref<8x4x768xf32, #tpu.memory_space<vmem>>
    %dma_wait3A_67 = arith.constant 0 : i32
    %dma_wait3A_68 = tpu.memref_slice %arg6[%dma_wait3A_67] : memref<128xi32, #tpu.memory_space<vmem>> -> memref<8xi32, #tpu.memory_space<vmem>>
    %dma_wait3A_69 = arith.constant 0 : i32
    %dma_wait3A_70 = arith.constant 0 : i32
    %dma_wait3A_71 = arith.constant 0 : i32
    %dma_wait3A_72 = tpu.memref_slice %arg2[%dma_wait3A_69, %dma_wait3A_70, %dma_wait3A_71] : memref<100x8x768xf32, #tpu.memory_space<hbm>> -> memref<100x4x768xf32, #tpu.memory_space<hbm>>
    tpu.wait_indirect_dma semaphore(%arg8 : memref<!tpu.dma_semaphore, #tpu.memory_space<semaphore_mem>>) src(%dma_wait3A_72 : memref<100x4x768xf32, #tpu.memory_space<hbm>>) dst(%dma_wait3A_66 : memref<8x4x768xf32, #tpu.memory_space<vmem>>)
    %add3A_73 = arith.constant 0 : i32
    %add3A_74 = arith.addi %mul3A_2, %add3A_73 : i32
    %dma_start3A_75 = arith.constant 0 : i32
    %dma_start3A_76 = arith.constant 0 : i32
    %dma_start3A_77 = arith.constant 0 : i32
    %dma_start3A_78 = arith.constant 0 : i32
    %dma_start3A_79 = tpu.memref_slice %arg7[%dma_start3A_75, %dma_start3A_76, %dma_start3A_77, %dma_start3A_78] : memref<5x8x4x768xf32, #tpu.memory_space<vmem>> -> memref<1x8x4x768xf32, #tpu.memory_space<vmem>>
    %dma_start3A_80 = tpu.memref_squeeze %dma_start3A_79 : memref<1x8x4x768xf32, #tpu.memory_space<vmem>> -> memref<8x4x768xf32, #tpu.memory_space<vmem>>
    %dma_start3A_81 = arith.constant 0 : i32
    %dma_start3A_82 = arith.constant 0 : i32
    %dma_start3A_83 = tpu.memref_slice %arg4[%add3A_74, %dma_start3A_81, %dma_start3A_82] : memref<4096x4x768xf32, #tpu.memory_space<hbm>> -> memref<8x4x768xf32, #tpu.memory_space<hbm>>
    %dma_start3A_84 = arith.constant 0 : i32
    %dma_start3A_85 = arith.constant 0 : i32
    %dma_start3A_86 = tpu.memref_slice %arg4[%add3A_74, %dma_start3A_84, %dma_start3A_85] : memref<4096x4x768xf32, #tpu.memory_space<hbm>> -> memref<8x4x768xf32, #tpu.memory_space<hbm>>
    %dma_start3A_87 = arith.constant 0 : i32
    %dma_start3A_88 = arith.constant 0 : i32
    %dma_start3A_89 = arith.constant 0 : i32
    %dma_start3A_90 = tpu.memref_slice %arg7[%dma_start3A_75, %dma_start3A_87, %dma_start3A_88, %dma_start3A_89] : memref<5x8x4x768xf32, #tpu.memory_space<vmem>> -> memref<1x8x4x768xf32, #tpu.memory_space<vmem>>
    %dma_start3A_91 = tpu.memref_squeeze %dma_start3A_90 : memref<1x8x4x768xf32, #tpu.memory_space<vmem>> -> memref<8x4x768xf32, #tpu.memory_space<vmem>>
    tpu.enqueue_dma source(%dma_start3A_91 : memref<8x4x768xf32, #tpu.memory_space<vmem>>) target(%dma_start3A_86 : memref<8x4x768xf32, #tpu.memory_space<hbm>>) target_semaphore(%arg13 : memref<!tpu.dma_semaphore, #tpu.memory_space<semaphore_mem>>)
    %dma_wait3A_92 = arith.constant 0 : i32
    %dma_wait3A_93 = arith.constant 0 : i32
    %dma_wait3A_94 = arith.constant 0 : i32
    %dma_wait3A_95 = arith.constant 0 : i32
    %dma_wait3A_96 = tpu.memref_slice %arg7[%dma_wait3A_92, %dma_wait3A_93, %dma_wait3A_94, %dma_wait3A_95] : memref<5x8x4x768xf32, #tpu.memory_space<vmem>> -> memref<1x8x4x768xf32, #tpu.memory_space<vmem>>
    %dma_wait3A_97 = tpu.memref_squeeze %dma_wait3A_96 : memref<1x8x4x768xf32, #tpu.memory_space<vmem>> -> memref<8x4x768xf32, #tpu.memory_space<vmem>>
    %dma_wait3A_98 = arith.constant 0 : i32
    %dma_wait3A_99 = arith.constant 0 : i32
    %dma_wait3A_100 = tpu.memref_slice %arg4[%add3A_74, %dma_wait3A_98, %dma_wait3A_99] : memref<4096x4x768xf32, #tpu.memory_space<hbm>> -> memref<8x4x768xf32, #tpu.memory_space<hbm>>
    %dma_wait3A_101 = arith.constant 0 : i32
    %dma_wait3A_102 = arith.constant 0 : i32
    %dma_wait3A_103 = tpu.memref_slice %arg4[%add3A_74, %dma_wait3A_101, %dma_wait3A_102] : memref<4096x4x768xf32, #tpu.memory_space<hbm>> -> memref<8x4x768xf32, #tpu.memory_space<hbm>>
    %dma_wait3A_104 = arith.constant 0 : i32
    %dma_wait3A_105 = arith.constant 0 : i32
    %dma_wait3A_106 = arith.constant 0 : i32
    %dma_wait3A_107 = tpu.memref_slice %arg7[%dma_wait3A_92, %dma_wait3A_104, %dma_wait3A_105, %dma_wait3A_106] : memref<5x8x4x768xf32, #tpu.memory_space<vmem>> -> memref<1x8x4x768xf32, #tpu.memory_space<vmem>>
    %dma_wait3A_108 = tpu.memref_squeeze %dma_wait3A_107 : memref<1x8x4x768xf32, #tpu.memory_space<vmem>> -> memref<8x4x768xf32, #tpu.memory_space<vmem>>
    tpu.wait_dma2 semaphore(%arg13 : memref<!tpu.dma_semaphore, #tpu.memory_space<semaphore_mem>>) src(%dma_wait3A_108 : memref<8x4x768xf32, #tpu.memory_space<vmem>>) dst(%dma_wait3A_103 : memref<8x4x768xf32, #tpu.memory_space<hbm>>)
    %dma_start3A_109 = arith.constant 0 : i32
    %dma_start3A_110 = arith.constant 0 : i32
    %dma_start3A_111 = arith.constant 0 : i32
    %dma_start3A_112 = arith.constant 0 : i32
    %dma_start3A_113 = tpu.memref_slice %arg7[%dma_start3A_109, %dma_start3A_110, %dma_start3A_111, %dma_start3A_112] : memref<5x8x4x768xf32, #tpu.memory_space<vmem>> -> memref<1x8x4x768xf32, #tpu.memory_space<vmem>>
    %dma_start3A_114 = tpu.memref_squeeze %dma_start3A_113 : memref<1x8x4x768xf32, #tpu.memory_space<vmem>> -> memref<8x4x768xf32, #tpu.memory_space<vmem>>
    %dma_start3A_115 = arith.constant 16 : i32
    %dma_start3A_116 = tpu.memref_slice %arg6[%dma_start3A_115] : memref<128xi32, #tpu.memory_space<vmem>> -> memref<8xi32, #tpu.memory_space<vmem>>
    %dma_start3A_117 = arith.constant 0 : i32
    %dma_start3A_118 = arith.constant 4 : i32
    %dma_start3A_119 = arith.constant 0 : i32
    %dma_start3A_120 = tpu.memref_slice %arg2[%dma_start3A_117, %dma_start3A_118, %dma_start3A_119] : memref<100x8x768xf32, #tpu.memory_space<hbm>> -> memref<100x4x768xf32, #tpu.memory_space<hbm>>
    tpu.enqueue_indirect_dma source(%dma_start3A_120 : memref<100x4x768xf32, #tpu.memory_space<hbm>>) target(%dma_start3A_114 : memref<8x4x768xf32, #tpu.memory_space<vmem>>) offsets(%dma_start3A_116 : memref<8xi32, #tpu.memory_space<vmem>>) semaphore(%arg8 : memref<!tpu.dma_semaphore, #tpu.memory_space<semaphore_mem>>)
    %dma_wait3A_121 = arith.constant 1 : i32
    %dma_wait3A_122 = arith.constant 0 : i32
    %dma_wait3A_123 = arith.constant 0 : i32
    %dma_wait3A_124 = arith.constant 0 : i32
    %dma_wait3A_125 = tpu.memref_slice %arg7[%dma_wait3A_121, %dma_wait3A_122, %dma_wait3A_123, %dma_wait3A_124] : memref<5x8x4x768xf32, #tpu.memory_space<vmem>> -> memref<1x8x4x768xf32, #tpu.memory_space<vmem>>
    %dma_wait3A_126 = tpu.memref_squeeze %dma_wait3A_125 : memref<1x8x4x768xf32, #tpu.memory_space<vmem>> -> memref<8x4x768xf32, #tpu.memory_space<vmem>>
    %dma_wait3A_127 = arith.constant 0 : i32
    %dma_wait3A_128 = tpu.memref_slice %arg6[%dma_wait3A_127] : memref<128xi32, #tpu.memory_space<vmem>> -> memref<8xi32, #tpu.memory_space<vmem>>
    %dma_wait3A_129 = arith.constant 0 : i32
    %dma_wait3A_130 = arith.constant 4 : i32
    %dma_wait3A_131 = arith.constant 0 : i32
    %dma_wait3A_132 = tpu.memref_slice %arg2[%dma_wait3A_129, %dma_wait3A_130, %dma_wait3A_131] : memref<100x8x768xf32, #tpu.memory_space<hbm>> -> memref<100x4x768xf32, #tpu.memory_space<hbm>>
    tpu.wait_indirect_dma semaphore(%arg9 : memref<!tpu.dma_semaphore, #tpu.memory_space<semaphore_mem>>) src(%dma_wait3A_132 : memref<100x4x768xf32, #tpu.memory_space<hbm>>) dst(%dma_wait3A_126 : memref<8x4x768xf32, #tpu.memory_space<vmem>>)
    %add3A_133 = arith.constant 0 : i32
    %add3A_134 = arith.addi %mul3A_2, %add3A_133 : i32
    %dma_start3A_135 = arith.constant 1 : i32
    %dma_start3A_136 = arith.constant 0 : i32
    %dma_start3A_137 = arith.constant 0 : i32
    %dma_start3A_138 = arith.constant 0 : i32
    %dma_start3A_139 = tpu.memref_slice %arg7[%dma_start3A_135, %dma_start3A_136, %dma_start3A_137, %dma_start3A_138] : memref<5x8x4x768xf32, #tpu.memory_space<vmem>> -> memref<1x8x4x768xf32, #tpu.memory_space<vmem>>
    %dma_start3A_140 = tpu.memref_squeeze %dma_start3A_139 : memref<1x8x4x768xf32, #tpu.memory_space<vmem>> -> memref<8x4x768xf32, #tpu.memory_space<vmem>>
    %dma_start3A_141 = arith.constant 0 : i32
    %dma_start3A_142 = arith.constant 0 : i32
    %dma_start3A_143 = tpu.memref_slice %arg5[%add3A_134, %dma_start3A_141, %dma_start3A_142] : memref<4096x4x768xf32, #tpu.memory_space<hbm>> -> memref<8x4x768xf32, #tpu.memory_space<hbm>>
    %dma_start3A_144 = arith.constant 0 : i32
    %dma_start3A_145 = arith.constant 0 : i32
    %dma_start3A_146 = tpu.memref_slice %arg5[%add3A_134, %dma_start3A_144, %dma_start3A_145] : memref<4096x4x768xf32, #tpu.memory_space<hbm>> -> memref<8x4x768xf32, #tpu.memory_space<hbm>>
    %dma_start3A_147 = arith.constant 0 : i32
    %dma_start3A_148 = arith.constant 0 : i32
    %dma_start3A_149 = arith.constant 0 : i32
    %dma_start3A_150 = tpu.memref_slice %arg7[%dma_start3A_135, %dma_start3A_147, %dma_start3A_148, %dma_start3A_149] : memref<5x8x4x768xf32, #tpu.memory_space<vmem>> -> memref<1x8x4x768xf32, #tpu.memory_space<vmem>>
    %dma_start3A_151 = tpu.memref_squeeze %dma_start3A_150 : memref<1x8x4x768xf32, #tpu.memory_space<vmem>> -> memref<8x4x768xf32, #tpu.memory_space<vmem>>
    tpu.enqueue_dma source(%dma_start3A_151 : memref<8x4x768xf32, #tpu.memory_space<vmem>>) target(%dma_start3A_146 : memref<8x4x768xf32, #tpu.memory_space<hbm>>) target_semaphore(%arg14 : memref<!tpu.dma_semaphore, #tpu.memory_space<semaphore_mem>>)
    %dma_wait3A_152 = arith.constant 1 : i32
    %dma_wait3A_153 = arith.constant 0 : i32
    %dma_wait3A_154 = arith.constant 0 : i32
    %dma_wait3A_155 = arith.constant 0 : i32
    %dma_wait3A_156 = tpu.memref_slice %arg7[%dma_wait3A_152, %dma_wait3A_153, %dma_wait3A_154, %dma_wait3A_155] : memref<5x8x4x768xf32, #tpu.memory_space<vmem>> -> memref<1x8x4x768xf32, #tpu.memory_space<vmem>>
    %dma_wait3A_157 = tpu.memref_squeeze %dma_wait3A_156 : memref<1x8x4x768xf32, #tpu.memory_space<vmem>> -> memref<8x4x768xf32, #tpu.memory_space<vmem>>
    %dma_wait3A_158 = arith.constant 0 : i32
    %dma_wait3A_159 = arith.constant 0 : i32
    %dma_wait3A_160 = tpu.memref_slice %arg5[%add3A_134, %dma_wait3A_158, %dma_wait3A_159] : memref<4096x4x768xf32, #tpu.memory_space<hbm>> -> memref<8x4x768xf32, #tpu.memory_space<hbm>>
    %dma_wait3A_161 = arith.constant 0 : i32
    %dma_wait3A_162 = arith.constant 0 : i32
    %dma_wait3A_163 = tpu.memref_slice %arg5[%add3A_134, %dma_wait3A_161, %dma_wait3A_162] : memref<4096x4x768xf32, #tpu.memory_space<hbm>> -> memref<8x4x768xf32, #tpu.memory_space<hbm>>
    %dma_wait3A_164 = arith.constant 0 : i32
    %dma_wait3A_165 = arith.constant 0 : i32
    %dma_wait3A_166 = arith.constant 0 : i32
    %dma_wait3A_167 = tpu.memref_slice %arg7[%dma_wait3A_152, %dma_wait3A_164, %dma_wait3A_165, %dma_wait3A_166] : memref<5x8x4x768xf32, #tpu.memory_space<vmem>> -> memref<1x8x4x768xf32, #tpu.memory_space<vmem>>
    %dma_wait3A_168 = tpu.memref_squeeze %dma_wait3A_167 : memref<1x8x4x768xf32, #tpu.memory_space<vmem>> -> memref<8x4x768xf32, #tpu.memory_space<vmem>>
    tpu.wait_dma2 semaphore(%arg14 : memref<!tpu.dma_semaphore, #tpu.memory_space<semaphore_mem>>) src(%dma_wait3A_168 : memref<8x4x768xf32, #tpu.memory_space<vmem>>) dst(%dma_wait3A_163 : memref<8x4x768xf32, #tpu.memory_space<hbm>>)
    %dma_start3A_169 = arith.constant 1 : i32
    %dma_start3A_170 = arith.constant 0 : i32
    %dma_start3A_171 = arith.constant 0 : i32
    %dma_start3A_172 = arith.constant 0 : i32
    %dma_start3A_173 = tpu.memref_slice %arg7[%dma_start3A_169, %dma_start3A_170, %dma_start3A_171, %dma_start3A_172] : memref<5x8x4x768xf32, #tpu.memory_space<vmem>> -> memref<1x8x4x768xf32, #tpu.memory_space<vmem>>
    %dma_start3A_174 = tpu.memref_squeeze %dma_start3A_173 : memref<1x8x4x768xf32, #tpu.memory_space<vmem>> -> memref<8x4x768xf32, #tpu.memory_space<vmem>>
    %dma_start3A_175 = arith.constant 24 : i32
    %dma_start3A_176 = tpu.memref_slice %arg6[%dma_start3A_175] : memref<128xi32, #tpu.memory_space<vmem>> -> memref<8xi32, #tpu.memory_space<vmem>>
    %dma_start3A_177 = arith.constant 0 : i32
    %dma_start3A_178 = arith.constant 0 : i32
    %dma_start3A_179 = arith.constant 0 : i32
    %dma_start3A_180 = tpu.memref_slice %arg2[%dma_start3A_177, %dma_start3A_178, %dma_start3A_179] : memref<100x8x768xf32, #tpu.memory_space<hbm>> -> memref<100x4x768xf32, #tpu.memory_space<hbm>>
    tpu.enqueue_indirect_dma source(%dma_start3A_180 : memref<100x4x768xf32, #tpu.memory_space<hbm>>) target(%dma_start3A_174 : memref<8x4x768xf32, #tpu.memory_space<vmem>>) offsets(%dma_start3A_176 : memref<8xi32, #tpu.memory_space<vmem>>) semaphore(%arg9 : memref<!tpu.dma_semaphore, #tpu.memory_space<semaphore_mem>>)
    %dma_wait3A_181 = arith.constant 2 : i32
    %dma_wait3A_182 = arith.constant 0 : i32
    %dma_wait3A_183 = arith.constant 0 : i32
    %dma_wait3A_184 = arith.constant 0 : i32
    %dma_wait3A_185 = tpu.memref_slice %arg7[%dma_wait3A_181, %dma_wait3A_182, %dma_wait3A_183, %dma_wait3A_184] : memref<5x8x4x768xf32, #tpu.memory_space<vmem>> -> memref<1x8x4x768xf32, #tpu.memory_space<vmem>>
    %dma_wait3A_186 = tpu.memref_squeeze %dma_wait3A_185 : memref<1x8x4x768xf32, #tpu.memory_space<vmem>> -> memref<8x4x768xf32, #tpu.memory_space<vmem>>
    %dma_wait3A_187 = arith.constant 8 : i32
    %dma_wait3A_188 = tpu.memref_slice %arg6[%dma_wait3A_187] : memref<128xi32, #tpu.memory_space<vmem>> -> memref<8xi32, #tpu.memory_space<vmem>>
    %dma_wait3A_189 = arith.constant 0 : i32
    %dma_wait3A_190 = arith.constant 0 : i32
    %dma_wait3A_191 = arith.constant 0 : i32
    %dma_wait3A_192 = tpu.memref_slice %arg2[%dma_wait3A_189, %dma_wait3A_190, %dma_wait3A_191] : memref<100x8x768xf32, #tpu.memory_space<hbm>> -> memref<100x4x768xf32, #tpu.memory_space<hbm>>
    tpu.wait_indirect_dma semaphore(%arg10 : memref<!tpu.dma_semaphore, #tpu.memory_space<semaphore_mem>>) src(%dma_wait3A_192 : memref<100x4x768xf32, #tpu.memory_space<hbm>>) dst(%dma_wait3A_186 : memref<8x4x768xf32, #tpu.memory_space<vmem>>)
    %add3A_193 = arith.constant 8 : i32
    %add3A_194 = arith.addi %mul3A_2, %add3A_193 : i32
    %dma_start3A_195 = arith.constant 2 : i32
    %dma_start3A_196 = arith.constant 0 : i32
    %dma_start3A_197 = arith.constant 0 : i32
    %dma_start3A_198 = arith.constant 0 : i32
    %dma_start3A_199 = tpu.memref_slice %arg7[%dma_start3A_195, %dma_start3A_196, %dma_start3A_197, %dma_start3A_198] : memref<5x8x4x768xf32, #tpu.memory_space<vmem>> -> memref<1x8x4x768xf32, #tpu.memory_space<vmem>>
    %dma_start3A_200 = tpu.memref_squeeze %dma_start3A_199 : memref<1x8x4x768xf32, #tpu.memory_space<vmem>> -> memref<8x4x768xf32, #tpu.memory_space<vmem>>
    %dma_start3A_201 = arith.constant 0 : i32
    %dma_start3A_202 = arith.constant 0 : i32
    %dma_start3A_203 = tpu.memref_slice %arg4[%add3A_194, %dma_start3A_201, %dma_start3A_202] : memref<4096x4x768xf32, #tpu.memory_space<hbm>> -> memref<8x4x768xf32, #tpu.memory_space<hbm>>
    %dma_start3A_204 = arith.constant 0 : i32
    %dma_start3A_205 = arith.constant 0 : i32
    %dma_start3A_206 = tpu.memref_slice %arg4[%add3A_194, %dma_start3A_204, %dma_start3A_205] : memref<4096x4x768xf32, #tpu.memory_space<hbm>> -> memref<8x4x768xf32, #tpu.memory_space<hbm>>
    %dma_start3A_207 = arith.constant 0 : i32
    %dma_start3A_208 = arith.constant 0 : i32
    %dma_start3A_209 = arith.constant 0 : i32
    %dma_start3A_210 = tpu.memref_slice %arg7[%dma_start3A_195, %dma_start3A_207, %dma_start3A_208, %dma_start3A_209] : memref<5x8x4x768xf32, #tpu.memory_space<vmem>> -> memref<1x8x4x768xf32, #tpu.memory_space<vmem>>
    %dma_start3A_211 = tpu.memref_squeeze %dma_start3A_210 : memref<1x8x4x768xf32, #tpu.memory_space<vmem>> -> memref<8x4x768xf32, #tpu.memory_space<vmem>>
    tpu.enqueue_dma source(%dma_start3A_211 : memref<8x4x768xf32, #tpu.memory_space<vmem>>) target(%dma_start3A_206 : memref<8x4x768xf32, #tpu.memory_space<hbm>>) target_semaphore(%arg15 : memref<!tpu.dma_semaphore, #tpu.memory_space<semaphore_mem>>)
    %dma_wait3A_212 = arith.constant 2 : i32
    %dma_wait3A_213 = arith.constant 0 : i32
    %dma_wait3A_214 = arith.constant 0 : i32
    %dma_wait3A_215 = arith.constant 0 : i32
    %dma_wait3A_216 = tpu.memref_slice %arg7[%dma_wait3A_212, %dma_wait3A_213, %dma_wait3A_214, %dma_wait3A_215] : memref<5x8x4x768xf32, #tpu.memory_space<vmem>> -> memref<1x8x4x768xf32, #tpu.memory_space<vmem>>
    %dma_wait3A_217 = tpu.memref_squeeze %dma_wait3A_216 : memref<1x8x4x768xf32, #tpu.memory_space<vmem>> -> memref<8x4x768xf32, #tpu.memory_space<vmem>>
    %dma_wait3A_218 = arith.constant 0 : i32
    %dma_wait3A_219 = arith.constant 0 : i32
    %dma_wait3A_220 = tpu.memref_slice %arg4[%add3A_194, %dma_wait3A_218, %dma_wait3A_219] : memref<4096x4x768xf32, #tpu.memory_space<hbm>> -> memref<8x4x768xf32, #tpu.memory_space<hbm>>
    %dma_wait3A_221 = arith.constant 0 : i32
    %dma_wait3A_222 = arith.constant 0 : i32
    %dma_wait3A_223 = tpu.memref_slice %arg4[%add3A_194, %dma_wait3A_221, %dma_wait3A_222] : memref<4096x4x768xf32, #tpu.memory_space<hbm>> -> memref<8x4x768xf32, #tpu.memory_space<hbm>>
    %dma_wait3A_224 = arith.constant 0 : i32
    %dma_wait3A_225 = arith.constant 0 : i32
    %dma_wait3A_226 = arith.constant 0 : i32
    %dma_wait3A_227 = tpu.memref_slice %arg7[%dma_wait3A_212, %dma_wait3A_224, %dma_wait3A_225, %dma_wait3A_226] : memref<5x8x4x768xf32, #tpu.memory_space<vmem>> -> memref<1x8x4x768xf32, #tpu.memory_space<vmem>>
    %dma_wait3A_228 = tpu.memref_squeeze %dma_wait3A_227 : memref<1x8x4x768xf32, #tpu.memory_space<vmem>> -> memref<8x4x768xf32, #tpu.memory_space<vmem>>
    tpu.wait_dma2 semaphore(%arg15 : memref<!tpu.dma_semaphore, #tpu.memory_space<semaphore_mem>>) src(%dma_wait3A_228 : memref<8x4x768xf32, #tpu.memory_space<vmem>>) dst(%dma_wait3A_223 : memref<8x4x768xf32, #tpu.memory_space<hbm>>)
    %dma_start3A_229 = arith.constant 2 : i32
    %dma_start3A_230 = arith.constant 0 : i32
    %dma_start3A_231 = arith.constant 0 : i32
    %dma_start3A_232 = arith.constant 0 : i32
    %dma_start3A_233 = tpu.memref_slice %arg7[%dma_start3A_229, %dma_start3A_230, %dma_start3A_231, %dma_start3A_232] : memref<5x8x4x768xf32, #tpu.memory_space<vmem>> -> memref<1x8x4x768xf32, #tpu.memory_space<vmem>>
    %dma_start3A_234 = tpu.memref_squeeze %dma_start3A_233 : memref<1x8x4x768xf32, #tpu.memory_space<vmem>> -> memref<8x4x768xf32, #tpu.memory_space<vmem>>
    %dma_start3A_235 = arith.constant 24 : i32
    %dma_start3A_236 = tpu.memref_slice %arg6[%dma_start3A_235] : memref<128xi32, #tpu.memory_space<vmem>> -> memref<8xi32, #tpu.memory_space<vmem>>
    %dma_start3A_237 = arith.constant 0 : i32
    %dma_start3A_238 = arith.constant 4 : i32
    %dma_start3A_239 = arith.constant 0 : i32
    %dma_start3A_240 = tpu.memref_slice %arg2[%dma_start3A_237, %dma_start3A_238, %dma_start3A_239] : memref<100x8x768xf32, #tpu.memory_space<hbm>> -> memref<100x4x768xf32, #tpu.memory_space<hbm>>
    tpu.enqueue_indirect_dma source(%dma_start3A_240 : memref<100x4x768xf32, #tpu.memory_space<hbm>>) target(%dma_start3A_234 : memref<8x4x768xf32, #tpu.memory_space<vmem>>) offsets(%dma_start3A_236 : memref<8xi32, #tpu.memory_space<vmem>>) semaphore(%arg10 : memref<!tpu.dma_semaphore, #tpu.memory_space<semaphore_mem>>)
    %dma_wait3A_241 = arith.constant 3 : i32
    %dma_wait3A_242 = arith.constant 0 : i32
    %dma_wait3A_243 = arith.constant 0 : i32
    %dma_wait3A_244 = arith.constant 0 : i32
    %dma_wait3A_245 = tpu.memref_slice %arg7[%dma_wait3A_241, %dma_wait3A_242, %dma_wait3A_243, %dma_wait3A_244] : memref<5x8x4x768xf32, #tpu.memory_space<vmem>> -> memref<1x8x4x768xf32, #tpu.memory_space<vmem>>
    %dma_wait3A_246 = tpu.memref_squeeze %dma_wait3A_245 : memref<1x8x4x768xf32, #tpu.memory_space<vmem>> -> memref<8x4x768xf32, #tpu.memory_space<vmem>>
    %dma_wait3A_247 = arith.constant 8 : i32
    %dma_wait3A_248 = tpu.memref_slice %arg6[%dma_wait3A_247] : memref<128xi32, #tpu.memory_space<vmem>> -> memref<8xi32, #tpu.memory_space<vmem>>
    %dma_wait3A_249 = arith.constant 0 : i32
    %dma_wait3A_250 = arith.constant 4 : i32
    %dma_wait3A_251 = arith.constant 0 : i32
    %dma_wait3A_252 = tpu.memref_slice %arg2[%dma_wait3A_249, %dma_wait3A_250, %dma_wait3A_251] : memref<100x8x768xf32, #tpu.memory_space<hbm>> -> memref<100x4x768xf32, #tpu.memory_space<hbm>>
    tpu.wait_indirect_dma semaphore(%arg11 : memref<!tpu.dma_semaphore, #tpu.memory_space<semaphore_mem>>) src(%dma_wait3A_252 : memref<100x4x768xf32, #tpu.memory_space<hbm>>) dst(%dma_wait3A_246 : memref<8x4x768xf32, #tpu.memory_space<vmem>>)
    %add3A_253 = arith.constant 8 : i32
    %add3A_254 = arith.addi %mul3A_2, %add3A_253 : i32
    %dma_start3A_255 = arith.constant 3 : i32
    %dma_start3A_256 = arith.constant 0 : i32
    %dma_start3A_257 = arith.constant 0 : i32
    %dma_start3A_258 = arith.constant 0 : i32
    %dma_start3A_259 = tpu.memref_slice %arg7[%dma_start3A_255, %dma_start3A_256, %dma_start3A_257, %dma_start3A_258] : memref<5x8x4x768xf32, #tpu.memory_space<vmem>> -> memref<1x8x4x768xf32, #tpu.memory_space<vmem>>
    %dma_start3A_260 = tpu.memref_squeeze %dma_start3A_259 : memref<1x8x4x768xf32, #tpu.memory_space<vmem>> -> memref<8x4x768xf32, #tpu.memory_space<vmem>>
    %dma_start3A_261 = arith.constant 0 : i32
    %dma_start3A_262 = arith.constant 0 : i32
    %dma_start3A_263 = tpu.memref_slice %arg5[%add3A_254, %dma_start3A_261, %dma_start3A_262] : memref<4096x4x768xf32, #tpu.memory_space<hbm>> -> memref<8x4x768xf32, #tpu.memory_space<hbm>>
    %dma_start3A_264 = arith.constant 0 : i32
    %dma_start3A_265 = arith.constant 0 : i32
    %dma_start3A_266 = tpu.memref_slice %arg5[%add3A_254, %dma_start3A_264, %dma_start3A_265] : memref<4096x4x768xf32, #tpu.memory_space<hbm>> -> memref<8x4x768xf32, #tpu.memory_space<hbm>>
    %dma_start3A_267 = arith.constant 0 : i32
    %dma_start3A_268 = arith.constant 0 : i32
    %dma_start3A_269 = arith.constant 0 : i32
    %dma_start3A_270 = tpu.memref_slice %arg7[%dma_start3A_255, %dma_start3A_267, %dma_start3A_268, %dma_start3A_269] : memref<5x8x4x768xf32, #tpu.memory_space<vmem>> -> memref<1x8x4x768xf32, #tpu.memory_space<vmem>>
    %dma_start3A_271 = tpu.memref_squeeze %dma_start3A_270 : memref<1x8x4x768xf32, #tpu.memory_space<vmem>> -> memref<8x4x768xf32, #tpu.memory_space<vmem>>
    tpu.enqueue_dma source(%dma_start3A_271 : memref<8x4x768xf32, #tpu.memory_space<vmem>>) target(%dma_start3A_266 : memref<8x4x768xf32, #tpu.memory_space<hbm>>) target_semaphore(%arg16 : memref<!tpu.dma_semaphore, #tpu.memory_space<semaphore_mem>>)
    %dma_wait3A_272 = arith.constant 3 : i32
    %dma_wait3A_273 = arith.constant 0 : i32
    %dma_wait3A_274 = arith.constant 0 : i32
    %dma_wait3A_275 = arith.constant 0 : i32
    %dma_wait3A_276 = tpu.memref_slice %arg7[%dma_wait3A_272, %dma_wait3A_273, %dma_wait3A_274, %dma_wait3A_275] : memref<5x8x4x768xf32, #tpu.memory_space<vmem>> -> memref<1x8x4x768xf32, #tpu.memory_space<vmem>>
    %dma_wait3A_277 = tpu.memref_squeeze %dma_wait3A_276 : memref<1x8x4x768xf32, #tpu.memory_space<vmem>> -> memref<8x4x768xf32, #tpu.memory_space<vmem>>
    %dma_wait3A_278 = arith.constant 0 : i32
    %dma_wait3A_279 = arith.constant 0 : i32
    %dma_wait3A_280 = tpu.memref_slice %arg5[%add3A_254, %dma_wait3A_278, %dma_wait3A_279] : memref<4096x4x768xf32, #tpu.memory_space<hbm>> -> memref<8x4x768xf32, #tpu.memory_space<hbm>>
    %dma_wait3A_281 = arith.constant 0 : i32
    %dma_wait3A_282 = arith.constant 0 : i32
    %dma_wait3A_283 = tpu.memref_slice %arg5[%add3A_254, %dma_wait3A_281, %dma_wait3A_282] : memref<4096x4x768xf32, #tpu.memory_space<hbm>> -> memref<8x4x768xf32, #tpu.memory_space<hbm>>
    %dma_wait3A_284 = arith.constant 0 : i32
    %dma_wait3A_285 = arith.constant 0 : i32
    %dma_wait3A_286 = arith.constant 0 : i32
    %dma_wait3A_287 = tpu.memref_slice %arg7[%dma_wait3A_272, %dma_wait3A_284, %dma_wait3A_285, %dma_wait3A_286] : memref<5x8x4x768xf32, #tpu.memory_space<vmem>> -> memref<1x8x4x768xf32, #tpu.memory_space<vmem>>
    %dma_wait3A_288 = tpu.memref_squeeze %dma_wait3A_287 : memref<1x8x4x768xf32, #tpu.memory_space<vmem>> -> memref<8x4x768xf32, #tpu.memory_space<vmem>>
    tpu.wait_dma2 semaphore(%arg16 : memref<!tpu.dma_semaphore, #tpu.memory_space<semaphore_mem>>) src(%dma_wait3A_288 : memref<8x4x768xf32, #tpu.memory_space<vmem>>) dst(%dma_wait3A_283 : memref<8x4x768xf32, #tpu.memory_space<hbm>>)
    %dma_start3A_289 = arith.constant 3 : i32
    %dma_start3A_290 = arith.constant 0 : i32
    %dma_start3A_291 = arith.constant 0 : i32
    %dma_start3A_292 = arith.constant 0 : i32
    %dma_start3A_293 = tpu.memref_slice %arg7[%dma_start3A_289, %dma_start3A_290, %dma_start3A_291, %dma_start3A_292] : memref<5x8x4x768xf32, #tpu.memory_space<vmem>> -> memref<1x8x4x768xf32, #tpu.memory_space<vmem>>
    %dma_start3A_294 = tpu.memref_squeeze %dma_start3A_293 : memref<1x8x4x768xf32, #tpu.memory_space<vmem>> -> memref<8x4x768xf32, #tpu.memory_space<vmem>>
    %dma_start3A_295 = arith.constant 32 : i32
    %dma_start3A_296 = tpu.memref_slice %arg6[%dma_start3A_295] : memref<128xi32, #tpu.memory_space<vmem>> -> memref<8xi32, #tpu.memory_space<vmem>>
    %dma_start3A_297 = arith.constant 0 : i32
    %dma_start3A_298 = arith.constant 0 : i32
    %dma_start3A_299 = arith.constant 0 : i32
    %dma_start3A_300 = tpu.memref_slice %arg2[%dma_start3A_297, %dma_start3A_298, %dma_start3A_299] : memref<100x8x768xf32, #tpu.memory_space<hbm>> -> memref<100x4x768xf32, #tpu.memory_space<hbm>>
    tpu.enqueue_indirect_dma source(%dma_start3A_300 : memref<100x4x768xf32, #tpu.memory_space<hbm>>) target(%dma_start3A_294 : memref<8x4x768xf32, #tpu.memory_space<vmem>>) offsets(%dma_start3A_296 : memref<8xi32, #tpu.memory_space<vmem>>) semaphore(%arg11 : memref<!tpu.dma_semaphore, #tpu.memory_space<semaphore_mem>>)
    %dma_wait3A_301 = arith.constant 4 : i32
    %dma_wait3A_302 = arith.constant 0 : i32
    %dma_wait3A_303 = arith.constant 0 : i32
    %dma_wait3A_304 = arith.constant 0 : i32
    %dma_wait3A_305 = tpu.memref_slice %arg7[%dma_wait3A_301, %dma_wait3A_302, %dma_wait3A_303, %dma_wait3A_304] : memref<5x8x4x768xf32, #tpu.memory_space<vmem>> -> memref<1x8x4x768xf32, #tpu.memory_space<vmem>>
    %dma_wait3A_306 = tpu.memref_squeeze %dma_wait3A_305 : memref<1x8x4x768xf32, #tpu.memory_space<vmem>> -> memref<8x4x768xf32, #tpu.memory_space<vmem>>
    %dma_wait3A_307 = arith.constant 16 : i32
    %dma_wait3A_308 = tpu.memref_slice %arg6[%dma_wait3A_307] : memref<128xi32, #tpu.memory_space<vmem>> -> memref<8xi32, #tpu.memory_space<vmem>>
    %dma_wait3A_309 = arith.constant 0 : i32
    %dma_wait3A_310 = arith.constant 0 : i32
    %dma_wait3A_311 = arith.constant 0 : i32
    %dma_wait3A_312 = tpu.memref_slice %arg2[%dma_wait3A_309, %dma_wait3A_310, %dma_wait3A_311] : memref<100x8x768xf32, #tpu.memory_space<hbm>> -> memref<100x4x768xf32, #tpu.memory_space<hbm>>
    tpu.wait_indirect_dma semaphore(%arg12 : memref<!tpu.dma_semaphore, #tpu.memory_space<semaphore_mem>>) src(%dma_wait3A_312 : memref<100x4x768xf32, #tpu.memory_space<hbm>>) dst(%dma_wait3A_306 : memref<8x4x768xf32, #tpu.memory_space<vmem>>)
    %add3A_313 = arith.constant 16 : i32
    %add3A_314 = arith.addi %mul3A_2, %add3A_313 : i32
    %dma_start3A_315 = arith.constant 4 : i32
    %dma_start3A_316 = arith.constant 0 : i32
    %dma_start3A_317 = arith.constant 0 : i32
    %dma_start3A_318 = arith.constant 0 : i32
    %dma_start3A_319 = tpu.memref_slice %arg7[%dma_start3A_315, %dma_start3A_316, %dma_start3A_317, %dma_start3A_318] : memref<5x8x4x768xf32, #tpu.memory_space<vmem>> -> memref<1x8x4x768xf32, #tpu.memory_space<vmem>>
    %dma_start3A_320 = tpu.memref_squeeze %dma_start3A_319 : memref<1x8x4x768xf32, #tpu.memory_space<vmem>> -> memref<8x4x768xf32, #tpu.memory_space<vmem>>
    %dma_start3A_321 = arith.constant 0 : i32
    %dma_start3A_322 = arith.constant 0 : i32
    %dma_start3A_323 = tpu.memref_slice %arg4[%add3A_314, %dma_start3A_321, %dma_start3A_322] : memref<4096x4x768xf32, #tpu.memory_space<hbm>> -> memref<8x4x768xf32, #tpu.memory_space<hbm>>
    %dma_start3A_324 = arith.constant 0 : i32
    %dma_start3A_325 = arith.constant 0 : i32
    %dma_start3A_326 = tpu.memref_slice %arg4[%add3A_314, %dma_start3A_324, %dma_start3A_325] : memref<4096x4x768xf32, #tpu.memory_space<hbm>> -> memref<8x4x768xf32, #tpu.memory_space<hbm>>
    %dma_start3A_327 = arith.constant 0 : i32
    %dma_start3A_328 = arith.constant 0 : i32
    %dma_start3A_329 = arith.constant 0 : i32
    %dma_start3A_330 = tpu.memref_slice %arg7[%dma_start3A_315, %dma_start3A_327, %dma_start3A_328, %dma_start3A_329] : memref<5x8x4x768xf32, #tpu.memory_space<vmem>> -> memref<1x8x4x768xf32, #tpu.memory_space<vmem>>
    %dma_start3A_331 = tpu.memref_squeeze %dma_start3A_330 : memref<1x8x4x768xf32, #tpu.memory_space<vmem>> -> memref<8x4x768xf32, #tpu.memory_space<vmem>>
    tpu.enqueue_dma source(%dma_start3A_331 : memref<8x4x768xf32, #tpu.memory_space<vmem>>) target(%dma_start3A_326 : memref<8x4x768xf32, #tpu.memory_space<hbm>>) target_semaphore(%arg17 : memref<!tpu.dma_semaphore, #tpu.memory_space<semaphore_mem>>)
    %dma_wait3A_332 = arith.constant 4 : i32
    %dma_wait3A_333 = arith.constant 0 : i32
    %dma_wait3A_334 = arith.constant 0 : i32
    %dma_wait3A_335 = arith.constant 0 : i32
    %dma_wait3A_336 = tpu.memref_slice %arg7[%dma_wait3A_332, %dma_wait3A_333, %dma_wait3A_334, %dma_wait3A_335] : memref<5x8x4x768xf32, #tpu.memory_space<vmem>> -> memref<1x8x4x768xf32, #tpu.memory_space<vmem>>
    %dma_wait3A_337 = tpu.memref_squeeze %dma_wait3A_336 : memref<1x8x4x768xf32, #tpu.memory_space<vmem>> -> memref<8x4x768xf32, #tpu.memory_space<vmem>>
    %dma_wait3A_338 = arith.constant 0 : i32
    %dma_wait3A_339 = arith.constant 0 : i32
    %dma_wait3A_340 = tpu.memref_slice %arg4[%add3A_314, %dma_wait3A_338, %dma_wait3A_339] : memref<4096x4x768xf32, #tpu.memory_space<hbm>> -> memref<8x4x768xf32, #tpu.memory_space<hbm>>
    %dma_wait3A_341 = arith.constant 0 : i32
    %dma_wait3A_342 = arith.constant 0 : i32
    %dma_wait3A_343 = tpu.memref_slice %arg4[%add3A_314, %dma_wait3A_341, %dma_wait3A_342] : memref<4096x4x768xf32, #tpu.memory_space<hbm>> -> memref<8x4x768xf32, #tpu.memory_space<hbm>>
    %dma_wait3A_344 = arith.constant 0 : i32
    %dma_wait3A_345 = arith.constant 0 : i32
    %dma_wait3A_346 = arith.constant 0 : i32
    %dma_wait3A_347 = tpu.memref_slice %arg7[%dma_wait3A_332, %dma_wait3A_344, %dma_wait3A_345, %dma_wait3A_346] : memref<5x8x4x768xf32, #tpu.memory_space<vmem>> -> memref<1x8x4x768xf32, #tpu.memory_space<vmem>>
    %dma_wait3A_348 = tpu.memref_squeeze %dma_wait3A_347 : memref<1x8x4x768xf32, #tpu.memory_space<vmem>> -> memref<8x4x768xf32, #tpu.memory_space<vmem>>
    tpu.wait_dma2 semaphore(%arg17 : memref<!tpu.dma_semaphore, #tpu.memory_space<semaphore_mem>>) src(%dma_wait3A_348 : memref<8x4x768xf32, #tpu.memory_space<vmem>>) dst(%dma_wait3A_343 : memref<8x4x768xf32, #tpu.memory_space<hbm>>)
    %dma_start3A_349 = arith.constant 4 : i32
    %dma_start3A_350 = arith.constant 0 : i32
    %dma_start3A_351 = arith.constant 0 : i32
    %dma_start3A_352 = arith.constant 0 : i32
    %dma_start3A_353 = tpu.memref_slice %arg7[%dma_start3A_349, %dma_start3A_350, %dma_start3A_351, %dma_start3A_352] : memref<5x8x4x768xf32, #tpu.memory_space<vmem>> -> memref<1x8x4x768xf32, #tpu.memory_space<vmem>>
    %dma_start3A_354 = tpu.memref_squeeze %dma_start3A_353 : memref<1x8x4x768xf32, #tpu.memory_space<vmem>> -> memref<8x4x768xf32, #tpu.memory_space<vmem>>
    %dma_start3A_355 = arith.constant 32 : i32
    %dma_start3A_356 = tpu.memref_slice %arg6[%dma_start3A_355] : memref<128xi32, #tpu.memory_space<vmem>> -> memref<8xi32, #tpu.memory_space<vmem>>
    %dma_start3A_357 = arith.constant 0 : i32
    %dma_start3A_358 = arith.constant 4 : i32
    %dma_start3A_359 = arith.constant 0 : i32
    %dma_start3A_360 = tpu.memref_slice %arg2[%dma_start3A_357, %dma_start3A_358, %dma_start3A_359] : memref<100x8x768xf32, #tpu.memory_space<hbm>> -> memref<100x4x768xf32, #tpu.memory_space<hbm>>
    tpu.enqueue_indirect_dma source(%dma_start3A_360 : memref<100x4x768xf32, #tpu.memory_space<hbm>>) target(%dma_start3A_354 : memref<8x4x768xf32, #tpu.memory_space<vmem>>) offsets(%dma_start3A_356 : memref<8xi32, #tpu.memory_space<vmem>>) semaphore(%arg12 : memref<!tpu.dma_semaphore, #tpu.memory_space<semaphore_mem>>)
    %dma_wait3A_361 = arith.constant 0 : i32
    %dma_wait3A_362 = arith.constant 0 : i32
    %dma_wait3A_363 = arith.constant 0 : i32
    %dma_wait3A_364 = arith.constant 0 : i32
    %dma_wait3A_365 = tpu.memref_slice %arg7[%dma_wait3A_361, %dma_wait3A_362, %dma_wait3A_363, %dma_wait3A_364] : memref<5x8x4x768xf32, #tpu.memory_space<vmem>> -> memref<1x8x4x768xf32, #tpu.memory_space<vmem>>
    %dma_wait3A_366 = tpu.memref_squeeze %dma_wait3A_365 : memref<1x8x4x768xf32, #tpu.memory_space<vmem>> -> memref<8x4x768xf32, #tpu.memory_space<vmem>>
    %dma_wait3A_367 = arith.constant 16 : i32
    %dma_wait3A_368 = tpu.memref_slice %arg6[%dma_wait3A_367] : memref<128xi32, #tpu.memory_space<vmem>> -> memref<8xi32, #tpu.memory_space<vmem>>
    %dma_wait3A_369 = arith.constant 0 : i32
    %dma_wait3A_370 = arith.constant 4 : i32
    %dma_wait3A_371 = arith.constant 0 : i32
    %dma_wait3A_372 = tpu.memref_slice %arg2[%dma_wait3A_369, %dma_wait3A_370, %dma_wait3A_371] : memref<100x8x768xf32, #tpu.memory_space<hbm>> -> memref<100x4x768xf32, #tpu.memory_space<hbm>>
    tpu.wait_indirect_dma semaphore(%arg8 : memref<!tpu.dma_semaphore, #tpu.memory_space<semaphore_mem>>) src(%dma_wait3A_372 : memref<100x4x768xf32, #tpu.memory_space<hbm>>) dst(%dma_wait3A_366 : memref<8x4x768xf32, #tpu.memory_space<vmem>>)
    %add3A_373 = arith.constant 16 : i32
    %add3A_374 = arith.addi %mul3A_2, %add3A_373 : i32
    %dma_start3A_375 = arith.constant 0 : i32
    %dma_start3A_376 = arith.constant 0 : i32
    %dma_start3A_377 = arith.constant 0 : i32
    %dma_start3A_378 = arith.constant 0 : i32
    %dma_start3A_379 = tpu.memref_slice %arg7[%dma_start3A_375, %dma_start3A_376, %dma_start3A_377, %dma_start3A_378] : memref<5x8x4x768xf32, #tpu.memory_space<vmem>> -> memref<1x8x4x768xf32, #tpu.memory_space<vmem>>
    %dma_start3A_380 = tpu.memref_squeeze %dma_start3A_379 : memref<1x8x4x768xf32, #tpu.memory_space<vmem>> -> memref<8x4x768xf32, #tpu.memory_space<vmem>>
    %dma_start3A_381 = arith.constant 0 : i32
    %dma_start3A_382 = arith.constant 0 : i32
    %dma_start3A_383 = tpu.memref_slice %arg5[%add3A_374, %dma_start3A_381, %dma_start3A_382] : memref<4096x4x768xf32, #tpu.memory_space<hbm>> -> memref<8x4x768xf32, #tpu.memory_space<hbm>>
    %dma_start3A_384 = arith.constant 0 : i32
    %dma_start3A_385 = arith.constant 0 : i32
    %dma_start3A_386 = tpu.memref_slice %arg5[%add3A_374, %dma_start3A_384, %dma_start3A_385] : memref<4096x4x768xf32, #tpu.memory_space<hbm>> -> memref<8x4x768xf32, #tpu.memory_space<hbm>>
    %dma_start3A_387 = arith.constant 0 : i32
    %dma_start3A_388 = arith.constant 0 : i32
    %dma_start3A_389 = arith.constant 0 : i32
    %dma_start3A_390 = tpu.memref_slice %arg7[%dma_start3A_375, %dma_start3A_387, %dma_start3A_388, %dma_start3A_389] : memref<5x8x4x768xf32, #tpu.memory_space<vmem>> -> memref<1x8x4x768xf32, #tpu.memory_space<vmem>>
    %dma_start3A_391 = tpu.memref_squeeze %dma_start3A_390 : memref<1x8x4x768xf32, #tpu.memory_space<vmem>> -> memref<8x4x768xf32, #tpu.memory_space<vmem>>
    tpu.enqueue_dma source(%dma_start3A_391 : memref<8x4x768xf32, #tpu.memory_space<vmem>>) target(%dma_start3A_386 : memref<8x4x768xf32, #tpu.memory_space<hbm>>) target_semaphore(%arg13 : memref<!tpu.dma_semaphore, #tpu.memory_space<semaphore_mem>>)
    %dma_wait3A_392 = arith.constant 0 : i32
    %dma_wait3A_393 = arith.constant 0 : i32
    %dma_wait3A_394 = arith.constant 0 : i32
    %dma_wait3A_395 = arith.constant 0 : i32
    %dma_wait3A_396 = tpu.memref_slice %arg7[%dma_wait3A_392, %dma_wait3A_393, %dma_wait3A_394, %dma_wait3A_395] : memref<5x8x4x768xf32, #tpu.memory_space<vmem>> -> memref<1x8x4x768xf32, #tpu.memory_space<vmem>>
    %dma_wait3A_397 = tpu.memref_squeeze %dma_wait3A_396 : memref<1x8x4x768xf32, #tpu.memory_space<vmem>> -> memref<8x4x768xf32, #tpu.memory_space<vmem>>
    %dma_wait3A_398 = arith.constant 0 : i32
    %dma_wait3A_399 = arith.constant 0 : i32
    %dma_wait3A_400 = tpu.memref_slice %arg5[%add3A_374, %dma_wait3A_398, %dma_wait3A_399] : memref<4096x4x768xf32, #tpu.memory_space<hbm>> -> memref<8x4x768xf32, #tpu.memory_space<hbm>>
    %dma_wait3A_401 = arith.constant 0 : i32
    %dma_wait3A_402 = arith.constant 0 : i32
    %dma_wait3A_403 = tpu.memref_slice %arg5[%add3A_374, %dma_wait3A_401, %dma_wait3A_402] : memref<4096x4x768xf32, #tpu.memory_space<hbm>> -> memref<8x4x768xf32, #tpu.memory_space<hbm>>
    %dma_wait3A_404 = arith.constant 0 : i32
    %dma_wait3A_405 = arith.constant 0 : i32
    %dma_wait3A_406 = arith.constant 0 : i32
    %dma_wait3A_407 = tpu.memref_slice %arg7[%dma_wait3A_392, %dma_wait3A_404, %dma_wait3A_405, %dma_wait3A_406] : memref<5x8x4x768xf32, #tpu.memory_space<vmem>> -> memref<1x8x4x768xf32, #tpu.memory_space<vmem>>
    %dma_wait3A_408 = tpu.memref_squeeze %dma_wait3A_407 : memref<1x8x4x768xf32, #tpu.memory_space<vmem>> -> memref<8x4x768xf32, #tpu.memory_space<vmem>>
    tpu.wait_dma2 semaphore(%arg13 : memref<!tpu.dma_semaphore, #tpu.memory_space<semaphore_mem>>) src(%dma_wait3A_408 : memref<8x4x768xf32, #tpu.memory_space<vmem>>) dst(%dma_wait3A_403 : memref<8x4x768xf32, #tpu.memory_space<hbm>>)
    %dma_start3A_409 = arith.constant 0 : i32
    %dma_start3A_410 = arith.constant 0 : i32
    %dma_start3A_411 = arith.constant 0 : i32
    %dma_start3A_412 = arith.constant 0 : i32
    %dma_start3A_413 = tpu.memref_slice %arg7[%dma_start3A_409, %dma_start3A_410, %dma_start3A_411, %dma_start3A_412] : memref<5x8x4x768xf32, #tpu.memory_space<vmem>> -> memref<1x8x4x768xf32, #tpu.memory_space<vmem>>
    %dma_start3A_414 = tpu.memref_squeeze %dma_start3A_413 : memref<1x8x4x768xf32, #tpu.memory_space<vmem>> -> memref<8x4x768xf32, #tpu.memory_space<vmem>>
    %dma_start3A_415 = arith.constant 40 : i32
    %dma_start3A_416 = tpu.memref_slice %arg6[%dma_start3A_415] : memref<128xi32, #tpu.memory_space<vmem>> -> memref<8xi32, #tpu.memory_space<vmem>>
    %dma_start3A_417 = arith.constant 0 : i32
    %dma_start3A_418 = arith.constant 0 : i32
    %dma_start3A_419 = arith.constant 0 : i32
    %dma_start3A_420 = tpu.memref_slice %arg2[%dma_start3A_417, %dma_start3A_418, %dma_start3A_419] : memref<100x8x768xf32, #tpu.memory_space<hbm>> -> memref<100x4x768xf32, #tpu.memory_space<hbm>>
    tpu.enqueue_indirect_dma source(%dma_start3A_420 : memref<100x4x768xf32, #tpu.memory_space<hbm>>) target(%dma_start3A_414 : memref<8x4x768xf32, #tpu.memory_space<vmem>>) offsets(%dma_start3A_416 : memref<8xi32, #tpu.memory_space<vmem>>) semaphore(%arg8 : memref<!tpu.dma_semaphore, #tpu.memory_space<semaphore_mem>>)
    %dma_wait3A_421 = arith.constant 1 : i32
    %dma_wait3A_422 = arith.constant 0 : i32
    %dma_wait3A_423 = arith.constant 0 : i32
    %dma_wait3A_424 = arith.constant 0 : i32
    %dma_wait3A_425 = tpu.memref_slice %arg7[%dma_wait3A_421, %dma_wait3A_422, %dma_wait3A_423, %dma_wait3A_424] : memref<5x8x4x768xf32, #tpu.memory_space<vmem>> -> memref<1x8x4x768xf32, #tpu.memory_space<vmem>>
    %dma_wait3A_426 = tpu.memref_squeeze %dma_wait3A_425 : memref<1x8x4x768xf32, #tpu.memory_space<vmem>> -> memref<8x4x768xf32, #tpu.memory_space<vmem>>
    %dma_wait3A_427 = arith.constant 24 : i32
    %dma_wait3A_428 = tpu.memref_slice %arg6[%dma_wait3A_427] : memref<128xi32, #tpu.memory_space<vmem>> -> memref<8xi32, #tpu.memory_space<vmem>>
    %dma_wait3A_429 = arith.constant 0 : i32
    %dma_wait3A_430 = arith.constant 0 : i32
    %dma_wait3A_431 = arith.constant 0 : i32
    %dma_wait3A_432 = tpu.memref_slice %arg2[%dma_wait3A_429, %dma_wait3A_430, %dma_wait3A_431] : memref<100x8x768xf32, #tpu.memory_space<hbm>> -> memref<100x4x768xf32, #tpu.memory_space<hbm>>
    tpu.wait_indirect_dma semaphore(%arg9 : memref<!tpu.dma_semaphore, #tpu.memory_space<semaphore_mem>>) src(%dma_wait3A_432 : memref<100x4x768xf32, #tpu.memory_space<hbm>>) dst(%dma_wait3A_426 : memref<8x4x768xf32, #tpu.memory_space<vmem>>)
    %add3A_433 = arith.constant 24 : i32
    %add3A_434 = arith.addi %mul3A_2, %add3A_433 : i32
    %dma_start3A_435 = arith.constant 1 : i32
    %dma_start3A_436 = arith.constant 0 : i32
    %dma_start3A_437 = arith.constant 0 : i32
    %dma_start3A_438 = arith.constant 0 : i32
    %dma_start3A_439 = tpu.memref_slice %arg7[%dma_start3A_435, %dma_start3A_436, %dma_start3A_437, %dma_start3A_438] : memref<5x8x4x768xf32, #tpu.memory_space<vmem>> -> memref<1x8x4x768xf32, #tpu.memory_space<vmem>>
    %dma_start3A_440 = tpu.memref_squeeze %dma_start3A_439 : memref<1x8x4x768xf32, #tpu.memory_space<vmem>> -> memref<8x4x768xf32, #tpu.memory_space<vmem>>
    %dma_start3A_441 = arith.constant 0 : i32
    %dma_start3A_442 = arith.constant 0 : i32
    %dma_start3A_443 = tpu.memref_slice %arg4[%add3A_434, %dma_start3A_441, %dma_start3A_442] : memref<4096x4x768xf32, #tpu.memory_space<hbm>> -> memref<8x4x768xf32, #tpu.memory_space<hbm>>
    %dma_start3A_444 = arith.constant 0 : i32
    %dma_start3A_445 = arith.constant 0 : i32
    %dma_start3A_446 = tpu.memref_slice %arg4[%add3A_434, %dma_start3A_444, %dma_start3A_445] : memref<4096x4x768xf32, #tpu.memory_space<hbm>> -> memref<8x4x768xf32, #tpu.memory_space<hbm>>
    %dma_start3A_447 = arith.constant 0 : i32
    %dma_start3A_448 = arith.constant 0 : i32
    %dma_start3A_449 = arith.constant 0 : i32
    %dma_start3A_450 = tpu.memref_slice %arg7[%dma_start3A_435, %dma_start3A_447, %dma_start3A_448, %dma_start3A_449] : memref<5x8x4x768xf32, #tpu.memory_space<vmem>> -> memref<1x8x4x768xf32, #tpu.memory_space<vmem>>
    %dma_start3A_451 = tpu.memref_squeeze %dma_start3A_450 : memref<1x8x4x768xf32, #tpu.memory_space<vmem>> -> memref<8x4x768xf32, #tpu.memory_space<vmem>>
    tpu.enqueue_dma source(%dma_start3A_451 : memref<8x4x768xf32, #tpu.memory_space<vmem>>) target(%dma_start3A_446 : memref<8x4x768xf32, #tpu.memory_space<hbm>>) target_semaphore(%arg14 : memref<!tpu.dma_semaphore, #tpu.memory_space<semaphore_mem>>)
    %dma_wait3A_452 = arith.constant 1 : i32
    %dma_wait3A_453 = arith.constant 0 : i32
    %dma_wait3A_454 = arith.constant 0 : i32
    %dma_wait3A_455 = arith.constant 0 : i32
    %dma_wait3A_456 = tpu.memref_slice %arg7[%dma_wait3A_452, %dma_wait3A_453, %dma_wait3A_454, %dma_wait3A_455] : memref<5x8x4x768xf32, #tpu.memory_space<vmem>> -> memref<1x8x4x768xf32, #tpu.memory_space<vmem>>
    %dma_wait3A_457 = tpu.memref_squeeze %dma_wait3A_456 : memref<1x8x4x768xf32, #tpu.memory_space<vmem>> -> memref<8x4x768xf32, #tpu.memory_space<vmem>>
    %dma_wait3A_458 = arith.constant 0 : i32
    %dma_wait3A_459 = arith.constant 0 : i32
    %dma_wait3A_460 = tpu.memref_slice %arg4[%add3A_434, %dma_wait3A_458, %dma_wait3A_459] : memref<4096x4x768xf32, #tpu.memory_space<hbm>> -> memref<8x4x768xf32, #tpu.memory_space<hbm>>
    %dma_wait3A_461 = arith.constant 0 : i32
    %dma_wait3A_462 = arith.constant 0 : i32
    %dma_wait3A_463 = tpu.memref_slice %arg4[%add3A_434, %dma_wait3A_461, %dma_wait3A_462] : memref<4096x4x768xf32, #tpu.memory_space<hbm>> -> memref<8x4x768xf32, #tpu.memory_space<hbm>>
    %dma_wait3A_464 = arith.constant 0 : i32
    %dma_wait3A_465 = arith.constant 0 : i32
    %dma_wait3A_466 = arith.constant 0 : i32
    %dma_wait3A_467 = tpu.memref_slice %arg7[%dma_wait3A_452, %dma_wait3A_464, %dma_wait3A_465, %dma_wait3A_466] : memref<5x8x4x768xf32, #tpu.memory_space<vmem>> -> memref<1x8x4x768xf32, #tpu.memory_space<vmem>>
    %dma_wait3A_468 = tpu.memref_squeeze %dma_wait3A_467 : memref<1x8x4x768xf32, #tpu.memory_space<vmem>> -> memref<8x4x768xf32, #tpu.memory_space<vmem>>
    tpu.wait_dma2 semaphore(%arg14 : memref<!tpu.dma_semaphore, #tpu.memory_space<semaphore_mem>>) src(%dma_wait3A_468 : memref<8x4x768xf32, #tpu.memory_space<vmem>>) dst(%dma_wait3A_463 : memref<8x4x768xf32, #tpu.memory_space<hbm>>)
    %dma_start3A_469 = arith.constant 1 : i32
    %dma_start3A_470 = arith.constant 0 : i32
    %dma_start3A_471 = arith.constant 0 : i32
    %dma_start3A_472 = arith.constant 0 : i32
    %dma_start3A_473 = tpu.memref_slice %arg7[%dma_start3A_469, %dma_start3A_470, %dma_start3A_471, %dma_start3A_472] : memref<5x8x4x768xf32, #tpu.memory_space<vmem>> -> memref<1x8x4x768xf32, #tpu.memory_space<vmem>>
    %dma_start3A_474 = tpu.memref_squeeze %dma_start3A_473 : memref<1x8x4x768xf32, #tpu.memory_space<vmem>> -> memref<8x4x768xf32, #tpu.memory_space<vmem>>
    %dma_start3A_475 = arith.constant 40 : i32
    %dma_start3A_476 = tpu.memref_slice %arg6[%dma_start3A_475] : memref<128xi32, #tpu.memory_space<vmem>> -> memref<8xi32, #tpu.memory_space<vmem>>
    %dma_start3A_477 = arith.constant 0 : i32
    %dma_start3A_478 = arith.constant 4 : i32
    %dma_start3A_479 = arith.constant 0 : i32
    %dma_start3A_480 = tpu.memref_slice %arg2[%dma_start3A_477, %dma_start3A_478, %dma_start3A_479] : memref<100x8x768xf32, #tpu.memory_space<hbm>> -> memref<100x4x768xf32, #tpu.memory_space<hbm>>
    tpu.enqueue_indirect_dma source(%dma_start3A_480 : memref<100x4x768xf32, #tpu.memory_space<hbm>>) target(%dma_start3A_474 : memref<8x4x768xf32, #tpu.memory_space<vmem>>) offsets(%dma_start3A_476 : memref<8xi32, #tpu.memory_space<vmem>>) semaphore(%arg9 : memref<!tpu.dma_semaphore, #tpu.memory_space<semaphore_mem>>)
    %dma_wait3A_481 = arith.constant 2 : i32
    %dma_wait3A_482 = arith.constant 0 : i32
    %dma_wait3A_483 = arith.constant 0 : i32
    %dma_wait3A_484 = arith.constant 0 : i32
    %dma_wait3A_485 = tpu.memref_slice %arg7[%dma_wait3A_481, %dma_wait3A_482, %dma_wait3A_483, %dma_wait3A_484] : memref<5x8x4x768xf32, #tpu.memory_space<vmem>> -> memref<1x8x4x768xf32, #tpu.memory_space<vmem>>
    %dma_wait3A_486 = tpu.memref_squeeze %dma_wait3A_485 : memref<1x8x4x768xf32, #tpu.memory_space<vmem>> -> memref<8x4x768xf32, #tpu.memory_space<vmem>>
    %dma_wait3A_487 = arith.constant 24 : i32
    %dma_wait3A_488 = tpu.memref_slice %arg6[%dma_wait3A_487] : memref<128xi32, #tpu.memory_space<vmem>> -> memref<8xi32, #tpu.memory_space<vmem>>
    %dma_wait3A_489 = arith.constant 0 : i32
    %dma_wait3A_490 = arith.constant 4 : i32
    %dma_wait3A_491 = arith.constant 0 : i32
    %dma_wait3A_492 = tpu.memref_slice %arg2[%dma_wait3A_489, %dma_wait3A_490, %dma_wait3A_491] : memref<100x8x768xf32, #tpu.memory_space<hbm>> -> memref<100x4x768xf32, #tpu.memory_space<hbm>>
    tpu.wait_indirect_dma semaphore(%arg10 : memref<!tpu.dma_semaphore, #tpu.memory_space<semaphore_mem>>) src(%dma_wait3A_492 : memref<100x4x768xf32, #tpu.memory_space<hbm>>) dst(%dma_wait3A_486 : memref<8x4x768xf32, #tpu.memory_space<vmem>>)
    %add3A_493 = arith.constant 24 : i32
    %add3A_494 = arith.addi %mul3A_2, %add3A_493 : i32
    %dma_start3A_495 = arith.constant 2 : i32
    %dma_start3A_496 = arith.constant 0 : i32
    %dma_start3A_497 = arith.constant 0 : i32
    %dma_start3A_498 = arith.constant 0 : i32
    %dma_start3A_499 = tpu.memref_slice %arg7[%dma_start3A_495, %dma_start3A_496, %dma_start3A_497, %dma_start3A_498] : memref<5x8x4x768xf32, #tpu.memory_space<vmem>> -> memref<1x8x4x768xf32, #tpu.memory_space<vmem>>
    %dma_start3A_500 = tpu.memref_squeeze %dma_start3A_499 : memref<1x8x4x768xf32, #tpu.memory_space<vmem>> -> memref<8x4x768xf32, #tpu.memory_space<vmem>>
    %dma_start3A_501 = arith.constant 0 : i32
    %dma_start3A_502 = arith.constant 0 : i32
    %dma_start3A_503 = tpu.memref_slice %arg5[%add3A_494, %dma_start3A_501, %dma_start3A_502] : memref<4096x4x768xf32, #tpu.memory_space<hbm>> -> memref<8x4x768xf32, #tpu.memory_space<hbm>>
    %dma_start3A_504 = arith.constant 0 : i32
    %dma_start3A_505 = arith.constant 0 : i32
    %dma_start3A_506 = tpu.memref_slice %arg5[%add3A_494, %dma_start3A_504, %dma_start3A_505] : memref<4096x4x768xf32, #tpu.memory_space<hbm>> -> memref<8x4x768xf32, #tpu.memory_space<hbm>>
    %dma_start3A_507 = arith.constant 0 : i32
    %dma_start3A_508 = arith.constant 0 : i32
    %dma_start3A_509 = arith.constant 0 : i32
    %dma_start3A_510 = tpu.memref_slice %arg7[%dma_start3A_495, %dma_start3A_507, %dma_start3A_508, %dma_start3A_509] : memref<5x8x4x768xf32, #tpu.memory_space<vmem>> -> memref<1x8x4x768xf32, #tpu.memory_space<vmem>>
    %dma_start3A_511 = tpu.memref_squeeze %dma_start3A_510 : memref<1x8x4x768xf32, #tpu.memory_space<vmem>> -> memref<8x4x768xf32, #tpu.memory_space<vmem>>
    tpu.enqueue_dma source(%dma_start3A_511 : memref<8x4x768xf32, #tpu.memory_space<vmem>>) target(%dma_start3A_506 : memref<8x4x768xf32, #tpu.memory_space<hbm>>) target_semaphore(%arg15 : memref<!tpu.dma_semaphore, #tpu.memory_space<semaphore_mem>>)
    %dma_wait3A_512 = arith.constant 2 : i32
    %dma_wait3A_513 = arith.constant 0 : i32
    %dma_wait3A_514 = arith.constant 0 : i32
    %dma_wait3A_515 = arith.constant 0 : i32
    %dma_wait3A_516 = tpu.memref_slice %arg7[%dma_wait3A_512, %dma_wait3A_513, %dma_wait3A_514, %dma_wait3A_515] : memref<5x8x4x768xf32, #tpu.memory_space<vmem>> -> memref<1x8x4x768xf32, #tpu.memory_space<vmem>>
    %dma_wait3A_517 = tpu.memref_squeeze %dma_wait3A_516 : memref<1x8x4x768xf32, #tpu.memory_space<vmem>> -> memref<8x4x768xf32, #tpu.memory_space<vmem>>
    %dma_wait3A_518 = arith.constant 0 : i32
    %dma_wait3A_519 = arith.constant 0 : i32
    %dma_wait3A_520 = tpu.memref_slice %arg5[%add3A_494, %dma_wait3A_518, %dma_wait3A_519] : memref<4096x4x768xf32, #tpu.memory_space<hbm>> -> memref<8x4x768xf32, #tpu.memory_space<hbm>>
    %dma_wait3A_521 = arith.constant 0 : i32
    %dma_wait3A_522 = arith.constant 0 : i32
    %dma_wait3A_523 = tpu.memref_slice %arg5[%add3A_494, %dma_wait3A_521, %dma_wait3A_522] : memref<4096x4x768xf32, #tpu.memory_space<hbm>> -> memref<8x4x768xf32, #tpu.memory_space<hbm>>
    %dma_wait3A_524 = arith.constant 0 : i32
    %dma_wait3A_525 = arith.constant 0 : i32
    %dma_wait3A_526 = arith.constant 0 : i32
    %dma_wait3A_527 = tpu.memref_slice %arg7[%dma_wait3A_512, %dma_wait3A_524, %dma_wait3A_525, %dma_wait3A_526] : memref<5x8x4x768xf32, #tpu.memory_space<vmem>> -> memref<1x8x4x768xf32, #tpu.memory_space<vmem>>
    %dma_wait3A_528 = tpu.memref_squeeze %dma_wait3A_527 : memref<1x8x4x768xf32, #tpu.memory_space<vmem>> -> memref<8x4x768xf32, #tpu.memory_space<vmem>>
    tpu.wait_dma2 semaphore(%arg15 : memref<!tpu.dma_semaphore, #tpu.memory_space<semaphore_mem>>) src(%dma_wait3A_528 : memref<8x4x768xf32, #tpu.memory_space<vmem>>) dst(%dma_wait3A_523 : memref<8x4x768xf32, #tpu.memory_space<hbm>>)
    %dma_start3A_529 = arith.constant 2 : i32
    %dma_start3A_530 = arith.constant 0 : i32
    %dma_start3A_531 = arith.constant 0 : i32
    %dma_start3A_532 = arith.constant 0 : i32
    %dma_start3A_533 = tpu.memref_slice %arg7[%dma_start3A_529, %dma_start3A_530, %dma_start3A_531, %dma_start3A_532] : memref<5x8x4x768xf32, #tpu.memory_space<vmem>> -> memref<1x8x4x768xf32, #tpu.memory_space<vmem>>
    %dma_start3A_534 = tpu.memref_squeeze %dma_start3A_533 : memref<1x8x4x768xf32, #tpu.memory_space<vmem>> -> memref<8x4x768xf32, #tpu.memory_space<vmem>>
    %dma_start3A_535 = arith.constant 48 : i32
    %dma_start3A_536 = tpu.memref_slice %arg6[%dma_start3A_535] : memref<128xi32, #tpu.memory_space<vmem>> -> memref<8xi32, #tpu.memory_space<vmem>>
    %dma_start3A_537 = arith.constant 0 : i32
    %dma_start3A_538 = arith.constant 0 : i32
    %dma_start3A_539 = arith.constant 0 : i32
    %dma_start3A_540 = tpu.memref_slice %arg2[%dma_start3A_537, %dma_start3A_538, %dma_start3A_539] : memref<100x8x768xf32, #tpu.memory_space<hbm>> -> memref<100x4x768xf32, #tpu.memory_space<hbm>>
    tpu.enqueue_indirect_dma source(%dma_start3A_540 : memref<100x4x768xf32, #tpu.memory_space<hbm>>) target(%dma_start3A_534 : memref<8x4x768xf32, #tpu.memory_space<vmem>>) offsets(%dma_start3A_536 : memref<8xi32, #tpu.memory_space<vmem>>) semaphore(%arg10 : memref<!tpu.dma_semaphore, #tpu.memory_space<semaphore_mem>>)
    %dma_wait3A_541 = arith.constant 3 : i32
    %dma_wait3A_542 = arith.constant 0 : i32
    %dma_wait3A_543 = arith.constant 0 : i32
    %dma_wait3A_544 = arith.constant 0 : i32
    %dma_wait3A_545 = tpu.memref_slice %arg7[%dma_wait3A_541, %dma_wait3A_542, %dma_wait3A_543, %dma_wait3A_544] : memref<5x8x4x768xf32, #tpu.memory_space<vmem>> -> memref<1x8x4x768xf32, #tpu.memory_space<vmem>>
    %dma_wait3A_546 = tpu.memref_squeeze %dma_wait3A_545 : memref<1x8x4x768xf32, #tpu.memory_space<vmem>> -> memref<8x4x768xf32, #tpu.memory_space<vmem>>
    %dma_wait3A_547 = arith.constant 32 : i32
    %dma_wait3A_548 = tpu.memref_slice %arg6[%dma_wait3A_547] : memref<128xi32, #tpu.memory_space<vmem>> -> memref<8xi32, #tpu.memory_space<vmem>>
    %dma_wait3A_549 = arith.constant 0 : i32
    %dma_wait3A_550 = arith.constant 0 : i32
    %dma_wait3A_551 = arith.constant 0 : i32
    %dma_wait3A_552 = tpu.memref_slice %arg2[%dma_wait3A_549, %dma_wait3A_550, %dma_wait3A_551] : memref<100x8x768xf32, #tpu.memory_space<hbm>> -> memref<100x4x768xf32, #tpu.memory_space<hbm>>
    tpu.wait_indirect_dma semaphore(%arg11 : memref<!tpu.dma_semaphore, #tpu.memory_space<semaphore_mem>>) src(%dma_wait3A_552 : memref<100x4x768xf32, #tpu.memory_space<hbm>>) dst(%dma_wait3A_546 : memref<8x4x768xf32, #tpu.memory_space<vmem>>)
    %add3A_553 = arith.constant 32 : i32
    %add3A_554 = arith.addi %mul3A_2, %add3A_553 : i32
    %dma_start3A_555 = arith.constant 3 : i32
    %dma_start3A_556 = arith.constant 0 : i32
    %dma_start3A_557 = arith.constant 0 : i32
    %dma_start3A_558 = arith.constant 0 : i32
    %dma_start3A_559 = tpu.memref_slice %arg7[%dma_start3A_555, %dma_start3A_556, %dma_start3A_557, %dma_start3A_558] : memref<5x8x4x768xf32, #tpu.memory_space<vmem>> -> memref<1x8x4x768xf32, #tpu.memory_space<vmem>>
    %dma_start3A_560 = tpu.memref_squeeze %dma_start3A_559 : memref<1x8x4x768xf32, #tpu.memory_space<vmem>> -> memref<8x4x768xf32, #tpu.memory_space<vmem>>
    %dma_start3A_561 = arith.constant 0 : i32
    %dma_start3A_562 = arith.constant 0 : i32
    %dma_start3A_563 = tpu.memref_slice %arg4[%add3A_554, %dma_start3A_561, %dma_start3A_562] : memref<4096x4x768xf32, #tpu.memory_space<hbm>> -> memref<8x4x768xf32, #tpu.memory_space<hbm>>
    %dma_start3A_564 = arith.constant 0 : i32
    %dma_start3A_565 = arith.constant 0 : i32
    %dma_start3A_566 = tpu.memref_slice %arg4[%add3A_554, %dma_start3A_564, %dma_start3A_565] : memref<4096x4x768xf32, #tpu.memory_space<hbm>> -> memref<8x4x768xf32, #tpu.memory_space<hbm>>
    %dma_start3A_567 = arith.constant 0 : i32
    %dma_start3A_568 = arith.constant 0 : i32
    %dma_start3A_569 = arith.constant 0 : i32
    %dma_start3A_570 = tpu.memref_slice %arg7[%dma_start3A_555, %dma_start3A_567, %dma_start3A_568, %dma_start3A_569] : memref<5x8x4x768xf32, #tpu.memory_space<vmem>> -> memref<1x8x4x768xf32, #tpu.memory_space<vmem>>
    %dma_start3A_571 = tpu.memref_squeeze %dma_start3A_570 : memref<1x8x4x768xf32, #tpu.memory_space<vmem>> -> memref<8x4x768xf32, #tpu.memory_space<vmem>>
    tpu.enqueue_dma source(%dma_start3A_571 : memref<8x4x768xf32, #tpu.memory_space<vmem>>) target(%dma_start3A_566 : memref<8x4x768xf32, #tpu.memory_space<hbm>>) target_semaphore(%arg16 : memref<!tpu.dma_semaphore, #tpu.memory_space<semaphore_mem>>)
    %dma_wait3A_572 = arith.constant 3 : i32
    %dma_wait3A_573 = arith.constant 0 : i32
    %dma_wait3A_574 = arith.constant 0 : i32
    %dma_wait3A_575 = arith.constant 0 : i32
    %dma_wait3A_576 = tpu.memref_slice %arg7[%dma_wait3A_572, %dma_wait3A_573, %dma_wait3A_574, %dma_wait3A_575] : memref<5x8x4x768xf32, #tpu.memory_space<vmem>> -> memref<1x8x4x768xf32, #tpu.memory_space<vmem>>
    %dma_wait3A_577 = tpu.memref_squeeze %dma_wait3A_576 : memref<1x8x4x768xf32, #tpu.memory_space<vmem>> -> memref<8x4x768xf32, #tpu.memory_space<vmem>>
    %dma_wait3A_578 = arith.constant 0 : i32
    %dma_wait3A_579 = arith.constant 0 : i32
    %dma_wait3A_580 = tpu.memref_slice %arg4[%add3A_554, %dma_wait3A_578, %dma_wait3A_579] : memref<4096x4x768xf32, #tpu.memory_space<hbm>> -> memref<8x4x768xf32, #tpu.memory_space<hbm>>
    %dma_wait3A_581 = arith.constant 0 : i32
    %dma_wait3A_582 = arith.constant 0 : i32
    %dma_wait3A_583 = tpu.memref_slice %arg4[%add3A_554, %dma_wait3A_581, %dma_wait3A_582] : memref<4096x4x768xf32, #tpu.memory_space<hbm>> -> memref<8x4x768xf32, #tpu.memory_space<hbm>>
    %dma_wait3A_584 = arith.constant 0 : i32
    %dma_wait3A_585 = arith.constant 0 : i32
    %dma_wait3A_586 = arith.constant 0 : i32
    %dma_wait3A_587 = tpu.memref_slice %arg7[%dma_wait3A_572, %dma_wait3A_584, %dma_wait3A_585, %dma_wait3A_586] : memref<5x8x4x768xf32, #tpu.memory_space<vmem>> -> memref<1x8x4x768xf32, #tpu.memory_space<vmem>>
    %dma_wait3A_588 = tpu.memref_squeeze %dma_wait3A_587 : memref<1x8x4x768xf32, #tpu.memory_space<vmem>> -> memref<8x4x768xf32, #tpu.memory_space<vmem>>
    tpu.wait_dma2 semaphore(%arg16 : memref<!tpu.dma_semaphore, #tpu.memory_space<semaphore_mem>>) src(%dma_wait3A_588 : memref<8x4x768xf32, #tpu.memory_space<vmem>>) dst(%dma_wait3A_583 : memref<8x4x768xf32, #tpu.memory_space<hbm>>)
    %dma_start3A_589 = arith.constant 3 : i32
    %dma_start3A_590 = arith.constant 0 : i32
    %dma_start3A_591 = arith.constant 0 : i32
    %dma_start3A_592 = arith.constant 0 : i32
    %dma_start3A_593 = tpu.memref_slice %arg7[%dma_start3A_589, %dma_start3A_590, %dma_start3A_591, %dma_start3A_592] : memref<5x8x4x768xf32, #tpu.memory_space<vmem>> -> memref<1x8x4x768xf32, #tpu.memory_space<vmem>>
    %dma_start3A_594 = tpu.memref_squeeze %dma_start3A_593 : memref<1x8x4x768xf32, #tpu.memory_space<vmem>> -> memref<8x4x768xf32, #tpu.memory_space<vmem>>
    %dma_start3A_595 = arith.constant 48 : i32
    %dma_start3A_596 = tpu.memref_slice %arg6[%dma_start3A_595] : memref<128xi32, #tpu.memory_space<vmem>> -> memref<8xi32, #tpu.memory_space<vmem>>
    %dma_start3A_597 = arith.constant 0 : i32
    %dma_start3A_598 = arith.constant 4 : i32
    %dma_start3A_599 = arith.constant 0 : i32
    %dma_start3A_600 = tpu.memref_slice %arg2[%dma_start3A_597, %dma_start3A_598, %dma_start3A_599] : memref<100x8x768xf32, #tpu.memory_space<hbm>> -> memref<100x4x768xf32, #tpu.memory_space<hbm>>
    tpu.enqueue_indirect_dma source(%dma_start3A_600 : memref<100x4x768xf32, #tpu.memory_space<hbm>>) target(%dma_start3A_594 : memref<8x4x768xf32, #tpu.memory_space<vmem>>) offsets(%dma_start3A_596 : memref<8xi32, #tpu.memory_space<vmem>>) semaphore(%arg11 : memref<!tpu.dma_semaphore, #tpu.memory_space<semaphore_mem>>)
    %dma_wait3A_601 = arith.constant 4 : i32
    %dma_wait3A_602 = arith.constant 0 : i32
    %dma_wait3A_603 = arith.constant 0 : i32
    %dma_wait3A_604 = arith.constant 0 : i32
    %dma_wait3A_605 = tpu.memref_slice %arg7[%dma_wait3A_601, %dma_wait3A_602, %dma_wait3A_603, %dma_wait3A_604] : memref<5x8x4x768xf32, #tpu.memory_space<vmem>> -> memref<1x8x4x768xf32, #tpu.memory_space<vmem>>
    %dma_wait3A_606 = tpu.memref_squeeze %dma_wait3A_605 : memref<1x8x4x768xf32, #tpu.memory_space<vmem>> -> memref<8x4x768xf32, #tpu.memory_space<vmem>>
    %dma_wait3A_607 = arith.constant 32 : i32
    %dma_wait3A_608 = tpu.memref_slice %arg6[%dma_wait3A_607] : memref<128xi32, #tpu.memory_space<vmem>> -> memref<8xi32, #tpu.memory_space<vmem>>
    %dma_wait3A_609 = arith.constant 0 : i32
    %dma_wait3A_610 = arith.constant 4 : i32
    %dma_wait3A_611 = arith.constant 0 : i32
    %dma_wait3A_612 = tpu.memref_slice %arg2[%dma_wait3A_609, %dma_wait3A_610, %dma_wait3A_611] : memref<100x8x768xf32, #tpu.memory_space<hbm>> -> memref<100x4x768xf32, #tpu.memory_space<hbm>>
    tpu.wait_indirect_dma semaphore(%arg12 : memref<!tpu.dma_semaphore, #tpu.memory_space<semaphore_mem>>) src(%dma_wait3A_612 : memref<100x4x768xf32, #tpu.memory_space<hbm>>) dst(%dma_wait3A_606 : memref<8x4x768xf32, #tpu.memory_space<vmem>>)
    %add3A_613 = arith.constant 32 : i32
    %add3A_614 = arith.addi %mul3A_2, %add3A_613 : i32
    %dma_start3A_615 = arith.constant 4 : i32
    %dma_start3A_616 = arith.constant 0 : i32
    %dma_start3A_617 = arith.constant 0 : i32
    %dma_start3A_618 = arith.constant 0 : i32
    %dma_start3A_619 = tpu.memref_slice %arg7[%dma_start3A_615, %dma_start3A_616, %dma_start3A_617, %dma_start3A_618] : memref<5x8x4x768xf32, #tpu.memory_space<vmem>> -> memref<1x8x4x768xf32, #tpu.memory_space<vmem>>
    %dma_start3A_620 = tpu.memref_squeeze %dma_start3A_619 : memref<1x8x4x768xf32, #tpu.memory_space<vmem>> -> memref<8x4x768xf32, #tpu.memory_space<vmem>>
    %dma_start3A_621 = arith.constant 0 : i32
    %dma_start3A_622 = arith.constant 0 : i32
    %dma_start3A_623 = tpu.memref_slice %arg5[%add3A_614, %dma_start3A_621, %dma_start3A_622] : memref<4096x4x768xf32, #tpu.memory_space<hbm>> -> memref<8x4x768xf32, #tpu.memory_space<hbm>>
    %dma_start3A_624 = arith.constant 0 : i32
    %dma_start3A_625 = arith.constant 0 : i32
    %dma_start3A_626 = tpu.memref_slice %arg5[%add3A_614, %dma_start3A_624, %dma_start3A_625] : memref<4096x4x768xf32, #tpu.memory_space<hbm>> -> memref<8x4x768xf32, #tpu.memory_space<hbm>>
    %dma_start3A_627 = arith.constant 0 : i32
    %dma_start3A_628 = arith.constant 0 : i32
    %dma_start3A_629 = arith.constant 0 : i32
    %dma_start3A_630 = tpu.memref_slice %arg7[%dma_start3A_615, %dma_start3A_627, %dma_start3A_628, %dma_start3A_629] : memref<5x8x4x768xf32, #tpu.memory_space<vmem>> -> memref<1x8x4x768xf32, #tpu.memory_space<vmem>>
    %dma_start3A_631 = tpu.memref_squeeze %dma_start3A_630 : memref<1x8x4x768xf32, #tpu.memory_space<vmem>> -> memref<8x4x768xf32, #tpu.memory_space<vmem>>
    tpu.enqueue_dma source(%dma_start3A_631 : memref<8x4x768xf32, #tpu.memory_space<vmem>>) target(%dma_start3A_626 : memref<8x4x768xf32, #tpu.memory_space<hbm>>) target_semaphore(%arg17 : memref<!tpu.dma_semaphore, #tpu.memory_space<semaphore_mem>>)
    %dma_wait3A_632 = arith.constant 4 : i32
    %dma_wait3A_633 = arith.constant 0 : i32
    %dma_wait3A_634 = arith.constant 0 : i32
    %dma_wait3A_635 = arith.constant 0 : i32
    %dma_wait3A_636 = tpu.memref_slice %arg7[%dma_wait3A_632, %dma_wait3A_633, %dma_wait3A_634, %dma_wait3A_635] : memref<5x8x4x768xf32, #tpu.memory_space<vmem>> -> memref<1x8x4x768xf32, #tpu.memory_space<vmem>>
    %dma_wait3A_637 = tpu.memref_squeeze %dma_wait3A_636 : memref<1x8x4x768xf32, #tpu.memory_space<vmem>> -> memref<8x4x768xf32, #tpu.memory_space<vmem>>
    %dma_wait3A_638 = arith.constant 0 : i32
    %dma_wait3A_639 = arith.constant 0 : i32
    %dma_wait3A_640 = tpu.memref_slice %arg5[%add3A_614, %dma_wait3A_638, %dma_wait3A_639] : memref<4096x4x768xf32, #tpu.memory_space<hbm>> -> memref<8x4x768xf32, #tpu.memory_space<hbm>>
    %dma_wait3A_641 = arith.constant 0 : i32
    %dma_wait3A_642 = arith.constant 0 : i32
    %dma_wait3A_643 = tpu.memref_slice %arg5[%add3A_614, %dma_wait3A_641, %dma_wait3A_642] : memref<4096x4x768xf32, #tpu.memory_space<hbm>> -> memref<8x4x768xf32, #tpu.memory_space<hbm>>
    %dma_wait3A_644 = arith.constant 0 : i32
    %dma_wait3A_645 = arith.constant 0 : i32
    %dma_wait3A_646 = arith.constant 0 : i32
    %dma_wait3A_647 = tpu.memref_slice %arg7[%dma_wait3A_632, %dma_wait3A_644, %dma_wait3A_645, %dma_wait3A_646] : memref<5x8x4x768xf32, #tpu.memory_space<vmem>> -> memref<1x8x4x768xf32, #tpu.memory_space<vmem>>
    %dma_wait3A_648 = tpu.memref_squeeze %dma_wait3A_647 : memref<1x8x4x768xf32, #tpu.memory_space<vmem>> -> memref<8x4x768xf32, #tpu.memory_space<vmem>>
    tpu.wait_dma2 semaphore(%arg17 : memref<!tpu.dma_semaphore, #tpu.memory_space<semaphore_mem>>) src(%dma_wait3A_648 : memref<8x4x768xf32, #tpu.memory_space<vmem>>) dst(%dma_wait3A_643 : memref<8x4x768xf32, #tpu.memory_space<hbm>>)
    %dma_start3A_649 = arith.constant 4 : i32
    %dma_start3A_650 = arith.constant 0 : i32
    %dma_start3A_651 = arith.constant 0 : i32
    %dma_start3A_652 = arith.constant 0 : i32
    %dma_start3A_653 = tpu.memref_slice %arg7[%dma_start3A_649, %dma_start3A_650, %dma_start3A_651, %dma_start3A_652] : memref<5x8x4x768xf32, #tpu.memory_space<vmem>> -> memref<1x8x4x768xf32, #tpu.memory_space<vmem>>
    %dma_start3A_654 = tpu.memref_squeeze %dma_start3A_653 : memref<1x8x4x768xf32, #tpu.memory_space<vmem>> -> memref<8x4x768xf32, #tpu.memory_space<vmem>>
    %dma_start3A_655 = arith.constant 56 : i32
    %dma_start3A_656 = tpu.memref_slice %arg6[%dma_start3A_655] : memref<128xi32, #tpu.memory_space<vmem>> -> memref<8xi32, #tpu.memory_space<vmem>>
    %dma_start3A_657 = arith.constant 0 : i32
    %dma_start3A_658 = arith.constant 0 : i32
    %dma_start3A_659 = arith.constant 0 : i32
    %dma_start3A_660 = tpu.memref_slice %arg2[%dma_start3A_657, %dma_start3A_658, %dma_start3A_659] : memref<100x8x768xf32, #tpu.memory_space<hbm>> -> memref<100x4x768xf32, #tpu.memory_space<hbm>>
    tpu.enqueue_indirect_dma source(%dma_start3A_660 : memref<100x4x768xf32, #tpu.memory_space<hbm>>) target(%dma_start3A_654 : memref<8x4x768xf32, #tpu.memory_space<vmem>>) offsets(%dma_start3A_656 : memref<8xi32, #tpu.memory_space<vmem>>) semaphore(%arg12 : memref<!tpu.dma_semaphore, #tpu.memory_space<semaphore_mem>>)
    %dma_wait3A_661 = arith.constant 0 : i32
    %dma_wait3A_662 = arith.constant 0 : i32
    %dma_wait3A_663 = arith.constant 0 : i32
    %dma_wait3A_664 = arith.constant 0 : i32
    %dma_wait3A_665 = tpu.memref_slice %arg7[%dma_wait3A_661, %dma_wait3A_662, %dma_wait3A_663, %dma_wait3A_664] : memref<5x8x4x768xf32, #tpu.memory_space<vmem>> -> memref<1x8x4x768xf32, #tpu.memory_space<vmem>>
    %dma_wait3A_666 = tpu.memref_squeeze %dma_wait3A_665 : memref<1x8x4x768xf32, #tpu.memory_space<vmem>> -> memref<8x4x768xf32, #tpu.memory_space<vmem>>
    %dma_wait3A_667 = arith.constant 40 : i32
    %dma_wait3A_668 = tpu.memref_slice %arg6[%dma_wait3A_667] : memref<128xi32, #tpu.memory_space<vmem>> -> memref<8xi32, #tpu.memory_space<vmem>>
    %dma_wait3A_669 = arith.constant 0 : i32
    %dma_wait3A_670 = arith.constant 0 : i32
    %dma_wait3A_671 = arith.constant 0 : i32
    %dma_wait3A_672 = tpu.memref_slice %arg2[%dma_wait3A_669, %dma_wait3A_670, %dma_wait3A_671] : memref<100x8x768xf32, #tpu.memory_space<hbm>> -> memref<100x4x768xf32, #tpu.memory_space<hbm>>
    tpu.wait_indirect_dma semaphore(%arg8 : memref<!tpu.dma_semaphore, #tpu.memory_space<semaphore_mem>>) src(%dma_wait3A_672 : memref<100x4x768xf32, #tpu.memory_space<hbm>>) dst(%dma_wait3A_666 : memref<8x4x768xf32, #tpu.memory_space<vmem>>)
    %add3A_673 = arith.constant 40 : i32
    %add3A_674 = arith.addi %mul3A_2, %add3A_673 : i32
    %dma_start3A_675 = arith.constant 0 : i32
    %dma_start3A_676 = arith.constant 0 : i32
    %dma_start3A_677 = arith.constant 0 : i32
    %dma_start3A_678 = arith.constant 0 : i32
    %dma_start3A_679 = tpu.memref_slice %arg7[%dma_start3A_675, %dma_start3A_676, %dma_start3A_677, %dma_start3A_678] : memref<5x8x4x768xf32, #tpu.memory_space<vmem>> -> memref<1x8x4x768xf32, #tpu.memory_space<vmem>>
    %dma_start3A_680 = tpu.memref_squeeze %dma_start3A_679 : memref<1x8x4x768xf32, #tpu.memory_space<vmem>> -> memref<8x4x768xf32, #tpu.memory_space<vmem>>
    %dma_start3A_681 = arith.constant 0 : i32
    %dma_start3A_682 = arith.constant 0 : i32
    %dma_start3A_683 = tpu.memref_slice %arg4[%add3A_674, %dma_start3A_681, %dma_start3A_682] : memref<4096x4x768xf32, #tpu.memory_space<hbm>> -> memref<8x4x768xf32, #tpu.memory_space<hbm>>
    %dma_start3A_684 = arith.constant 0 : i32
    %dma_start3A_685 = arith.constant 0 : i32
    %dma_start3A_686 = tpu.memref_slice %arg4[%add3A_674, %dma_start3A_684, %dma_start3A_685] : memref<4096x4x768xf32, #tpu.memory_space<hbm>> -> memref<8x4x768xf32, #tpu.memory_space<hbm>>
    %dma_start3A_687 = arith.constant 0 : i32
    %dma_start3A_688 = arith.constant 0 : i32
    %dma_start3A_689 = arith.constant 0 : i32
    %dma_start3A_690 = tpu.memref_slice %arg7[%dma_start3A_675, %dma_start3A_687, %dma_start3A_688, %dma_start3A_689] : memref<5x8x4x768xf32, #tpu.memory_space<vmem>> -> memref<1x8x4x768xf32, #tpu.memory_space<vmem>>
    %dma_start3A_691 = tpu.memref_squeeze %dma_start3A_690 : memref<1x8x4x768xf32, #tpu.memory_space<vmem>> -> memref<8x4x768xf32, #tpu.memory_space<vmem>>
    tpu.enqueue_dma source(%dma_start3A_691 : memref<8x4x768xf32, #tpu.memory_space<vmem>>) target(%dma_start3A_686 : memref<8x4x768xf32, #tpu.memory_space<hbm>>) target_semaphore(%arg13 : memref<!tpu.dma_semaphore, #tpu.memory_space<semaphore_mem>>)
    %dma_wait3A_692 = arith.constant 0 : i32
    %dma_wait3A_693 = arith.constant 0 : i32
    %dma_wait3A_694 = arith.constant 0 : i32
    %dma_wait3A_695 = arith.constant 0 : i32
    %dma_wait3A_696 = tpu.memref_slice %arg7[%dma_wait3A_692, %dma_wait3A_693, %dma_wait3A_694, %dma_wait3A_695] : memref<5x8x4x768xf32, #tpu.memory_space<vmem>> -> memref<1x8x4x768xf32, #tpu.memory_space<vmem>>
    %dma_wait3A_697 = tpu.memref_squeeze %dma_wait3A_696 : memref<1x8x4x768xf32, #tpu.memory_space<vmem>> -> memref<8x4x768xf32, #tpu.memory_space<vmem>>
    %dma_wait3A_698 = arith.constant 0 : i32
    %dma_wait3A_699 = arith.constant 0 : i32
    %dma_wait3A_700 = tpu.memref_slice %arg4[%add3A_674, %dma_wait3A_698, %dma_wait3A_699] : memref<4096x4x768xf32, #tpu.memory_space<hbm>> -> memref<8x4x768xf32, #tpu.memory_space<hbm>>
    %dma_wait3A_701 = arith.constant 0 : i32
    %dma_wait3A_702 = arith.constant 0 : i32
    %dma_wait3A_703 = tpu.memref_slice %arg4[%add3A_674, %dma_wait3A_701, %dma_wait3A_702] : memref<4096x4x768xf32, #tpu.memory_space<hbm>> -> memref<8x4x768xf32, #tpu.memory_space<hbm>>
    %dma_wait3A_704 = arith.constant 0 : i32
    %dma_wait3A_705 = arith.constant 0 : i32
    %dma_wait3A_706 = arith.constant 0 : i32
    %dma_wait3A_707 = tpu.memref_slice %arg7[%dma_wait3A_692, %dma_wait3A_704, %dma_wait3A_705, %dma_wait3A_706] : memref<5x8x4x768xf32, #tpu.memory_space<vmem>> -> memref<1x8x4x768xf32, #tpu.memory_space<vmem>>
    %dma_wait3A_708 = tpu.memref_squeeze %dma_wait3A_707 : memref<1x8x4x768xf32, #tpu.memory_space<vmem>> -> memref<8x4x768xf32, #tpu.memory_space<vmem>>
    tpu.wait_dma2 semaphore(%arg13 : memref<!tpu.dma_semaphore, #tpu.memory_space<semaphore_mem>>) src(%dma_wait3A_708 : memref<8x4x768xf32, #tpu.memory_space<vmem>>) dst(%dma_wait3A_703 : memref<8x4x768xf32, #tpu.memory_space<hbm>>)
    %dma_start3A_709 = arith.constant 0 : i32
    %dma_start3A_710 = arith.constant 0 : i32
    %dma_start3A_711 = arith.constant 0 : i32
    %dma_start3A_712 = arith.constant 0 : i32
    %dma_start3A_713 = tpu.memref_slice %arg7[%dma_start3A_709, %dma_start3A_710, %dma_start3A_711, %dma_start3A_712] : memref<5x8x4x768xf32, #tpu.memory_space<vmem>> -> memref<1x8x4x768xf32, #tpu.memory_space<vmem>>
    %dma_start3A_714 = tpu.memref_squeeze %dma_start3A_713 : memref<1x8x4x768xf32, #tpu.memory_space<vmem>> -> memref<8x4x768xf32, #tpu.memory_space<vmem>>
    %dma_start3A_715 = arith.constant 56 : i32
    %dma_start3A_716 = tpu.memref_slice %arg6[%dma_start3A_715] : memref<128xi32, #tpu.memory_space<vmem>> -> memref<8xi32, #tpu.memory_space<vmem>>
    %dma_start3A_717 = arith.constant 0 : i32
    %dma_start3A_718 = arith.constant 4 : i32
    %dma_start3A_719 = arith.constant 0 : i32
    %dma_start3A_720 = tpu.memref_slice %arg2[%dma_start3A_717, %dma_start3A_718, %dma_start3A_719] : memref<100x8x768xf32, #tpu.memory_space<hbm>> -> memref<100x4x768xf32, #tpu.memory_space<hbm>>
    tpu.enqueue_indirect_dma source(%dma_start3A_720 : memref<100x4x768xf32, #tpu.memory_space<hbm>>) target(%dma_start3A_714 : memref<8x4x768xf32, #tpu.memory_space<vmem>>) offsets(%dma_start3A_716 : memref<8xi32, #tpu.memory_space<vmem>>) semaphore(%arg8 : memref<!tpu.dma_semaphore, #tpu.memory_space<semaphore_mem>>)
    %dma_wait3A_721 = arith.constant 1 : i32
    %dma_wait3A_722 = arith.constant 0 : i32
    %dma_wait3A_723 = arith.constant 0 : i32
    %dma_wait3A_724 = arith.constant 0 : i32
    %dma_wait3A_725 = tpu.memref_slice %arg7[%dma_wait3A_721, %dma_wait3A_722, %dma_wait3A_723, %dma_wait3A_724] : memref<5x8x4x768xf32, #tpu.memory_space<vmem>> -> memref<1x8x4x768xf32, #tpu.memory_space<vmem>>
    %dma_wait3A_726 = tpu.memref_squeeze %dma_wait3A_725 : memref<1x8x4x768xf32, #tpu.memory_space<vmem>> -> memref<8x4x768xf32, #tpu.memory_space<vmem>>
    %dma_wait3A_727 = arith.constant 40 : i32
    %dma_wait3A_728 = tpu.memref_slice %arg6[%dma_wait3A_727] : memref<128xi32, #tpu.memory_space<vmem>> -> memref<8xi32, #tpu.memory_space<vmem>>
    %dma_wait3A_729 = arith.constant 0 : i32
    %dma_wait3A_730 = arith.constant 4 : i32
    %dma_wait3A_731 = arith.constant 0 : i32
    %dma_wait3A_732 = tpu.memref_slice %arg2[%dma_wait3A_729, %dma_wait3A_730, %dma_wait3A_731] : memref<100x8x768xf32, #tpu.memory_space<hbm>> -> memref<100x4x768xf32, #tpu.memory_space<hbm>>
    tpu.wait_indirect_dma semaphore(%arg9 : memref<!tpu.dma_semaphore, #tpu.memory_space<semaphore_mem>>) src(%dma_wait3A_732 : memref<100x4x768xf32, #tpu.memory_space<hbm>>) dst(%dma_wait3A_726 : memref<8x4x768xf32, #tpu.memory_space<vmem>>)
    %add3A_733 = arith.constant 40 : i32
    %add3A_734 = arith.addi %mul3A_2, %add3A_733 : i32
    %dma_start3A_735 = arith.constant 1 : i32
    %dma_start3A_736 = arith.constant 0 : i32
    %dma_start3A_737 = arith.constant 0 : i32
    %dma_start3A_738 = arith.constant 0 : i32
    %dma_start3A_739 = tpu.memref_slice %arg7[%dma_start3A_735, %dma_start3A_736, %dma_start3A_737, %dma_start3A_738] : memref<5x8x4x768xf32, #tpu.memory_space<vmem>> -> memref<1x8x4x768xf32, #tpu.memory_space<vmem>>
    %dma_start3A_740 = tpu.memref_squeeze %dma_start3A_739 : memref<1x8x4x768xf32, #tpu.memory_space<vmem>> -> memref<8x4x768xf32, #tpu.memory_space<vmem>>
    %dma_start3A_741 = arith.constant 0 : i32
    %dma_start3A_742 = arith.constant 0 : i32
    %dma_start3A_743 = tpu.memref_slice %arg5[%add3A_734, %dma_start3A_741, %dma_start3A_742] : memref<4096x4x768xf32, #tpu.memory_space<hbm>> -> memref<8x4x768xf32, #tpu.memory_space<hbm>>
    %dma_start3A_744 = arith.constant 0 : i32
    %dma_start3A_745 = arith.constant 0 : i32
    %dma_start3A_746 = tpu.memref_slice %arg5[%add3A_734, %dma_start3A_744, %dma_start3A_745] : memref<4096x4x768xf32, #tpu.memory_space<hbm>> -> memref<8x4x768xf32, #tpu.memory_space<hbm>>
    %dma_start3A_747 = arith.constant 0 : i32
    %dma_start3A_748 = arith.constant 0 : i32
    %dma_start3A_749 = arith.constant 0 : i32
    %dma_start3A_750 = tpu.memref_slice %arg7[%dma_start3A_735, %dma_start3A_747, %dma_start3A_748, %dma_start3A_749] : memref<5x8x4x768xf32, #tpu.memory_space<vmem>> -> memref<1x8x4x768xf32, #tpu.memory_space<vmem>>
    %dma_start3A_751 = tpu.memref_squeeze %dma_start3A_750 : memref<1x8x4x768xf32, #tpu.memory_space<vmem>> -> memref<8x4x768xf32, #tpu.memory_space<vmem>>
    tpu.enqueue_dma source(%dma_start3A_751 : memref<8x4x768xf32, #tpu.memory_space<vmem>>) target(%dma_start3A_746 : memref<8x4x768xf32, #tpu.memory_space<hbm>>) target_semaphore(%arg14 : memref<!tpu.dma_semaphore, #tpu.memory_space<semaphore_mem>>)
    %dma_wait3A_752 = arith.constant 1 : i32
    %dma_wait3A_753 = arith.constant 0 : i32
    %dma_wait3A_754 = arith.constant 0 : i32
    %dma_wait3A_755 = arith.constant 0 : i32
    %dma_wait3A_756 = tpu.memref_slice %arg7[%dma_wait3A_752, %dma_wait3A_753, %dma_wait3A_754, %dma_wait3A_755] : memref<5x8x4x768xf32, #tpu.memory_space<vmem>> -> memref<1x8x4x768xf32, #tpu.memory_space<vmem>>
    %dma_wait3A_757 = tpu.memref_squeeze %dma_wait3A_756 : memref<1x8x4x768xf32, #tpu.memory_space<vmem>> -> memref<8x4x768xf32, #tpu.memory_space<vmem>>
    %dma_wait3A_758 = arith.constant 0 : i32
    %dma_wait3A_759 = arith.constant 0 : i32
    %dma_wait3A_760 = tpu.memref_slice %arg5[%add3A_734, %dma_wait3A_758, %dma_wait3A_759] : memref<4096x4x768xf32, #tpu.memory_space<hbm>> -> memref<8x4x768xf32, #tpu.memory_space<hbm>>
    %dma_wait3A_761 = arith.constant 0 : i32
    %dma_wait3A_762 = arith.constant 0 : i32
    %dma_wait3A_763 = tpu.memref_slice %arg5[%add3A_734, %dma_wait3A_761, %dma_wait3A_762] : memref<4096x4x768xf32, #tpu.memory_space<hbm>> -> memref<8x4x768xf32, #tpu.memory_space<hbm>>
    %dma_wait3A_764 = arith.constant 0 : i32
    %dma_wait3A_765 = arith.constant 0 : i32
    %dma_wait3A_766 = arith.constant 0 : i32
    %dma_wait3A_767 = tpu.memref_slice %arg7[%dma_wait3A_752, %dma_wait3A_764, %dma_wait3A_765, %dma_wait3A_766] : memref<5x8x4x768xf32, #tpu.memory_space<vmem>> -> memref<1x8x4x768xf32, #tpu.memory_space<vmem>>
    %dma_wait3A_768 = tpu.memref_squeeze %dma_wait3A_767 : memref<1x8x4x768xf32, #tpu.memory_space<vmem>> -> memref<8x4x768xf32, #tpu.memory_space<vmem>>
    tpu.wait_dma2 semaphore(%arg14 : memref<!tpu.dma_semaphore, #tpu.memory_space<semaphore_mem>>) src(%dma_wait3A_768 : memref<8x4x768xf32, #tpu.memory_space<vmem>>) dst(%dma_wait3A_763 : memref<8x4x768xf32, #tpu.memory_space<hbm>>)
    %dma_start3A_769 = arith.constant 1 : i32
    %dma_start3A_770 = arith.constant 0 : i32
    %dma_start3A_771 = arith.constant 0 : i32
    %dma_start3A_772 = arith.constant 0 : i32
    %dma_start3A_773 = tpu.memref_slice %arg7[%dma_start3A_769, %dma_start3A_770, %dma_start3A_771, %dma_start3A_772] : memref<5x8x4x768xf32, #tpu.memory_space<vmem>> -> memref<1x8x4x768xf32, #tpu.memory_space<vmem>>
    %dma_start3A_774 = tpu.memref_squeeze %dma_start3A_773 : memref<1x8x4x768xf32, #tpu.memory_space<vmem>> -> memref<8x4x768xf32, #tpu.memory_space<vmem>>
    %dma_start3A_775 = arith.constant 64 : i32
    %dma_start3A_776 = tpu.memref_slice %arg6[%dma_start3A_775] : memref<128xi32, #tpu.memory_space<vmem>> -> memref<8xi32, #tpu.memory_space<vmem>>
    %dma_start3A_777 = arith.constant 0 : i32
    %dma_start3A_778 = arith.constant 0 : i32
    %dma_start3A_779 = arith.constant 0 : i32
    %dma_start3A_780 = tpu.memref_slice %arg2[%dma_start3A_777, %dma_start3A_778, %dma_start3A_779] : memref<100x8x768xf32, #tpu.memory_space<hbm>> -> memref<100x4x768xf32, #tpu.memory_space<hbm>>
    tpu.enqueue_indirect_dma source(%dma_start3A_780 : memref<100x4x768xf32, #tpu.memory_space<hbm>>) target(%dma_start3A_774 : memref<8x4x768xf32, #tpu.memory_space<vmem>>) offsets(%dma_start3A_776 : memref<8xi32, #tpu.memory_space<vmem>>) semaphore(%arg9 : memref<!tpu.dma_semaphore, #tpu.memory_space<semaphore_mem>>)
    %dma_wait3A_781 = arith.constant 2 : i32
    %dma_wait3A_782 = arith.constant 0 : i32
    %dma_wait3A_783 = arith.constant 0 : i32
    %dma_wait3A_784 = arith.constant 0 : i32
    %dma_wait3A_785 = tpu.memref_slice %arg7[%dma_wait3A_781, %dma_wait3A_782, %dma_wait3A_783, %dma_wait3A_784] : memref<5x8x4x768xf32, #tpu.memory_space<vmem>> -> memref<1x8x4x768xf32, #tpu.memory_space<vmem>>
    %dma_wait3A_786 = tpu.memref_squeeze %dma_wait3A_785 : memref<1x8x4x768xf32, #tpu.memory_space<vmem>> -> memref<8x4x768xf32, #tpu.memory_space<vmem>>
    %dma_wait3A_787 = arith.constant 48 : i32
    %dma_wait3A_788 = tpu.memref_slice %arg6[%dma_wait3A_787] : memref<128xi32, #tpu.memory_space<vmem>> -> memref<8xi32, #tpu.memory_space<vmem>>
    %dma_wait3A_789 = arith.constant 0 : i32
    %dma_wait3A_790 = arith.constant 0 : i32
    %dma_wait3A_791 = arith.constant 0 : i32
    %dma_wait3A_792 = tpu.memref_slice %arg2[%dma_wait3A_789, %dma_wait3A_790, %dma_wait3A_791] : memref<100x8x768xf32, #tpu.memory_space<hbm>> -> memref<100x4x768xf32, #tpu.memory_space<hbm>>
    tpu.wait_indirect_dma semaphore(%arg10 : memref<!tpu.dma_semaphore, #tpu.memory_space<semaphore_mem>>) src(%dma_wait3A_792 : memref<100x4x768xf32, #tpu.memory_space<hbm>>) dst(%dma_wait3A_786 : memref<8x4x768xf32, #tpu.memory_space<vmem>>)
    %add3A_793 = arith.constant 48 : i32
    %add3A_794 = arith.addi %mul3A_2, %add3A_793 : i32
    %dma_start3A_795 = arith.constant 2 : i32
    %dma_start3A_796 = arith.constant 0 : i32
    %dma_start3A_797 = arith.constant 0 : i32
    %dma_start3A_798 = arith.constant 0 : i32
    %dma_start3A_799 = tpu.memref_slice %arg7[%dma_start3A_795, %dma_start3A_796, %dma_start3A_797, %dma_start3A_798] : memref<5x8x4x768xf32, #tpu.memory_space<vmem>> -> memref<1x8x4x768xf32, #tpu.memory_space<vmem>>
    %dma_start3A_800 = tpu.memref_squeeze %dma_start3A_799 : memref<1x8x4x768xf32, #tpu.memory_space<vmem>> -> memref<8x4x768xf32, #tpu.memory_space<vmem>>
    %dma_start3A_801 = arith.constant 0 : i32
    %dma_start3A_802 = arith.constant 0 : i32
    %dma_start3A_803 = tpu.memref_slice %arg4[%add3A_794, %dma_start3A_801, %dma_start3A_802] : memref<4096x4x768xf32, #tpu.memory_space<hbm>> -> memref<8x4x768xf32, #tpu.memory_space<hbm>>
    %dma_start3A_804 = arith.constant 0 : i32
    %dma_start3A_805 = arith.constant 0 : i32
    %dma_start3A_806 = tpu.memref_slice %arg4[%add3A_794, %dma_start3A_804, %dma_start3A_805] : memref<4096x4x768xf32, #tpu.memory_space<hbm>> -> memref<8x4x768xf32, #tpu.memory_space<hbm>>
    %dma_start3A_807 = arith.constant 0 : i32
    %dma_start3A_808 = arith.constant 0 : i32
    %dma_start3A_809 = arith.constant 0 : i32
    %dma_start3A_810 = tpu.memref_slice %arg7[%dma_start3A_795, %dma_start3A_807, %dma_start3A_808, %dma_start3A_809] : memref<5x8x4x768xf32, #tpu.memory_space<vmem>> -> memref<1x8x4x768xf32, #tpu.memory_space<vmem>>
    %dma_start3A_811 = tpu.memref_squeeze %dma_start3A_810 : memref<1x8x4x768xf32, #tpu.memory_space<vmem>> -> memref<8x4x768xf32, #tpu.memory_space<vmem>>
    tpu.enqueue_dma source(%dma_start3A_811 : memref<8x4x768xf32, #tpu.memory_space<vmem>>) target(%dma_start3A_806 : memref<8x4x768xf32, #tpu.memory_space<hbm>>) target_semaphore(%arg15 : memref<!tpu.dma_semaphore, #tpu.memory_space<semaphore_mem>>)
    %dma_wait3A_812 = arith.constant 2 : i32
    %dma_wait3A_813 = arith.constant 0 : i32
    %dma_wait3A_814 = arith.constant 0 : i32
    %dma_wait3A_815 = arith.constant 0 : i32
    %dma_wait3A_816 = tpu.memref_slice %arg7[%dma_wait3A_812, %dma_wait3A_813, %dma_wait3A_814, %dma_wait3A_815] : memref<5x8x4x768xf32, #tpu.memory_space<vmem>> -> memref<1x8x4x768xf32, #tpu.memory_space<vmem>>
    %dma_wait3A_817 = tpu.memref_squeeze %dma_wait3A_816 : memref<1x8x4x768xf32, #tpu.memory_space<vmem>> -> memref<8x4x768xf32, #tpu.memory_space<vmem>>
    %dma_wait3A_818 = arith.constant 0 : i32
    %dma_wait3A_819 = arith.constant 0 : i32
    %dma_wait3A_820 = tpu.memref_slice %arg4[%add3A_794, %dma_wait3A_818, %dma_wait3A_819] : memref<4096x4x768xf32, #tpu.memory_space<hbm>> -> memref<8x4x768xf32, #tpu.memory_space<hbm>>
    %dma_wait3A_821 = arith.constant 0 : i32
    %dma_wait3A_822 = arith.constant 0 : i32
    %dma_wait3A_823 = tpu.memref_slice %arg4[%add3A_794, %dma_wait3A_821, %dma_wait3A_822] : memref<4096x4x768xf32, #tpu.memory_space<hbm>> -> memref<8x4x768xf32, #tpu.memory_space<hbm>>
    %dma_wait3A_824 = arith.constant 0 : i32
    %dma_wait3A_825 = arith.constant 0 : i32
    %dma_wait3A_826 = arith.constant 0 : i32
    %dma_wait3A_827 = tpu.memref_slice %arg7[%dma_wait3A_812, %dma_wait3A_824, %dma_wait3A_825, %dma_wait3A_826] : memref<5x8x4x768xf32, #tpu.memory_space<vmem>> -> memref<1x8x4x768xf32, #tpu.memory_space<vmem>>
    %dma_wait3A_828 = tpu.memref_squeeze %dma_wait3A_827 : memref<1x8x4x768xf32, #tpu.memory_space<vmem>> -> memref<8x4x768xf32, #tpu.memory_space<vmem>>
    tpu.wait_dma2 semaphore(%arg15 : memref<!tpu.dma_semaphore, #tpu.memory_space<semaphore_mem>>) src(%dma_wait3A_828 : memref<8x4x768xf32, #tpu.memory_space<vmem>>) dst(%dma_wait3A_823 : memref<8x4x768xf32, #tpu.memory_space<hbm>>)
    %dma_start3A_829 = arith.constant 2 : i32
    %dma_start3A_830 = arith.constant 0 : i32
    %dma_start3A_831 = arith.constant 0 : i32
    %dma_start3A_832 = arith.constant 0 : i32
    %dma_start3A_833 = tpu.memref_slice %arg7[%dma_start3A_829, %dma_start3A_830, %dma_start3A_831, %dma_start3A_832] : memref<5x8x4x768xf32, #tpu.memory_space<vmem>> -> memref<1x8x4x768xf32, #tpu.memory_space<vmem>>
    %dma_start3A_834 = tpu.memref_squeeze %dma_start3A_833 : memref<1x8x4x768xf32, #tpu.memory_space<vmem>> -> memref<8x4x768xf32, #tpu.memory_space<vmem>>
    %dma_start3A_835 = arith.constant 64 : i32
    %dma_start3A_836 = tpu.memref_slice %arg6[%dma_start3A_835] : memref<128xi32, #tpu.memory_space<vmem>> -> memref<8xi32, #tpu.memory_space<vmem>>
    %dma_start3A_837 = arith.constant 0 : i32
    %dma_start3A_838 = arith.constant 4 : i32
    %dma_start3A_839 = arith.constant 0 : i32
    %dma_start3A_840 = tpu.memref_slice %arg2[%dma_start3A_837, %dma_start3A_838, %dma_start3A_839] : memref<100x8x768xf32, #tpu.memory_space<hbm>> -> memref<100x4x768xf32, #tpu.memory_space<hbm>>
    tpu.enqueue_indirect_dma source(%dma_start3A_840 : memref<100x4x768xf32, #tpu.memory_space<hbm>>) target(%dma_start3A_834 : memref<8x4x768xf32, #tpu.memory_space<vmem>>) offsets(%dma_start3A_836 : memref<8xi32, #tpu.memory_space<vmem>>) semaphore(%arg10 : memref<!tpu.dma_semaphore, #tpu.memory_space<semaphore_mem>>)
    %dma_wait3A_841 = arith.constant 3 : i32
    %dma_wait3A_842 = arith.constant 0 : i32
    %dma_wait3A_843 = arith.constant 0 : i32
    %dma_wait3A_844 = arith.constant 0 : i32
    %dma_wait3A_845 = tpu.memref_slice %arg7[%dma_wait3A_841, %dma_wait3A_842, %dma_wait3A_843, %dma_wait3A_844] : memref<5x8x4x768xf32, #tpu.memory_space<vmem>> -> memref<1x8x4x768xf32, #tpu.memory_space<vmem>>
    %dma_wait3A_846 = tpu.memref_squeeze %dma_wait3A_845 : memref<1x8x4x768xf32, #tpu.memory_space<vmem>> -> memref<8x4x768xf32, #tpu.memory_space<vmem>>
    %dma_wait3A_847 = arith.constant 48 : i32
    %dma_wait3A_848 = tpu.memref_slice %arg6[%dma_wait3A_847] : memref<128xi32, #tpu.memory_space<vmem>> -> memref<8xi32, #tpu.memory_space<vmem>>
    %dma_wait3A_849 = arith.constant 0 : i32
    %dma_wait3A_850 = arith.constant 4 : i32
    %dma_wait3A_851 = arith.constant 0 : i32
    %dma_wait3A_852 = tpu.memref_slice %arg2[%dma_wait3A_849, %dma_wait3A_850, %dma_wait3A_851] : memref<100x8x768xf32, #tpu.memory_space<hbm>> -> memref<100x4x768xf32, #tpu.memory_space<hbm>>
    tpu.wait_indirect_dma semaphore(%arg11 : memref<!tpu.dma_semaphore, #tpu.memory_space<semaphore_mem>>) src(%dma_wait3A_852 : memref<100x4x768xf32, #tpu.memory_space<hbm>>) dst(%dma_wait3A_846 : memref<8x4x768xf32, #tpu.memory_space<vmem>>)
    %add3A_853 = arith.constant 48 : i32
    %add3A_854 = arith.addi %mul3A_2, %add3A_853 : i32
    %dma_start3A_855 = arith.constant 3 : i32
    %dma_start3A_856 = arith.constant 0 : i32
    %dma_start3A_857 = arith.constant 0 : i32
    %dma_start3A_858 = arith.constant 0 : i32
    %dma_start3A_859 = tpu.memref_slice %arg7[%dma_start3A_855, %dma_start3A_856, %dma_start3A_857, %dma_start3A_858] : memref<5x8x4x768xf32, #tpu.memory_space<vmem>> -> memref<1x8x4x768xf32, #tpu.memory_space<vmem>>
    %dma_start3A_860 = tpu.memref_squeeze %dma_start3A_859 : memref<1x8x4x768xf32, #tpu.memory_space<vmem>> -> memref<8x4x768xf32, #tpu.memory_space<vmem>>
    %dma_start3A_861 = arith.constant 0 : i32
    %dma_start3A_862 = arith.constant 0 : i32
    %dma_start3A_863 = tpu.memref_slice %arg5[%add3A_854, %dma_start3A_861, %dma_start3A_862] : memref<4096x4x768xf32, #tpu.memory_space<hbm>> -> memref<8x4x768xf32, #tpu.memory_space<hbm>>
    %dma_start3A_864 = arith.constant 0 : i32
    %dma_start3A_865 = arith.constant 0 : i32
    %dma_start3A_866 = tpu.memref_slice %arg5[%add3A_854, %dma_start3A_864, %dma_start3A_865] : memref<4096x4x768xf32, #tpu.memory_space<hbm>> -> memref<8x4x768xf32, #tpu.memory_space<hbm>>
    %dma_start3A_867 = arith.constant 0 : i32
    %dma_start3A_868 = arith.constant 0 : i32
    %dma_start3A_869 = arith.constant 0 : i32
    %dma_start3A_870 = tpu.memref_slice %arg7[%dma_start3A_855, %dma_start3A_867, %dma_start3A_868, %dma_start3A_869] : memref<5x8x4x768xf32, #tpu.memory_space<vmem>> -> memref<1x8x4x768xf32, #tpu.memory_space<vmem>>
    %dma_start3A_871 = tpu.memref_squeeze %dma_start3A_870 : memref<1x8x4x768xf32, #tpu.memory_space<vmem>> -> memref<8x4x768xf32, #tpu.memory_space<vmem>>
    tpu.enqueue_dma source(%dma_start3A_871 : memref<8x4x768xf32, #tpu.memory_space<vmem>>) target(%dma_start3A_866 : memref<8x4x768xf32, #tpu.memory_space<hbm>>) target_semaphore(%arg16 : memref<!tpu.dma_semaphore, #tpu.memory_space<semaphore_mem>>)
    %dma_wait3A_872 = arith.constant 3 : i32
    %dma_wait3A_873 = arith.constant 0 : i32
    %dma_wait3A_874 = arith.constant 0 : i32
    %dma_wait3A_875 = arith.constant 0 : i32
    %dma_wait3A_876 = tpu.memref_slice %arg7[%dma_wait3A_872, %dma_wait3A_873, %dma_wait3A_874, %dma_wait3A_875] : memref<5x8x4x768xf32, #tpu.memory_space<vmem>> -> memref<1x8x4x768xf32, #tpu.memory_space<vmem>>
    %dma_wait3A_877 = tpu.memref_squeeze %dma_wait3A_876 : memref<1x8x4x768xf32, #tpu.memory_space<vmem>> -> memref<8x4x768xf32, #tpu.memory_space<vmem>>
    %dma_wait3A_878 = arith.constant 0 : i32
    %dma_wait3A_879 = arith.constant 0 : i32
    %dma_wait3A_880 = tpu.memref_slice %arg5[%add3A_854, %dma_wait3A_878, %dma_wait3A_879] : memref<4096x4x768xf32, #tpu.memory_space<hbm>> -> memref<8x4x768xf32, #tpu.memory_space<hbm>>
    %dma_wait3A_881 = arith.constant 0 : i32
    %dma_wait3A_882 = arith.constant 0 : i32
    %dma_wait3A_883 = tpu.memref_slice %arg5[%add3A_854, %dma_wait3A_881, %dma_wait3A_882] : memref<4096x4x768xf32, #tpu.memory_space<hbm>> -> memref<8x4x768xf32, #tpu.memory_space<hbm>>
    %dma_wait3A_884 = arith.constant 0 : i32
    %dma_wait3A_885 = arith.constant 0 : i32
    %dma_wait3A_886 = arith.constant 0 : i32
    %dma_wait3A_887 = tpu.memref_slice %arg7[%dma_wait3A_872, %dma_wait3A_884, %dma_wait3A_885, %dma_wait3A_886] : memref<5x8x4x768xf32, #tpu.memory_space<vmem>> -> memref<1x8x4x768xf32, #tpu.memory_space<vmem>>
    %dma_wait3A_888 = tpu.memref_squeeze %dma_wait3A_887 : memref<1x8x4x768xf32, #tpu.memory_space<vmem>> -> memref<8x4x768xf32, #tpu.memory_space<vmem>>
    tpu.wait_dma2 semaphore(%arg16 : memref<!tpu.dma_semaphore, #tpu.memory_space<semaphore_mem>>) src(%dma_wait3A_888 : memref<8x4x768xf32, #tpu.memory_space<vmem>>) dst(%dma_wait3A_883 : memref<8x4x768xf32, #tpu.memory_space<hbm>>)
    %dma_start3A_889 = arith.constant 3 : i32
    %dma_start3A_890 = arith.constant 0 : i32
    %dma_start3A_891 = arith.constant 0 : i32
    %dma_start3A_892 = arith.constant 0 : i32
    %dma_start3A_893 = tpu.memref_slice %arg7[%dma_start3A_889, %dma_start3A_890, %dma_start3A_891, %dma_start3A_892] : memref<5x8x4x768xf32, #tpu.memory_space<vmem>> -> memref<1x8x4x768xf32, #tpu.memory_space<vmem>>
    %dma_start3A_894 = tpu.memref_squeeze %dma_start3A_893 : memref<1x8x4x768xf32, #tpu.memory_space<vmem>> -> memref<8x4x768xf32, #tpu.memory_space<vmem>>
    %dma_start3A_895 = arith.constant 72 : i32
    %dma_start3A_896 = tpu.memref_slice %arg6[%dma_start3A_895] : memref<128xi32, #tpu.memory_space<vmem>> -> memref<8xi32, #tpu.memory_space<vmem>>
    %dma_start3A_897 = arith.constant 0 : i32
    %dma_start3A_898 = arith.constant 0 : i32
    %dma_start3A_899 = arith.constant 0 : i32
    %dma_start3A_900 = tpu.memref_slice %arg2[%dma_start3A_897, %dma_start3A_898, %dma_start3A_899] : memref<100x8x768xf32, #tpu.memory_space<hbm>> -> memref<100x4x768xf32, #tpu.memory_space<hbm>>
    tpu.enqueue_indirect_dma source(%dma_start3A_900 : memref<100x4x768xf32, #tpu.memory_space<hbm>>) target(%dma_start3A_894 : memref<8x4x768xf32, #tpu.memory_space<vmem>>) offsets(%dma_start3A_896 : memref<8xi32, #tpu.memory_space<vmem>>) semaphore(%arg11 : memref<!tpu.dma_semaphore, #tpu.memory_space<semaphore_mem>>)
    %dma_wait3A_901 = arith.constant 4 : i32
    %dma_wait3A_902 = arith.constant 0 : i32
    %dma_wait3A_903 = arith.constant 0 : i32
    %dma_wait3A_904 = arith.constant 0 : i32
    %dma_wait3A_905 = tpu.memref_slice %arg7[%dma_wait3A_901, %dma_wait3A_902, %dma_wait3A_903, %dma_wait3A_904] : memref<5x8x4x768xf32, #tpu.memory_space<vmem>> -> memref<1x8x4x768xf32, #tpu.memory_space<vmem>>
    %dma_wait3A_906 = tpu.memref_squeeze %dma_wait3A_905 : memref<1x8x4x768xf32, #tpu.memory_space<vmem>> -> memref<8x4x768xf32, #tpu.memory_space<vmem>>
    %dma_wait3A_907 = arith.constant 56 : i32
    %dma_wait3A_908 = tpu.memref_slice %arg6[%dma_wait3A_907] : memref<128xi32, #tpu.memory_space<vmem>> -> memref<8xi32, #tpu.memory_space<vmem>>
    %dma_wait3A_909 = arith.constant 0 : i32
    %dma_wait3A_910 = arith.constant 0 : i32
    %dma_wait3A_911 = arith.constant 0 : i32
    %dma_wait3A_912 = tpu.memref_slice %arg2[%dma_wait3A_909, %dma_wait3A_910, %dma_wait3A_911] : memref<100x8x768xf32, #tpu.memory_space<hbm>> -> memref<100x4x768xf32, #tpu.memory_space<hbm>>
    tpu.wait_indirect_dma semaphore(%arg12 : memref<!tpu.dma_semaphore, #tpu.memory_space<semaphore_mem>>) src(%dma_wait3A_912 : memref<100x4x768xf32, #tpu.memory_space<hbm>>) dst(%dma_wait3A_906 : memref<8x4x768xf32, #tpu.memory_space<vmem>>)
    %add3A_913 = arith.constant 56 : i32
    %add3A_914 = arith.addi %mul3A_2, %add3A_913 : i32
    %dma_start3A_915 = arith.constant 4 : i32
    %dma_start3A_916 = arith.constant 0 : i32
    %dma_start3A_917 = arith.constant 0 : i32
    %dma_start3A_918 = arith.constant 0 : i32
    %dma_start3A_919 = tpu.memref_slice %arg7[%dma_start3A_915, %dma_start3A_916, %dma_start3A_917, %dma_start3A_918] : memref<5x8x4x768xf32, #tpu.memory_space<vmem>> -> memref<1x8x4x768xf32, #tpu.memory_space<vmem>>
    %dma_start3A_920 = tpu.memref_squeeze %dma_start3A_919 : memref<1x8x4x768xf32, #tpu.memory_space<vmem>> -> memref<8x4x768xf32, #tpu.memory_space<vmem>>
    %dma_start3A_921 = arith.constant 0 : i32
    %dma_start3A_922 = arith.constant 0 : i32
    %dma_start3A_923 = tpu.memref_slice %arg4[%add3A_914, %dma_start3A_921, %dma_start3A_922] : memref<4096x4x768xf32, #tpu.memory_space<hbm>> -> memref<8x4x768xf32, #tpu.memory_space<hbm>>
    %dma_start3A_924 = arith.constant 0 : i32
    %dma_start3A_925 = arith.constant 0 : i32
    %dma_start3A_926 = tpu.memref_slice %arg4[%add3A_914, %dma_start3A_924, %dma_start3A_925] : memref<4096x4x768xf32, #tpu.memory_space<hbm>> -> memref<8x4x768xf32, #tpu.memory_space<hbm>>
    %dma_start3A_927 = arith.constant 0 : i32
    %dma_start3A_928 = arith.constant 0 : i32
    %dma_start3A_929 = arith.constant 0 : i32
    %dma_start3A_930 = tpu.memref_slice %arg7[%dma_start3A_915, %dma_start3A_927, %dma_start3A_928, %dma_start3A_929] : memref<5x8x4x768xf32, #tpu.memory_space<vmem>> -> memref<1x8x4x768xf32, #tpu.memory_space<vmem>>
    %dma_start3A_931 = tpu.memref_squeeze %dma_start3A_930 : memref<1x8x4x768xf32, #tpu.memory_space<vmem>> -> memref<8x4x768xf32, #tpu.memory_space<vmem>>
    tpu.enqueue_dma source(%dma_start3A_931 : memref<8x4x768xf32, #tpu.memory_space<vmem>>) target(%dma_start3A_926 : memref<8x4x768xf32, #tpu.memory_space<hbm>>) target_semaphore(%arg17 : memref<!tpu.dma_semaphore, #tpu.memory_space<semaphore_mem>>)
    %dma_wait3A_932 = arith.constant 4 : i32
    %dma_wait3A_933 = arith.constant 0 : i32
    %dma_wait3A_934 = arith.constant 0 : i32
    %dma_wait3A_935 = arith.constant 0 : i32
    %dma_wait3A_936 = tpu.memref_slice %arg7[%dma_wait3A_932, %dma_wait3A_933, %dma_wait3A_934, %dma_wait3A_935] : memref<5x8x4x768xf32, #tpu.memory_space<vmem>> -> memref<1x8x4x768xf32, #tpu.memory_space<vmem>>
    %dma_wait3A_937 = tpu.memref_squeeze %dma_wait3A_936 : memref<1x8x4x768xf32, #tpu.memory_space<vmem>> -> memref<8x4x768xf32, #tpu.memory_space<vmem>>
    %dma_wait3A_938 = arith.constant 0 : i32
    %dma_wait3A_939 = arith.constant 0 : i32
    %dma_wait3A_940 = tpu.memref_slice %arg4[%add3A_914, %dma_wait3A_938, %dma_wait3A_939] : memref<4096x4x768xf32, #tpu.memory_space<hbm>> -> memref<8x4x768xf32, #tpu.memory_space<hbm>>
    %dma_wait3A_941 = arith.constant 0 : i32
    %dma_wait3A_942 = arith.constant 0 : i32
    %dma_wait3A_943 = tpu.memref_slice %arg4[%add3A_914, %dma_wait3A_941, %dma_wait3A_942] : memref<4096x4x768xf32, #tpu.memory_space<hbm>> -> memref<8x4x768xf32, #tpu.memory_space<hbm>>
    %dma_wait3A_944 = arith.constant 0 : i32
    %dma_wait3A_945 = arith.constant 0 : i32
    %dma_wait3A_946 = arith.constant 0 : i32
    %dma_wait3A_947 = tpu.memref_slice %arg7[%dma_wait3A_932, %dma_wait3A_944, %dma_wait3A_945, %dma_wait3A_946] : memref<5x8x4x768xf32, #tpu.memory_space<vmem>> -> memref<1x8x4x768xf32, #tpu.memory_space<vmem>>
    %dma_wait3A_948 = tpu.memref_squeeze %dma_wait3A_947 : memref<1x8x4x768xf32, #tpu.memory_space<vmem>> -> memref<8x4x768xf32, #tpu.memory_space<vmem>>
    tpu.wait_dma2 semaphore(%arg17 : memref<!tpu.dma_semaphore, #tpu.memory_space<semaphore_mem>>) src(%dma_wait3A_948 : memref<8x4x768xf32, #tpu.memory_space<vmem>>) dst(%dma_wait3A_943 : memref<8x4x768xf32, #tpu.memory_space<hbm>>)
    %dma_start3A_949 = arith.constant 4 : i32
    %dma_start3A_950 = arith.constant 0 : i32
    %dma_start3A_951 = arith.constant 0 : i32
    %dma_start3A_952 = arith.constant 0 : i32
    %dma_start3A_953 = tpu.memref_slice %arg7[%dma_start3A_949, %dma_start3A_950, %dma_start3A_951, %dma_start3A_952] : memref<5x8x4x768xf32, #tpu.memory_space<vmem>> -> memref<1x8x4x768xf32, #tpu.memory_space<vmem>>
    %dma_start3A_954 = tpu.memref_squeeze %dma_start3A_953 : memref<1x8x4x768xf32, #tpu.memory_space<vmem>> -> memref<8x4x768xf32, #tpu.memory_space<vmem>>
    %dma_start3A_955 = arith.constant 72 : i32
    %dma_start3A_956 = tpu.memref_slice %arg6[%dma_start3A_955] : memref<128xi32, #tpu.memory_space<vmem>> -> memref<8xi32, #tpu.memory_space<vmem>>
    %dma_start3A_957 = arith.constant 0 : i32
    %dma_start3A_958 = arith.constant 4 : i32
    %dma_start3A_959 = arith.constant 0 : i32
    %dma_start3A_960 = tpu.memref_slice %arg2[%dma_start3A_957, %dma_start3A_958, %dma_start3A_959] : memref<100x8x768xf32, #tpu.memory_space<hbm>> -> memref<100x4x768xf32, #tpu.memory_space<hbm>>
    tpu.enqueue_indirect_dma source(%dma_start3A_960 : memref<100x4x768xf32, #tpu.memory_space<hbm>>) target(%dma_start3A_954 : memref<8x4x768xf32, #tpu.memory_space<vmem>>) offsets(%dma_start3A_956 : memref<8xi32, #tpu.memory_space<vmem>>) semaphore(%arg12 : memref<!tpu.dma_semaphore, #tpu.memory_space<semaphore_mem>>)
    %dma_wait3A_961 = arith.constant 0 : i32
    %dma_wait3A_962 = arith.constant 0 : i32
    %dma_wait3A_963 = arith.constant 0 : i32
    %dma_wait3A_964 = arith.constant 0 : i32
    %dma_wait3A_965 = tpu.memref_slice %arg7[%dma_wait3A_961, %dma_wait3A_962, %dma_wait3A_963, %dma_wait3A_964] : memref<5x8x4x768xf32, #tpu.memory_space<vmem>> -> memref<1x8x4x768xf32, #tpu.memory_space<vmem>>
    %dma_wait3A_966 = tpu.memref_squeeze %dma_wait3A_965 : memref<1x8x4x768xf32, #tpu.memory_space<vmem>> -> memref<8x4x768xf32, #tpu.memory_space<vmem>>
    %dma_wait3A_967 = arith.constant 56 : i32
    %dma_wait3A_968 = tpu.memref_slice %arg6[%dma_wait3A_967] : memref<128xi32, #tpu.memory_space<vmem>> -> memref<8xi32, #tpu.memory_space<vmem>>
    %dma_wait3A_969 = arith.constant 0 : i32
    %dma_wait3A_970 = arith.constant 4 : i32
    %dma_wait3A_971 = arith.constant 0 : i32
    %dma_wait3A_972 = tpu.memref_slice %arg2[%dma_wait3A_969, %dma_wait3A_970, %dma_wait3A_971] : memref<100x8x768xf32, #tpu.memory_space<hbm>> -> memref<100x4x768xf32, #tpu.memory_space<hbm>>
    tpu.wait_indirect_dma semaphore(%arg8 : memref<!tpu.dma_semaphore, #tpu.memory_space<semaphore_mem>>) src(%dma_wait3A_972 : memref<100x4x768xf32, #tpu.memory_space<hbm>>) dst(%dma_wait3A_966 : memref<8x4x768xf32, #tpu.memory_space<vmem>>)
    %add3A_973 = arith.constant 56 : i32
    %add3A_974 = arith.addi %mul3A_2, %add3A_973 : i32
    %dma_start3A_975 = arith.constant 0 : i32
    %dma_start3A_976 = arith.constant 0 : i32
    %dma_start3A_977 = arith.constant 0 : i32
    %dma_start3A_978 = arith.constant 0 : i32
    %dma_start3A_979 = tpu.memref_slice %arg7[%dma_start3A_975, %dma_start3A_976, %dma_start3A_977, %dma_start3A_978] : memref<5x8x4x768xf32, #tpu.memory_space<vmem>> -> memref<1x8x4x768xf32, #tpu.memory_space<vmem>>
    %dma_start3A_980 = tpu.memref_squeeze %dma_start3A_979 : memref<1x8x4x768xf32, #tpu.memory_space<vmem>> -> memref<8x4x768xf32, #tpu.memory_space<vmem>>
    %dma_start3A_981 = arith.constant 0 : i32
    %dma_start3A_982 = arith.constant 0 : i32
    %dma_start3A_983 = tpu.memref_slice %arg5[%add3A_974, %dma_start3A_981, %dma_start3A_982] : memref<4096x4x768xf32, #tpu.memory_space<hbm>> -> memref<8x4x768xf32, #tpu.memory_space<hbm>>
    %dma_start3A_984 = arith.constant 0 : i32
    %dma_start3A_985 = arith.constant 0 : i32
    %dma_start3A_986 = tpu.memref_slice %arg5[%add3A_974, %dma_start3A_984, %dma_start3A_985] : memref<4096x4x768xf32, #tpu.memory_space<hbm>> -> memref<8x4x768xf32, #tpu.memory_space<hbm>>
    %dma_start3A_987 = arith.constant 0 : i32
    %dma_start3A_988 = arith.constant 0 : i32
    %dma_start3A_989 = arith.constant 0 : i32
    %dma_start3A_990 = tpu.memref_slice %arg7[%dma_start3A_975, %dma_start3A_987, %dma_start3A_988, %dma_start3A_989] : memref<5x8x4x768xf32, #tpu.memory_space<vmem>> -> memref<1x8x4x768xf32, #tpu.memory_space<vmem>>
    %dma_start3A_991 = tpu.memref_squeeze %dma_start3A_990 : memref<1x8x4x768xf32, #tpu.memory_space<vmem>> -> memref<8x4x768xf32, #tpu.memory_space<vmem>>
    tpu.enqueue_dma source(%dma_start3A_991 : memref<8x4x768xf32, #tpu.memory_space<vmem>>) target(%dma_start3A_986 : memref<8x4x768xf32, #tpu.memory_space<hbm>>) target_semaphore(%arg13 : memref<!tpu.dma_semaphore, #tpu.memory_space<semaphore_mem>>)
    %dma_wait3A_992 = arith.constant 0 : i32
    %dma_wait3A_993 = arith.constant 0 : i32
    %dma_wait3A_994 = arith.constant 0 : i32
    %dma_wait3A_995 = arith.constant 0 : i32
    %dma_wait3A_996 = tpu.memref_slice %arg7[%dma_wait3A_992, %dma_wait3A_993, %dma_wait3A_994, %dma_wait3A_995] : memref<5x8x4x768xf32, #tpu.memory_space<vmem>> -> memref<1x8x4x768xf32, #tpu.memory_space<vmem>>
    %dma_wait3A_997 = tpu.memref_squeeze %dma_wait3A_996 : memref<1x8x4x768xf32, #tpu.memory_space<vmem>> -> memref<8x4x768xf32, #tpu.memory_space<vmem>>
    %dma_wait3A_998 = arith.constant 0 : i32
    %dma_wait3A_999 = arith.constant 0 : i32
    %dma_wait3A_1000 = tpu.memref_slice %arg5[%add3A_974, %dma_wait3A_998, %dma_wait3A_999] : memref<4096x4x768xf32, #tpu.memory_space<hbm>> -> memref<8x4x768xf32, #tpu.memory_space<hbm>>
    %dma_wait3A_1001 = arith.constant 0 : i32
    %dma_wait3A_1002 = arith.constant 0 : i32
    %dma_wait3A_1003 = tpu.memref_slice %arg5[%add3A_974, %dma_wait3A_1001, %dma_wait3A_1002] : memref<4096x4x768xf32, #tpu.memory_space<hbm>> -> memref<8x4x768xf32, #tpu.memory_space<hbm>>
    %dma_wait3A_1004 = arith.constant 0 : i32
    %dma_wait3A_1005 = arith.constant 0 : i32
    %dma_wait3A_1006 = arith.constant 0 : i32
    %dma_wait3A_1007 = tpu.memref_slice %arg7[%dma_wait3A_992, %dma_wait3A_1004, %dma_wait3A_1005, %dma_wait3A_1006] : memref<5x8x4x768xf32, #tpu.memory_space<vmem>> -> memref<1x8x4x768xf32, #tpu.memory_space<vmem>>
    %dma_wait3A_1008 = tpu.memref_squeeze %dma_wait3A_1007 : memref<1x8x4x768xf32, #tpu.memory_space<vmem>> -> memref<8x4x768xf32, #tpu.memory_space<vmem>>
    tpu.wait_dma2 semaphore(%arg13 : memref<!tpu.dma_semaphore, #tpu.memory_space<semaphore_mem>>) src(%dma_wait3A_1008 : memref<8x4x768xf32, #tpu.memory_space<vmem>>) dst(%dma_wait3A_1003 : memref<8x4x768xf32, #tpu.memory_space<hbm>>)
    %dma_start3A_1009 = arith.constant 0 : i32
    %dma_start3A_1010 = arith.constant 0 : i32
    %dma_start3A_1011 = arith.constant 0 : i32
    %dma_start3A_1012 = arith.constant 0 : i32
    %dma_start3A_1013 = tpu.memref_slice %arg7[%dma_start3A_1009, %dma_start3A_1010, %dma_start3A_1011, %dma_start3A_1012] : memref<5x8x4x768xf32, #tpu.memory_space<vmem>> -> memref<1x8x4x768xf32, #tpu.memory_space<vmem>>
    %dma_start3A_1014 = tpu.memref_squeeze %dma_start3A_1013 : memref<1x8x4x768xf32, #tpu.memory_space<vmem>> -> memref<8x4x768xf32, #tpu.memory_space<vmem>>
    %dma_start3A_1015 = arith.constant 80 : i32
    %dma_start3A_1016 = tpu.memref_slice %arg6[%dma_start3A_1015] : memref<128xi32, #tpu.memory_space<vmem>> -> memref<8xi32, #tpu.memory_space<vmem>>
    %dma_start3A_1017 = arith.constant 0 : i32
    %dma_start3A_1018 = arith.constant 0 : i32
    %dma_start3A_1019 = arith.constant 0 : i32
    %dma_start3A_1020 = tpu.memref_slice %arg2[%dma_start3A_1017, %dma_start3A_1018, %dma_start3A_1019] : memref<100x8x768xf32, #tpu.memory_space<hbm>> -> memref<100x4x768xf32, #tpu.memory_space<hbm>>
    tpu.enqueue_indirect_dma source(%dma_start3A_1020 : memref<100x4x768xf32, #tpu.memory_space<hbm>>) target(%dma_start3A_1014 : memref<8x4x768xf32, #tpu.memory_space<vmem>>) offsets(%dma_start3A_1016 : memref<8xi32, #tpu.memory_space<vmem>>) semaphore(%arg8 : memref<!tpu.dma_semaphore, #tpu.memory_space<semaphore_mem>>)
    %dma_wait3A_1021 = arith.constant 1 : i32
    %dma_wait3A_1022 = arith.constant 0 : i32
    %dma_wait3A_1023 = arith.constant 0 : i32
    %dma_wait3A_1024 = arith.constant 0 : i32
    %dma_wait3A_1025 = tpu.memref_slice %arg7[%dma_wait3A_1021, %dma_wait3A_1022, %dma_wait3A_1023, %dma_wait3A_1024] : memref<5x8x4x768xf32, #tpu.memory_space<vmem>> -> memref<1x8x4x768xf32, #tpu.memory_space<vmem>>
    %dma_wait3A_1026 = tpu.memref_squeeze %dma_wait3A_1025 : memref<1x8x4x768xf32, #tpu.memory_space<vmem>> -> memref<8x4x768xf32, #tpu.memory_space<vmem>>
    %dma_wait3A_1027 = arith.constant 64 : i32
    %dma_wait3A_1028 = tpu.memref_slice %arg6[%dma_wait3A_1027] : memref<128xi32, #tpu.memory_space<vmem>> -> memref<8xi32, #tpu.memory_space<vmem>>
    %dma_wait3A_1029 = arith.constant 0 : i32
    %dma_wait3A_1030 = arith.constant 0 : i32
    %dma_wait3A_1031 = arith.constant 0 : i32
    %dma_wait3A_1032 = tpu.memref_slice %arg2[%dma_wait3A_1029, %dma_wait3A_1030, %dma_wait3A_1031] : memref<100x8x768xf32, #tpu.memory_space<hbm>> -> memref<100x4x768xf32, #tpu.memory_space<hbm>>
    tpu.wait_indirect_dma semaphore(%arg9 : memref<!tpu.dma_semaphore, #tpu.memory_space<semaphore_mem>>) src(%dma_wait3A_1032 : memref<100x4x768xf32, #tpu.memory_space<hbm>>) dst(%dma_wait3A_1026 : memref<8x4x768xf32, #tpu.memory_space<vmem>>)
    %add3A_1033 = arith.constant 64 : i32
    %add3A_1034 = arith.addi %mul3A_2, %add3A_1033 : i32
    %dma_start3A_1035 = arith.constant 1 : i32
    %dma_start3A_1036 = arith.constant 0 : i32
    %dma_start3A_1037 = arith.constant 0 : i32
    %dma_start3A_1038 = arith.constant 0 : i32
    %dma_start3A_1039 = tpu.memref_slice %arg7[%dma_start3A_1035, %dma_start3A_1036, %dma_start3A_1037, %dma_start3A_1038] : memref<5x8x4x768xf32, #tpu.memory_space<vmem>> -> memref<1x8x4x768xf32, #tpu.memory_space<vmem>>
    %dma_start3A_1040 = tpu.memref_squeeze %dma_start3A_1039 : memref<1x8x4x768xf32, #tpu.memory_space<vmem>> -> memref<8x4x768xf32, #tpu.memory_space<vmem>>
    %dma_start3A_1041 = arith.constant 0 : i32
    %dma_start3A_1042 = arith.constant 0 : i32
    %dma_start3A_1043 = tpu.memref_slice %arg4[%add3A_1034, %dma_start3A_1041, %dma_start3A_1042] : memref<4096x4x768xf32, #tpu.memory_space<hbm>> -> memref<8x4x768xf32, #tpu.memory_space<hbm>>
    %dma_start3A_1044 = arith.constant 0 : i32
    %dma_start3A_1045 = arith.constant 0 : i32
    %dma_start3A_1046 = tpu.memref_slice %arg4[%add3A_1034, %dma_start3A_1044, %dma_start3A_1045] : memref<4096x4x768xf32, #tpu.memory_space<hbm>> -> memref<8x4x768xf32, #tpu.memory_space<hbm>>
    %dma_start3A_1047 = arith.constant 0 : i32
    %dma_start3A_1048 = arith.constant 0 : i32
    %dma_start3A_1049 = arith.constant 0 : i32
    %dma_start3A_1050 = tpu.memref_slice %arg7[%dma_start3A_1035, %dma_start3A_1047, %dma_start3A_1048, %dma_start3A_1049] : memref<5x8x4x768xf32, #tpu.memory_space<vmem>> -> memref<1x8x4x768xf32, #tpu.memory_space<vmem>>
    %dma_start3A_1051 = tpu.memref_squeeze %dma_start3A_1050 : memref<1x8x4x768xf32, #tpu.memory_space<vmem>> -> memref<8x4x768xf32, #tpu.memory_space<vmem>>
    tpu.enqueue_dma source(%dma_start3A_1051 : memref<8x4x768xf32, #tpu.memory_space<vmem>>) target(%dma_start3A_1046 : memref<8x4x768xf32, #tpu.memory_space<hbm>>) target_semaphore(%arg14 : memref<!tpu.dma_semaphore, #tpu.memory_space<semaphore_mem>>)
    %dma_wait3A_1052 = arith.constant 1 : i32
    %dma_wait3A_1053 = arith.constant 0 : i32
    %dma_wait3A_1054 = arith.constant 0 : i32
    %dma_wait3A_1055 = arith.constant 0 : i32
    %dma_wait3A_1056 = tpu.memref_slice %arg7[%dma_wait3A_1052, %dma_wait3A_1053, %dma_wait3A_1054, %dma_wait3A_1055] : memref<5x8x4x768xf32, #tpu.memory_space<vmem>> -> memref<1x8x4x768xf32, #tpu.memory_space<vmem>>
    %dma_wait3A_1057 = tpu.memref_squeeze %dma_wait3A_1056 : memref<1x8x4x768xf32, #tpu.memory_space<vmem>> -> memref<8x4x768xf32, #tpu.memory_space<vmem>>
    %dma_wait3A_1058 = arith.constant 0 : i32
    %dma_wait3A_1059 = arith.constant 0 : i32
    %dma_wait3A_1060 = tpu.memref_slice %arg4[%add3A_1034, %dma_wait3A_1058, %dma_wait3A_1059] : memref<4096x4x768xf32, #tpu.memory_space<hbm>> -> memref<8x4x768xf32, #tpu.memory_space<hbm>>
    %dma_wait3A_1061 = arith.constant 0 : i32
    %dma_wait3A_1062 = arith.constant 0 : i32
    %dma_wait3A_1063 = tpu.memref_slice %arg4[%add3A_1034, %dma_wait3A_1061, %dma_wait3A_1062] : memref<4096x4x768xf32, #tpu.memory_space<hbm>> -> memref<8x4x768xf32, #tpu.memory_space<hbm>>
    %dma_wait3A_1064 = arith.constant 0 : i32
    %dma_wait3A_1065 = arith.constant 0 : i32
    %dma_wait3A_1066 = arith.constant 0 : i32
    %dma_wait3A_1067 = tpu.memref_slice %arg7[%dma_wait3A_1052, %dma_wait3A_1064, %dma_wait3A_1065, %dma_wait3A_1066] : memref<5x8x4x768xf32, #tpu.memory_space<vmem>> -> memref<1x8x4x768xf32, #tpu.memory_space<vmem>>
    %dma_wait3A_1068 = tpu.memref_squeeze %dma_wait3A_1067 : memref<1x8x4x768xf32, #tpu.memory_space<vmem>> -> memref<8x4x768xf32, #tpu.memory_space<vmem>>
    tpu.wait_dma2 semaphore(%arg14 : memref<!tpu.dma_semaphore, #tpu.memory_space<semaphore_mem>>) src(%dma_wait3A_1068 : memref<8x4x768xf32, #tpu.memory_space<vmem>>) dst(%dma_wait3A_1063 : memref<8x4x768xf32, #tpu.memory_space<hbm>>)
    %dma_start3A_1069 = arith.constant 1 : i32
    %dma_start3A_1070 = arith.constant 0 : i32
    %dma_start3A_1071 = arith.constant 0 : i32
    %dma_start3A_1072 = arith.constant 0 : i32
    %dma_start3A_1073 = tpu.memref_slice %arg7[%dma_start3A_1069, %dma_start3A_1070, %dma_start3A_1071, %dma_start3A_1072] : memref<5x8x4x768xf32, #tpu.memory_space<vmem>> -> memref<1x8x4x768xf32, #tpu.memory_space<vmem>>
    %dma_start3A_1074 = tpu.memref_squeeze %dma_start3A_1073 : memref<1x8x4x768xf32, #tpu.memory_space<vmem>> -> memref<8x4x768xf32, #tpu.memory_space<vmem>>
    %dma_start3A_1075 = arith.constant 80 : i32
    %dma_start3A_1076 = tpu.memref_slice %arg6[%dma_start3A_1075] : memref<128xi32, #tpu.memory_space<vmem>> -> memref<8xi32, #tpu.memory_space<vmem>>
    %dma_start3A_1077 = arith.constant 0 : i32
    %dma_start3A_1078 = arith.constant 4 : i32
    %dma_start3A_1079 = arith.constant 0 : i32
    %dma_start3A_1080 = tpu.memref_slice %arg2[%dma_start3A_1077, %dma_start3A_1078, %dma_start3A_1079] : memref<100x8x768xf32, #tpu.memory_space<hbm>> -> memref<100x4x768xf32, #tpu.memory_space<hbm>>
    tpu.enqueue_indirect_dma source(%dma_start3A_1080 : memref<100x4x768xf32, #tpu.memory_space<hbm>>) target(%dma_start3A_1074 : memref<8x4x768xf32, #tpu.memory_space<vmem>>) offsets(%dma_start3A_1076 : memref<8xi32, #tpu.memory_space<vmem>>) semaphore(%arg9 : memref<!tpu.dma_semaphore, #tpu.memory_space<semaphore_mem>>)
    %dma_wait3A_1081 = arith.constant 2 : i32
    %dma_wait3A_1082 = arith.constant 0 : i32
    %dma_wait3A_1083 = arith.constant 0 : i32
    %dma_wait3A_1084 = arith.constant 0 : i32
    %dma_wait3A_1085 = tpu.memref_slice %arg7[%dma_wait3A_1081, %dma_wait3A_1082, %dma_wait3A_1083, %dma_wait3A_1084] : memref<5x8x4x768xf32, #tpu.memory_space<vmem>> -> memref<1x8x4x768xf32, #tpu.memory_space<vmem>>
    %dma_wait3A_1086 = tpu.memref_squeeze %dma_wait3A_1085 : memref<1x8x4x768xf32, #tpu.memory_space<vmem>> -> memref<8x4x768xf32, #tpu.memory_space<vmem>>
    %dma_wait3A_1087 = arith.constant 64 : i32
    %dma_wait3A_1088 = tpu.memref_slice %arg6[%dma_wait3A_1087] : memref<128xi32, #tpu.memory_space<vmem>> -> memref<8xi32, #tpu.memory_space<vmem>>
    %dma_wait3A_1089 = arith.constant 0 : i32
    %dma_wait3A_1090 = arith.constant 4 : i32
    %dma_wait3A_1091 = arith.constant 0 : i32
    %dma_wait3A_1092 = tpu.memref_slice %arg2[%dma_wait3A_1089, %dma_wait3A_1090, %dma_wait3A_1091] : memref<100x8x768xf32, #tpu.memory_space<hbm>> -> memref<100x4x768xf32, #tpu.memory_space<hbm>>
    tpu.wait_indirect_dma semaphore(%arg10 : memref<!tpu.dma_semaphore, #tpu.memory_space<semaphore_mem>>) src(%dma_wait3A_1092 : memref<100x4x768xf32, #tpu.memory_space<hbm>>) dst(%dma_wait3A_1086 : memref<8x4x768xf32, #tpu.memory_space<vmem>>)
    %add3A_1093 = arith.constant 64 : i32
    %add3A_1094 = arith.addi %mul3A_2, %add3A_1093 : i32
    %dma_start3A_1095 = arith.constant 2 : i32
    %dma_start3A_1096 = arith.constant 0 : i32
    %dma_start3A_1097 = arith.constant 0 : i32
    %dma_start3A_1098 = arith.constant 0 : i32
    %dma_start3A_1099 = tpu.memref_slice %arg7[%dma_start3A_1095, %dma_start3A_1096, %dma_start3A_1097, %dma_start3A_1098] : memref<5x8x4x768xf32, #tpu.memory_space<vmem>> -> memref<1x8x4x768xf32, #tpu.memory_space<vmem>>
    %dma_start3A_1100 = tpu.memref_squeeze %dma_start3A_1099 : memref<1x8x4x768xf32, #tpu.memory_space<vmem>> -> memref<8x4x768xf32, #tpu.memory_space<vmem>>
    %dma_start3A_1101 = arith.constant 0 : i32
    %dma_start3A_1102 = arith.constant 0 : i32
    %dma_start3A_1103 = tpu.memref_slice %arg5[%add3A_1094, %dma_start3A_1101, %dma_start3A_1102] : memref<4096x4x768xf32, #tpu.memory_space<hbm>> -> memref<8x4x768xf32, #tpu.memory_space<hbm>>
    %dma_start3A_1104 = arith.constant 0 : i32
    %dma_start3A_1105 = arith.constant 0 : i32
    %dma_start3A_1106 = tpu.memref_slice %arg5[%add3A_1094, %dma_start3A_1104, %dma_start3A_1105] : memref<4096x4x768xf32, #tpu.memory_space<hbm>> -> memref<8x4x768xf32, #tpu.memory_space<hbm>>
    %dma_start3A_1107 = arith.constant 0 : i32
    %dma_start3A_1108 = arith.constant 0 : i32
    %dma_start3A_1109 = arith.constant 0 : i32
    %dma_start3A_1110 = tpu.memref_slice %arg7[%dma_start3A_1095, %dma_start3A_1107, %dma_start3A_1108, %dma_start3A_1109] : memref<5x8x4x768xf32, #tpu.memory_space<vmem>> -> memref<1x8x4x768xf32, #tpu.memory_space<vmem>>
    %dma_start3A_1111 = tpu.memref_squeeze %dma_start3A_1110 : memref<1x8x4x768xf32, #tpu.memory_space<vmem>> -> memref<8x4x768xf32, #tpu.memory_space<vmem>>
    tpu.enqueue_dma source(%dma_start3A_1111 : memref<8x4x768xf32, #tpu.memory_space<vmem>>) target(%dma_start3A_1106 : memref<8x4x768xf32, #tpu.memory_space<hbm>>) target_semaphore(%arg15 : memref<!tpu.dma_semaphore, #tpu.memory_space<semaphore_mem>>)
    %dma_wait3A_1112 = arith.constant 2 : i32
    %dma_wait3A_1113 = arith.constant 0 : i32
    %dma_wait3A_1114 = arith.constant 0 : i32
    %dma_wait3A_1115 = arith.constant 0 : i32
    %dma_wait3A_1116 = tpu.memref_slice %arg7[%dma_wait3A_1112, %dma_wait3A_1113, %dma_wait3A_1114, %dma_wait3A_1115] : memref<5x8x4x768xf32, #tpu.memory_space<vmem>> -> memref<1x8x4x768xf32, #tpu.memory_space<vmem>>
    %dma_wait3A_1117 = tpu.memref_squeeze %dma_wait3A_1116 : memref<1x8x4x768xf32, #tpu.memory_space<vmem>> -> memref<8x4x768xf32, #tpu.memory_space<vmem>>
    %dma_wait3A_1118 = arith.constant 0 : i32
    %dma_wait3A_1119 = arith.constant 0 : i32
    %dma_wait3A_1120 = tpu.memref_slice %arg5[%add3A_1094, %dma_wait3A_1118, %dma_wait3A_1119] : memref<4096x4x768xf32, #tpu.memory_space<hbm>> -> memref<8x4x768xf32, #tpu.memory_space<hbm>>
    %dma_wait3A_1121 = arith.constant 0 : i32
    %dma_wait3A_1122 = arith.constant 0 : i32
    %dma_wait3A_1123 = tpu.memref_slice %arg5[%add3A_1094, %dma_wait3A_1121, %dma_wait3A_1122] : memref<4096x4x768xf32, #tpu.memory_space<hbm>> -> memref<8x4x768xf32, #tpu.memory_space<hbm>>
    %dma_wait3A_1124 = arith.constant 0 : i32
    %dma_wait3A_1125 = arith.constant 0 : i32
    %dma_wait3A_1126 = arith.constant 0 : i32
    %dma_wait3A_1127 = tpu.memref_slice %arg7[%dma_wait3A_1112, %dma_wait3A_1124, %dma_wait3A_1125, %dma_wait3A_1126] : memref<5x8x4x768xf32, #tpu.memory_space<vmem>> -> memref<1x8x4x768xf32, #tpu.memory_space<vmem>>
    %dma_wait3A_1128 = tpu.memref_squeeze %dma_wait3A_1127 : memref<1x8x4x768xf32, #tpu.memory_space<vmem>> -> memref<8x4x768xf32, #tpu.memory_space<vmem>>
    tpu.wait_dma2 semaphore(%arg15 : memref<!tpu.dma_semaphore, #tpu.memory_space<semaphore_mem>>) src(%dma_wait3A_1128 : memref<8x4x768xf32, #tpu.memory_space<vmem>>) dst(%dma_wait3A_1123 : memref<8x4x768xf32, #tpu.memory_space<hbm>>)
    %dma_start3A_1129 = arith.constant 2 : i32
    %dma_start3A_1130 = arith.constant 0 : i32
    %dma_start3A_1131 = arith.constant 0 : i32
    %dma_start3A_1132 = arith.constant 0 : i32
    %dma_start3A_1133 = tpu.memref_slice %arg7[%dma_start3A_1129, %dma_start3A_1130, %dma_start3A_1131, %dma_start3A_1132] : memref<5x8x4x768xf32, #tpu.memory_space<vmem>> -> memref<1x8x4x768xf32, #tpu.memory_space<vmem>>
    %dma_start3A_1134 = tpu.memref_squeeze %dma_start3A_1133 : memref<1x8x4x768xf32, #tpu.memory_space<vmem>> -> memref<8x4x768xf32, #tpu.memory_space<vmem>>
    %dma_start3A_1135 = arith.constant 88 : i32
    %dma_start3A_1136 = tpu.memref_slice %arg6[%dma_start3A_1135] : memref<128xi32, #tpu.memory_space<vmem>> -> memref<8xi32, #tpu.memory_space<vmem>>
    %dma_start3A_1137 = arith.constant 0 : i32
    %dma_start3A_1138 = arith.constant 0 : i32
    %dma_start3A_1139 = arith.constant 0 : i32
    %dma_start3A_1140 = tpu.memref_slice %arg2[%dma_start3A_1137, %dma_start3A_1138, %dma_start3A_1139] : memref<100x8x768xf32, #tpu.memory_space<hbm>> -> memref<100x4x768xf32, #tpu.memory_space<hbm>>
    tpu.enqueue_indirect_dma source(%dma_start3A_1140 : memref<100x4x768xf32, #tpu.memory_space<hbm>>) target(%dma_start3A_1134 : memref<8x4x768xf32, #tpu.memory_space<vmem>>) offsets(%dma_start3A_1136 : memref<8xi32, #tpu.memory_space<vmem>>) semaphore(%arg10 : memref<!tpu.dma_semaphore, #tpu.memory_space<semaphore_mem>>)
    %dma_wait3A_1141 = arith.constant 3 : i32
    %dma_wait3A_1142 = arith.constant 0 : i32
    %dma_wait3A_1143 = arith.constant 0 : i32
    %dma_wait3A_1144 = arith.constant 0 : i32
    %dma_wait3A_1145 = tpu.memref_slice %arg7[%dma_wait3A_1141, %dma_wait3A_1142, %dma_wait3A_1143, %dma_wait3A_1144] : memref<5x8x4x768xf32, #tpu.memory_space<vmem>> -> memref<1x8x4x768xf32, #tpu.memory_space<vmem>>
    %dma_wait3A_1146 = tpu.memref_squeeze %dma_wait3A_1145 : memref<1x8x4x768xf32, #tpu.memory_space<vmem>> -> memref<8x4x768xf32, #tpu.memory_space<vmem>>
    %dma_wait3A_1147 = arith.constant 72 : i32
    %dma_wait3A_1148 = tpu.memref_slice %arg6[%dma_wait3A_1147] : memref<128xi32, #tpu.memory_space<vmem>> -> memref<8xi32, #tpu.memory_space<vmem>>
    %dma_wait3A_1149 = arith.constant 0 : i32
    %dma_wait3A_1150 = arith.constant 0 : i32
    %dma_wait3A_1151 = arith.constant 0 : i32
    %dma_wait3A_1152 = tpu.memref_slice %arg2[%dma_wait3A_1149, %dma_wait3A_1150, %dma_wait3A_1151] : memref<100x8x768xf32, #tpu.memory_space<hbm>> -> memref<100x4x768xf32, #tpu.memory_space<hbm>>
    tpu.wait_indirect_dma semaphore(%arg11 : memref<!tpu.dma_semaphore, #tpu.memory_space<semaphore_mem>>) src(%dma_wait3A_1152 : memref<100x4x768xf32, #tpu.memory_space<hbm>>) dst(%dma_wait3A_1146 : memref<8x4x768xf32, #tpu.memory_space<vmem>>)
    %add3A_1153 = arith.constant 72 : i32
    %add3A_1154 = arith.addi %mul3A_2, %add3A_1153 : i32
    %dma_start3A_1155 = arith.constant 3 : i32
    %dma_start3A_1156 = arith.constant 0 : i32
    %dma_start3A_1157 = arith.constant 0 : i32
    %dma_start3A_1158 = arith.constant 0 : i32
    %dma_start3A_1159 = tpu.memref_slice %arg7[%dma_start3A_1155, %dma_start3A_1156, %dma_start3A_1157, %dma_start3A_1158] : memref<5x8x4x768xf32, #tpu.memory_space<vmem>> -> memref<1x8x4x768xf32, #tpu.memory_space<vmem>>
    %dma_start3A_1160 = tpu.memref_squeeze %dma_start3A_1159 : memref<1x8x4x768xf32, #tpu.memory_space<vmem>> -> memref<8x4x768xf32, #tpu.memory_space<vmem>>
    %dma_start3A_1161 = arith.constant 0 : i32
    %dma_start3A_1162 = arith.constant 0 : i32
    %dma_start3A_1163 = tpu.memref_slice %arg4[%add3A_1154, %dma_start3A_1161, %dma_start3A_1162] : memref<4096x4x768xf32, #tpu.memory_space<hbm>> -> memref<8x4x768xf32, #tpu.memory_space<hbm>>
    %dma_start3A_1164 = arith.constant 0 : i32
    %dma_start3A_1165 = arith.constant 0 : i32
    %dma_start3A_1166 = tpu.memref_slice %arg4[%add3A_1154, %dma_start3A_1164, %dma_start3A_1165] : memref<4096x4x768xf32, #tpu.memory_space<hbm>> -> memref<8x4x768xf32, #tpu.memory_space<hbm>>
    %dma_start3A_1167 = arith.constant 0 : i32
    %dma_start3A_1168 = arith.constant 0 : i32
    %dma_start3A_1169 = arith.constant 0 : i32
    %dma_start3A_1170 = tpu.memref_slice %arg7[%dma_start3A_1155, %dma_start3A_1167, %dma_start3A_1168, %dma_start3A_1169] : memref<5x8x4x768xf32, #tpu.memory_space<vmem>> -> memref<1x8x4x768xf32, #tpu.memory_space<vmem>>
    %dma_start3A_1171 = tpu.memref_squeeze %dma_start3A_1170 : memref<1x8x4x768xf32, #tpu.memory_space<vmem>> -> memref<8x4x768xf32, #tpu.memory_space<vmem>>
    tpu.enqueue_dma source(%dma_start3A_1171 : memref<8x4x768xf32, #tpu.memory_space<vmem>>) target(%dma_start3A_1166 : memref<8x4x768xf32, #tpu.memory_space<hbm>>) target_semaphore(%arg16 : memref<!tpu.dma_semaphore, #tpu.memory_space<semaphore_mem>>)
    %dma_wait3A_1172 = arith.constant 3 : i32
    %dma_wait3A_1173 = arith.constant 0 : i32
    %dma_wait3A_1174 = arith.constant 0 : i32
    %dma_wait3A_1175 = arith.constant 0 : i32
    %dma_wait3A_1176 = tpu.memref_slice %arg7[%dma_wait3A_1172, %dma_wait3A_1173, %dma_wait3A_1174, %dma_wait3A_1175] : memref<5x8x4x768xf32, #tpu.memory_space<vmem>> -> memref<1x8x4x768xf32, #tpu.memory_space<vmem>>
    %dma_wait3A_1177 = tpu.memref_squeeze %dma_wait3A_1176 : memref<1x8x4x768xf32, #tpu.memory_space<vmem>> -> memref<8x4x768xf32, #tpu.memory_space<vmem>>
    %dma_wait3A_1178 = arith.constant 0 : i32
    %dma_wait3A_1179 = arith.constant 0 : i32
    %dma_wait3A_1180 = tpu.memref_slice %arg4[%add3A_1154, %dma_wait3A_1178, %dma_wait3A_1179] : memref<4096x4x768xf32, #tpu.memory_space<hbm>> -> memref<8x4x768xf32, #tpu.memory_space<hbm>>
    %dma_wait3A_1181 = arith.constant 0 : i32
    %dma_wait3A_1182 = arith.constant 0 : i32
    %dma_wait3A_1183 = tpu.memref_slice %arg4[%add3A_1154, %dma_wait3A_1181, %dma_wait3A_1182] : memref<4096x4x768xf32, #tpu.memory_space<hbm>> -> memref<8x4x768xf32, #tpu.memory_space<hbm>>
    %dma_wait3A_1184 = arith.constant 0 : i32
    %dma_wait3A_1185 = arith.constant 0 : i32
    %dma_wait3A_1186 = arith.constant 0 : i32
    %dma_wait3A_1187 = tpu.memref_slice %arg7[%dma_wait3A_1172, %dma_wait3A_1184, %dma_wait3A_1185, %dma_wait3A_1186] : memref<5x8x4x768xf32, #tpu.memory_space<vmem>> -> memref<1x8x4x768xf32, #tpu.memory_space<vmem>>
    %dma_wait3A_1188 = tpu.memref_squeeze %dma_wait3A_1187 : memref<1x8x4x768xf32, #tpu.memory_space<vmem>> -> memref<8x4x768xf32, #tpu.memory_space<vmem>>
    tpu.wait_dma2 semaphore(%arg16 : memref<!tpu.dma_semaphore, #tpu.memory_space<semaphore_mem>>) src(%dma_wait3A_1188 : memref<8x4x768xf32, #tpu.memory_space<vmem>>) dst(%dma_wait3A_1183 : memref<8x4x768xf32, #tpu.memory_space<hbm>>)
    %dma_start3A_1189 = arith.constant 3 : i32
    %dma_start3A_1190 = arith.constant 0 : i32
    %dma_start3A_1191 = arith.constant 0 : i32
    %dma_start3A_1192 = arith.constant 0 : i32
    %dma_start3A_1193 = tpu.memref_slice %arg7[%dma_start3A_1189, %dma_start3A_1190, %dma_start3A_1191, %dma_start3A_1192] : memref<5x8x4x768xf32, #tpu.memory_space<vmem>> -> memref<1x8x4x768xf32, #tpu.memory_space<vmem>>
    %dma_start3A_1194 = tpu.memref_squeeze %dma_start3A_1193 : memref<1x8x4x768xf32, #tpu.memory_space<vmem>> -> memref<8x4x768xf32, #tpu.memory_space<vmem>>
    %dma_start3A_1195 = arith.constant 88 : i32
    %dma_start3A_1196 = tpu.memref_slice %arg6[%dma_start3A_1195] : memref<128xi32, #tpu.memory_space<vmem>> -> memref<8xi32, #tpu.memory_space<vmem>>
    %dma_start3A_1197 = arith.constant 0 : i32
    %dma_start3A_1198 = arith.constant 4 : i32
    %dma_start3A_1199 = arith.constant 0 : i32
    %dma_start3A_1200 = tpu.memref_slice %arg2[%dma_start3A_1197, %dma_start3A_1198, %dma_start3A_1199] : memref<100x8x768xf32, #tpu.memory_space<hbm>> -> memref<100x4x768xf32, #tpu.memory_space<hbm>>
    tpu.enqueue_indirect_dma source(%dma_start3A_1200 : memref<100x4x768xf32, #tpu.memory_space<hbm>>) target(%dma_start3A_1194 : memref<8x4x768xf32, #tpu.memory_space<vmem>>) offsets(%dma_start3A_1196 : memref<8xi32, #tpu.memory_space<vmem>>) semaphore(%arg11 : memref<!tpu.dma_semaphore, #tpu.memory_space<semaphore_mem>>)
    %dma_wait3A_1201 = arith.constant 4 : i32
    %dma_wait3A_1202 = arith.constant 0 : i32
    %dma_wait3A_1203 = arith.constant 0 : i32
    %dma_wait3A_1204 = arith.constant 0 : i32
    %dma_wait3A_1205 = tpu.memref_slice %arg7[%dma_wait3A_1201, %dma_wait3A_1202, %dma_wait3A_1203, %dma_wait3A_1204] : memref<5x8x4x768xf32, #tpu.memory_space<vmem>> -> memref<1x8x4x768xf32, #tpu.memory_space<vmem>>
    %dma_wait3A_1206 = tpu.memref_squeeze %dma_wait3A_1205 : memref<1x8x4x768xf32, #tpu.memory_space<vmem>> -> memref<8x4x768xf32, #tpu.memory_space<vmem>>
    %dma_wait3A_1207 = arith.constant 72 : i32
    %dma_wait3A_1208 = tpu.memref_slice %arg6[%dma_wait3A_1207] : memref<128xi32, #tpu.memory_space<vmem>> -> memref<8xi32, #tpu.memory_space<vmem>>
    %dma_wait3A_1209 = arith.constant 0 : i32
    %dma_wait3A_1210 = arith.constant 4 : i32
    %dma_wait3A_1211 = arith.constant 0 : i32
    %dma_wait3A_1212 = tpu.memref_slice %arg2[%dma_wait3A_1209, %dma_wait3A_1210, %dma_wait3A_1211] : memref<100x8x768xf32, #tpu.memory_space<hbm>> -> memref<100x4x768xf32, #tpu.memory_space<hbm>>
    tpu.wait_indirect_dma semaphore(%arg12 : memref<!tpu.dma_semaphore, #tpu.memory_space<semaphore_mem>>) src(%dma_wait3A_1212 : memref<100x4x768xf32, #tpu.memory_space<hbm>>) dst(%dma_wait3A_1206 : memref<8x4x768xf32, #tpu.memory_space<vmem>>)
    %add3A_1213 = arith.constant 72 : i32
    %add3A_1214 = arith.addi %mul3A_2, %add3A_1213 : i32
    %dma_start3A_1215 = arith.constant 4 : i32
    %dma_start3A_1216 = arith.constant 0 : i32
    %dma_start3A_1217 = arith.constant 0 : i32
    %dma_start3A_1218 = arith.constant 0 : i32
    %dma_start3A_1219 = tpu.memref_slice %arg7[%dma_start3A_1215, %dma_start3A_1216, %dma_start3A_1217, %dma_start3A_1218] : memref<5x8x4x768xf32, #tpu.memory_space<vmem>> -> memref<1x8x4x768xf32, #tpu.memory_space<vmem>>
    %dma_start3A_1220 = tpu.memref_squeeze %dma_start3A_1219 : memref<1x8x4x768xf32, #tpu.memory_space<vmem>> -> memref<8x4x768xf32, #tpu.memory_space<vmem>>
    %dma_start3A_1221 = arith.constant 0 : i32
    %dma_start3A_1222 = arith.constant 0 : i32
    %dma_start3A_1223 = tpu.memref_slice %arg5[%add3A_1214, %dma_start3A_1221, %dma_start3A_1222] : memref<4096x4x768xf32, #tpu.memory_space<hbm>> -> memref<8x4x768xf32, #tpu.memory_space<hbm>>
    %dma_start3A_1224 = arith.constant 0 : i32
    %dma_start3A_1225 = arith.constant 0 : i32
    %dma_start3A_1226 = tpu.memref_slice %arg5[%add3A_1214, %dma_start3A_1224, %dma_start3A_1225] : memref<4096x4x768xf32, #tpu.memory_space<hbm>> -> memref<8x4x768xf32, #tpu.memory_space<hbm>>
    %dma_start3A_1227 = arith.constant 0 : i32
    %dma_start3A_1228 = arith.constant 0 : i32
    %dma_start3A_1229 = arith.constant 0 : i32
    %dma_start3A_1230 = tpu.memref_slice %arg7[%dma_start3A_1215, %dma_start3A_1227, %dma_start3A_1228, %dma_start3A_1229] : memref<5x8x4x768xf32, #tpu.memory_space<vmem>> -> memref<1x8x4x768xf32, #tpu.memory_space<vmem>>
    %dma_start3A_1231 = tpu.memref_squeeze %dma_start3A_1230 : memref<1x8x4x768xf32, #tpu.memory_space<vmem>> -> memref<8x4x768xf32, #tpu.memory_space<vmem>>
    tpu.enqueue_dma source(%dma_start3A_1231 : memref<8x4x768xf32, #tpu.memory_space<vmem>>) target(%dma_start3A_1226 : memref<8x4x768xf32, #tpu.memory_space<hbm>>) target_semaphore(%arg17 : memref<!tpu.dma_semaphore, #tpu.memory_space<semaphore_mem>>)
    %dma_wait3A_1232 = arith.constant 4 : i32
    %dma_wait3A_1233 = arith.constant 0 : i32
    %dma_wait3A_1234 = arith.constant 0 : i32
    %dma_wait3A_1235 = arith.constant 0 : i32
    %dma_wait3A_1236 = tpu.memref_slice %arg7[%dma_wait3A_1232, %dma_wait3A_1233, %dma_wait3A_1234, %dma_wait3A_1235] : memref<5x8x4x768xf32, #tpu.memory_space<vmem>> -> memref<1x8x4x768xf32, #tpu.memory_space<vmem>>
    %dma_wait3A_1237 = tpu.memref_squeeze %dma_wait3A_1236 : memref<1x8x4x768xf32, #tpu.memory_space<vmem>> -> memref<8x4x768xf32, #tpu.memory_space<vmem>>
    %dma_wait3A_1238 = arith.constant 0 : i32
    %dma_wait3A_1239 = arith.constant 0 : i32
    %dma_wait3A_1240 = tpu.memref_slice %arg5[%add3A_1214, %dma_wait3A_1238, %dma_wait3A_1239] : memref<4096x4x768xf32, #tpu.memory_space<hbm>> -> memref<8x4x768xf32, #tpu.memory_space<hbm>>
    %dma_wait3A_1241 = arith.constant 0 : i32
    %dma_wait3A_1242 = arith.constant 0 : i32
    %dma_wait3A_1243 = tpu.memref_slice %arg5[%add3A_1214, %dma_wait3A_1241, %dma_wait3A_1242] : memref<4096x4x768xf32, #tpu.memory_space<hbm>> -> memref<8x4x768xf32, #tpu.memory_space<hbm>>
    %dma_wait3A_1244 = arith.constant 0 : i32
    %dma_wait3A_1245 = arith.constant 0 : i32
    %dma_wait3A_1246 = arith.constant 0 : i32
    %dma_wait3A_1247 = tpu.memref_slice %arg7[%dma_wait3A_1232, %dma_wait3A_1244, %dma_wait3A_1245, %dma_wait3A_1246] : memref<5x8x4x768xf32, #tpu.memory_space<vmem>> -> memref<1x8x4x768xf32, #tpu.memory_space<vmem>>
    %dma_wait3A_1248 = tpu.memref_squeeze %dma_wait3A_1247 : memref<1x8x4x768xf32, #tpu.memory_space<vmem>> -> memref<8x4x768xf32, #tpu.memory_space<vmem>>
    tpu.wait_dma2 semaphore(%arg17 : memref<!tpu.dma_semaphore, #tpu.memory_space<semaphore_mem>>) src(%dma_wait3A_1248 : memref<8x4x768xf32, #tpu.memory_space<vmem>>) dst(%dma_wait3A_1243 : memref<8x4x768xf32, #tpu.memory_space<hbm>>)
    %dma_start3A_1249 = arith.constant 4 : i32
    %dma_start3A_1250 = arith.constant 0 : i32
    %dma_start3A_1251 = arith.constant 0 : i32
    %dma_start3A_1252 = arith.constant 0 : i32
    %dma_start3A_1253 = tpu.memref_slice %arg7[%dma_start3A_1249, %dma_start3A_1250, %dma_start3A_1251, %dma_start3A_1252] : memref<5x8x4x768xf32, #tpu.memory_space<vmem>> -> memref<1x8x4x768xf32, #tpu.memory_space<vmem>>
    %dma_start3A_1254 = tpu.memref_squeeze %dma_start3A_1253 : memref<1x8x4x768xf32, #tpu.memory_space<vmem>> -> memref<8x4x768xf32, #tpu.memory_space<vmem>>
    %dma_start3A_1255 = arith.constant 96 : i32
    %dma_start3A_1256 = tpu.memref_slice %arg6[%dma_start3A_1255] : memref<128xi32, #tpu.memory_space<vmem>> -> memref<8xi32, #tpu.memory_space<vmem>>
    %dma_start3A_1257 = arith.constant 0 : i32
    %dma_start3A_1258 = arith.constant 0 : i32
    %dma_start3A_1259 = arith.constant 0 : i32
    %dma_start3A_1260 = tpu.memref_slice %arg2[%dma_start3A_1257, %dma_start3A_1258, %dma_start3A_1259] : memref<100x8x768xf32, #tpu.memory_space<hbm>> -> memref<100x4x768xf32, #tpu.memory_space<hbm>>
    tpu.enqueue_indirect_dma source(%dma_start3A_1260 : memref<100x4x768xf32, #tpu.memory_space<hbm>>) target(%dma_start3A_1254 : memref<8x4x768xf32, #tpu.memory_space<vmem>>) offsets(%dma_start3A_1256 : memref<8xi32, #tpu.memory_space<vmem>>) semaphore(%arg12 : memref<!tpu.dma_semaphore, #tpu.memory_space<semaphore_mem>>)
    %dma_wait3A_1261 = arith.constant 0 : i32
    %dma_wait3A_1262 = arith.constant 0 : i32
    %dma_wait3A_1263 = arith.constant 0 : i32
    %dma_wait3A_1264 = arith.constant 0 : i32
    %dma_wait3A_1265 = tpu.memref_slice %arg7[%dma_wait3A_1261, %dma_wait3A_1262, %dma_wait3A_1263, %dma_wait3A_1264] : memref<5x8x4x768xf32, #tpu.memory_space<vmem>> -> memref<1x8x4x768xf32, #tpu.memory_space<vmem>>
    %dma_wait3A_1266 = tpu.memref_squeeze %dma_wait3A_1265 : memref<1x8x4x768xf32, #tpu.memory_space<vmem>> -> memref<8x4x768xf32, #tpu.memory_space<vmem>>
    %dma_wait3A_1267 = arith.constant 80 : i32
    %dma_wait3A_1268 = tpu.memref_slice %arg6[%dma_wait3A_1267] : memref<128xi32, #tpu.memory_space<vmem>> -> memref<8xi32, #tpu.memory_space<vmem>>
    %dma_wait3A_1269 = arith.constant 0 : i32
    %dma_wait3A_1270 = arith.constant 0 : i32
    %dma_wait3A_1271 = arith.constant 0 : i32
    %dma_wait3A_1272 = tpu.memref_slice %arg2[%dma_wait3A_1269, %dma_wait3A_1270, %dma_wait3A_1271] : memref<100x8x768xf32, #tpu.memory_space<hbm>> -> memref<100x4x768xf32, #tpu.memory_space<hbm>>
    tpu.wait_indirect_dma semaphore(%arg8 : memref<!tpu.dma_semaphore, #tpu.memory_space<semaphore_mem>>) src(%dma_wait3A_1272 : memref<100x4x768xf32, #tpu.memory_space<hbm>>) dst(%dma_wait3A_1266 : memref<8x4x768xf32, #tpu.memory_space<vmem>>)
    %add3A_1273 = arith.constant 80 : i32
    %add3A_1274 = arith.addi %mul3A_2, %add3A_1273 : i32
    %dma_start3A_1275 = arith.constant 0 : i32
    %dma_start3A_1276 = arith.constant 0 : i32
    %dma_start3A_1277 = arith.constant 0 : i32
    %dma_start3A_1278 = arith.constant 0 : i32
    %dma_start3A_1279 = tpu.memref_slice %arg7[%dma_start3A_1275, %dma_start3A_1276, %dma_start3A_1277, %dma_start3A_1278] : memref<5x8x4x768xf32, #tpu.memory_space<vmem>> -> memref<1x8x4x768xf32, #tpu.memory_space<vmem>>
    %dma_start3A_1280 = tpu.memref_squeeze %dma_start3A_1279 : memref<1x8x4x768xf32, #tpu.memory_space<vmem>> -> memref<8x4x768xf32, #tpu.memory_space<vmem>>
    %dma_start3A_1281 = arith.constant 0 : i32
    %dma_start3A_1282 = arith.constant 0 : i32
    %dma_start3A_1283 = tpu.memref_slice %arg4[%add3A_1274, %dma_start3A_1281, %dma_start3A_1282] : memref<4096x4x768xf32, #tpu.memory_space<hbm>> -> memref<8x4x768xf32, #tpu.memory_space<hbm>>
    %dma_start3A_1284 = arith.constant 0 : i32
    %dma_start3A_1285 = arith.constant 0 : i32
    %dma_start3A_1286 = tpu.memref_slice %arg4[%add3A_1274, %dma_start3A_1284, %dma_start3A_1285] : memref<4096x4x768xf32, #tpu.memory_space<hbm>> -> memref<8x4x768xf32, #tpu.memory_space<hbm>>
    %dma_start3A_1287 = arith.constant 0 : i32
    %dma_start3A_1288 = arith.constant 0 : i32
    %dma_start3A_1289 = arith.constant 0 : i32
    %dma_start3A_1290 = tpu.memref_slice %arg7[%dma_start3A_1275, %dma_start3A_1287, %dma_start3A_1288, %dma_start3A_1289] : memref<5x8x4x768xf32, #tpu.memory_space<vmem>> -> memref<1x8x4x768xf32, #tpu.memory_space<vmem>>
    %dma_start3A_1291 = tpu.memref_squeeze %dma_start3A_1290 : memref<1x8x4x768xf32, #tpu.memory_space<vmem>> -> memref<8x4x768xf32, #tpu.memory_space<vmem>>
    tpu.enqueue_dma source(%dma_start3A_1291 : memref<8x4x768xf32, #tpu.memory_space<vmem>>) target(%dma_start3A_1286 : memref<8x4x768xf32, #tpu.memory_space<hbm>>) target_semaphore(%arg13 : memref<!tpu.dma_semaphore, #tpu.memory_space<semaphore_mem>>)
    %dma_wait3A_1292 = arith.constant 0 : i32
    %dma_wait3A_1293 = arith.constant 0 : i32
    %dma_wait3A_1294 = arith.constant 0 : i32
    %dma_wait3A_1295 = arith.constant 0 : i32
    %dma_wait3A_1296 = tpu.memref_slice %arg7[%dma_wait3A_1292, %dma_wait3A_1293, %dma_wait3A_1294, %dma_wait3A_1295] : memref<5x8x4x768xf32, #tpu.memory_space<vmem>> -> memref<1x8x4x768xf32, #tpu.memory_space<vmem>>
    %dma_wait3A_1297 = tpu.memref_squeeze %dma_wait3A_1296 : memref<1x8x4x768xf32, #tpu.memory_space<vmem>> -> memref<8x4x768xf32, #tpu.memory_space<vmem>>
    %dma_wait3A_1298 = arith.constant 0 : i32
    %dma_wait3A_1299 = arith.constant 0 : i32
    %dma_wait3A_1300 = tpu.memref_slice %arg4[%add3A_1274, %dma_wait3A_1298, %dma_wait3A_1299] : memref<4096x4x768xf32, #tpu.memory_space<hbm>> -> memref<8x4x768xf32, #tpu.memory_space<hbm>>
    %dma_wait3A_1301 = arith.constant 0 : i32
    %dma_wait3A_1302 = arith.constant 0 : i32
    %dma_wait3A_1303 = tpu.memref_slice %arg4[%add3A_1274, %dma_wait3A_1301, %dma_wait3A_1302] : memref<4096x4x768xf32, #tpu.memory_space<hbm>> -> memref<8x4x768xf32, #tpu.memory_space<hbm>>
    %dma_wait3A_1304 = arith.constant 0 : i32
    %dma_wait3A_1305 = arith.constant 0 : i32
    %dma_wait3A_1306 = arith.constant 0 : i32
    %dma_wait3A_1307 = tpu.memref_slice %arg7[%dma_wait3A_1292, %dma_wait3A_1304, %dma_wait3A_1305, %dma_wait3A_1306] : memref<5x8x4x768xf32, #tpu.memory_space<vmem>> -> memref<1x8x4x768xf32, #tpu.memory_space<vmem>>
    %dma_wait3A_1308 = tpu.memref_squeeze %dma_wait3A_1307 : memref<1x8x4x768xf32, #tpu.memory_space<vmem>> -> memref<8x4x768xf32, #tpu.memory_space<vmem>>
    tpu.wait_dma2 semaphore(%arg13 : memref<!tpu.dma_semaphore, #tpu.memory_space<semaphore_mem>>) src(%dma_wait3A_1308 : memref<8x4x768xf32, #tpu.memory_space<vmem>>) dst(%dma_wait3A_1303 : memref<8x4x768xf32, #tpu.memory_space<hbm>>)
    %dma_start3A_1309 = arith.constant 0 : i32
    %dma_start3A_1310 = arith.constant 0 : i32
    %dma_start3A_1311 = arith.constant 0 : i32
    %dma_start3A_1312 = arith.constant 0 : i32
    %dma_start3A_1313 = tpu.memref_slice %arg7[%dma_start3A_1309, %dma_start3A_1310, %dma_start3A_1311, %dma_start3A_1312] : memref<5x8x4x768xf32, #tpu.memory_space<vmem>> -> memref<1x8x4x768xf32, #tpu.memory_space<vmem>>
    %dma_start3A_1314 = tpu.memref_squeeze %dma_start3A_1313 : memref<1x8x4x768xf32, #tpu.memory_space<vmem>> -> memref<8x4x768xf32, #tpu.memory_space<vmem>>
    %dma_start3A_1315 = arith.constant 96 : i32
    %dma_start3A_1316 = tpu.memref_slice %arg6[%dma_start3A_1315] : memref<128xi32, #tpu.memory_space<vmem>> -> memref<8xi32, #tpu.memory_space<vmem>>
    %dma_start3A_1317 = arith.constant 0 : i32
    %dma_start3A_1318 = arith.constant 4 : i32
    %dma_start3A_1319 = arith.constant 0 : i32
    %dma_start3A_1320 = tpu.memref_slice %arg2[%dma_start3A_1317, %dma_start3A_1318, %dma_start3A_1319] : memref<100x8x768xf32, #tpu.memory_space<hbm>> -> memref<100x4x768xf32, #tpu.memory_space<hbm>>
    tpu.enqueue_indirect_dma source(%dma_start3A_1320 : memref<100x4x768xf32, #tpu.memory_space<hbm>>) target(%dma_start3A_1314 : memref<8x4x768xf32, #tpu.memory_space<vmem>>) offsets(%dma_start3A_1316 : memref<8xi32, #tpu.memory_space<vmem>>) semaphore(%arg8 : memref<!tpu.dma_semaphore, #tpu.memory_space<semaphore_mem>>)
    %dma_wait3A_1321 = arith.constant 1 : i32
    %dma_wait3A_1322 = arith.constant 0 : i32
    %dma_wait3A_1323 = arith.constant 0 : i32
    %dma_wait3A_1324 = arith.constant 0 : i32
    %dma_wait3A_1325 = tpu.memref_slice %arg7[%dma_wait3A_1321, %dma_wait3A_1322, %dma_wait3A_1323, %dma_wait3A_1324] : memref<5x8x4x768xf32, #tpu.memory_space<vmem>> -> memref<1x8x4x768xf32, #tpu.memory_space<vmem>>
    %dma_wait3A_1326 = tpu.memref_squeeze %dma_wait3A_1325 : memref<1x8x4x768xf32, #tpu.memory_space<vmem>> -> memref<8x4x768xf32, #tpu.memory_space<vmem>>
    %dma_wait3A_1327 = arith.constant 80 : i32
    %dma_wait3A_1328 = tpu.memref_slice %arg6[%dma_wait3A_1327] : memref<128xi32, #tpu.memory_space<vmem>> -> memref<8xi32, #tpu.memory_space<vmem>>
    %dma_wait3A_1329 = arith.constant 0 : i32
    %dma_wait3A_1330 = arith.constant 4 : i32
    %dma_wait3A_1331 = arith.constant 0 : i32
    %dma_wait3A_1332 = tpu.memref_slice %arg2[%dma_wait3A_1329, %dma_wait3A_1330, %dma_wait3A_1331] : memref<100x8x768xf32, #tpu.memory_space<hbm>> -> memref<100x4x768xf32, #tpu.memory_space<hbm>>
    tpu.wait_indirect_dma semaphore(%arg9 : memref<!tpu.dma_semaphore, #tpu.memory_space<semaphore_mem>>) src(%dma_wait3A_1332 : memref<100x4x768xf32, #tpu.memory_space<hbm>>) dst(%dma_wait3A_1326 : memref<8x4x768xf32, #tpu.memory_space<vmem>>)
    %add3A_1333 = arith.constant 80 : i32
    %add3A_1334 = arith.addi %mul3A_2, %add3A_1333 : i32
    %dma_start3A_1335 = arith.constant 1 : i32
    %dma_start3A_1336 = arith.constant 0 : i32
    %dma_start3A_1337 = arith.constant 0 : i32
    %dma_start3A_1338 = arith.constant 0 : i32
    %dma_start3A_1339 = tpu.memref_slice %arg7[%dma_start3A_1335, %dma_start3A_1336, %dma_start3A_1337, %dma_start3A_1338] : memref<5x8x4x768xf32, #tpu.memory_space<vmem>> -> memref<1x8x4x768xf32, #tpu.memory_space<vmem>>
    %dma_start3A_1340 = tpu.memref_squeeze %dma_start3A_1339 : memref<1x8x4x768xf32, #tpu.memory_space<vmem>> -> memref<8x4x768xf32, #tpu.memory_space<vmem>>
    %dma_start3A_1341 = arith.constant 0 : i32
    %dma_start3A_1342 = arith.constant 0 : i32
    %dma_start3A_1343 = tpu.memref_slice %arg5[%add3A_1334, %dma_start3A_1341, %dma_start3A_1342] : memref<4096x4x768xf32, #tpu.memory_space<hbm>> -> memref<8x4x768xf32, #tpu.memory_space<hbm>>
    %dma_start3A_1344 = arith.constant 0 : i32
    %dma_start3A_1345 = arith.constant 0 : i32
    %dma_start3A_1346 = tpu.memref_slice %arg5[%add3A_1334, %dma_start3A_1344, %dma_start3A_1345] : memref<4096x4x768xf32, #tpu.memory_space<hbm>> -> memref<8x4x768xf32, #tpu.memory_space<hbm>>
    %dma_start3A_1347 = arith.constant 0 : i32
    %dma_start3A_1348 = arith.constant 0 : i32
    %dma_start3A_1349 = arith.constant 0 : i32
    %dma_start3A_1350 = tpu.memref_slice %arg7[%dma_start3A_1335, %dma_start3A_1347, %dma_start3A_1348, %dma_start3A_1349] : memref<5x8x4x768xf32, #tpu.memory_space<vmem>> -> memref<1x8x4x768xf32, #tpu.memory_space<vmem>>
    %dma_start3A_1351 = tpu.memref_squeeze %dma_start3A_1350 : memref<1x8x4x768xf32, #tpu.memory_space<vmem>> -> memref<8x4x768xf32, #tpu.memory_space<vmem>>
    tpu.enqueue_dma source(%dma_start3A_1351 : memref<8x4x768xf32, #tpu.memory_space<vmem>>) target(%dma_start3A_1346 : memref<8x4x768xf32, #tpu.memory_space<hbm>>) target_semaphore(%arg14 : memref<!tpu.dma_semaphore, #tpu.memory_space<semaphore_mem>>)
    %dma_wait3A_1352 = arith.constant 1 : i32
    %dma_wait3A_1353 = arith.constant 0 : i32
    %dma_wait3A_1354 = arith.constant 0 : i32
    %dma_wait3A_1355 = arith.constant 0 : i32
    %dma_wait3A_1356 = tpu.memref_slice %arg7[%dma_wait3A_1352, %dma_wait3A_1353, %dma_wait3A_1354, %dma_wait3A_1355] : memref<5x8x4x768xf32, #tpu.memory_space<vmem>> -> memref<1x8x4x768xf32, #tpu.memory_space<vmem>>
    %dma_wait3A_1357 = tpu.memref_squeeze %dma_wait3A_1356 : memref<1x8x4x768xf32, #tpu.memory_space<vmem>> -> memref<8x4x768xf32, #tpu.memory_space<vmem>>
    %dma_wait3A_1358 = arith.constant 0 : i32
    %dma_wait3A_1359 = arith.constant 0 : i32
    %dma_wait3A_1360 = tpu.memref_slice %arg5[%add3A_1334, %dma_wait3A_1358, %dma_wait3A_1359] : memref<4096x4x768xf32, #tpu.memory_space<hbm>> -> memref<8x4x768xf32, #tpu.memory_space<hbm>>
    %dma_wait3A_1361 = arith.constant 0 : i32
    %dma_wait3A_1362 = arith.constant 0 : i32
    %dma_wait3A_1363 = tpu.memref_slice %arg5[%add3A_1334, %dma_wait3A_1361, %dma_wait3A_1362] : memref<4096x4x768xf32, #tpu.memory_space<hbm>> -> memref<8x4x768xf32, #tpu.memory_space<hbm>>
    %dma_wait3A_1364 = arith.constant 0 : i32
    %dma_wait3A_1365 = arith.constant 0 : i32
    %dma_wait3A_1366 = arith.constant 0 : i32
    %dma_wait3A_1367 = tpu.memref_slice %arg7[%dma_wait3A_1352, %dma_wait3A_1364, %dma_wait3A_1365, %dma_wait3A_1366] : memref<5x8x4x768xf32, #tpu.memory_space<vmem>> -> memref<1x8x4x768xf32, #tpu.memory_space<vmem>>
    %dma_wait3A_1368 = tpu.memref_squeeze %dma_wait3A_1367 : memref<1x8x4x768xf32, #tpu.memory_space<vmem>> -> memref<8x4x768xf32, #tpu.memory_space<vmem>>
    tpu.wait_dma2 semaphore(%arg14 : memref<!tpu.dma_semaphore, #tpu.memory_space<semaphore_mem>>) src(%dma_wait3A_1368 : memref<8x4x768xf32, #tpu.memory_space<vmem>>) dst(%dma_wait3A_1363 : memref<8x4x768xf32, #tpu.memory_space<hbm>>)
    %dma_start3A_1369 = arith.constant 1 : i32
    %dma_start3A_1370 = arith.constant 0 : i32
    %dma_start3A_1371 = arith.constant 0 : i32
    %dma_start3A_1372 = arith.constant 0 : i32
    %dma_start3A_1373 = tpu.memref_slice %arg7[%dma_start3A_1369, %dma_start3A_1370, %dma_start3A_1371, %dma_start3A_1372] : memref<5x8x4x768xf32, #tpu.memory_space<vmem>> -> memref<1x8x4x768xf32, #tpu.memory_space<vmem>>
    %dma_start3A_1374 = tpu.memref_squeeze %dma_start3A_1373 : memref<1x8x4x768xf32, #tpu.memory_space<vmem>> -> memref<8x4x768xf32, #tpu.memory_space<vmem>>
    %dma_start3A_1375 = arith.constant 104 : i32
    %dma_start3A_1376 = tpu.memref_slice %arg6[%dma_start3A_1375] : memref<128xi32, #tpu.memory_space<vmem>> -> memref<8xi32, #tpu.memory_space<vmem>>
    %dma_start3A_1377 = arith.constant 0 : i32
    %dma_start3A_1378 = arith.constant 0 : i32
    %dma_start3A_1379 = arith.constant 0 : i32
    %dma_start3A_1380 = tpu.memref_slice %arg2[%dma_start3A_1377, %dma_start3A_1378, %dma_start3A_1379] : memref<100x8x768xf32, #tpu.memory_space<hbm>> -> memref<100x4x768xf32, #tpu.memory_space<hbm>>
    tpu.enqueue_indirect_dma source(%dma_start3A_1380 : memref<100x4x768xf32, #tpu.memory_space<hbm>>) target(%dma_start3A_1374 : memref<8x4x768xf32, #tpu.memory_space<vmem>>) offsets(%dma_start3A_1376 : memref<8xi32, #tpu.memory_space<vmem>>) semaphore(%arg9 : memref<!tpu.dma_semaphore, #tpu.memory_space<semaphore_mem>>)
    %dma_wait3A_1381 = arith.constant 2 : i32
    %dma_wait3A_1382 = arith.constant 0 : i32
    %dma_wait3A_1383 = arith.constant 0 : i32
    %dma_wait3A_1384 = arith.constant 0 : i32
    %dma_wait3A_1385 = tpu.memref_slice %arg7[%dma_wait3A_1381, %dma_wait3A_1382, %dma_wait3A_1383, %dma_wait3A_1384] : memref<5x8x4x768xf32, #tpu.memory_space<vmem>> -> memref<1x8x4x768xf32, #tpu.memory_space<vmem>>
    %dma_wait3A_1386 = tpu.memref_squeeze %dma_wait3A_1385 : memref<1x8x4x768xf32, #tpu.memory_space<vmem>> -> memref<8x4x768xf32, #tpu.memory_space<vmem>>
    %dma_wait3A_1387 = arith.constant 88 : i32
    %dma_wait3A_1388 = tpu.memref_slice %arg6[%dma_wait3A_1387] : memref<128xi32, #tpu.memory_space<vmem>> -> memref<8xi32, #tpu.memory_space<vmem>>
    %dma_wait3A_1389 = arith.constant 0 : i32
    %dma_wait3A_1390 = arith.constant 0 : i32
    %dma_wait3A_1391 = arith.constant 0 : i32
    %dma_wait3A_1392 = tpu.memref_slice %arg2[%dma_wait3A_1389, %dma_wait3A_1390, %dma_wait3A_1391] : memref<100x8x768xf32, #tpu.memory_space<hbm>> -> memref<100x4x768xf32, #tpu.memory_space<hbm>>
    tpu.wait_indirect_dma semaphore(%arg10 : memref<!tpu.dma_semaphore, #tpu.memory_space<semaphore_mem>>) src(%dma_wait3A_1392 : memref<100x4x768xf32, #tpu.memory_space<hbm>>) dst(%dma_wait3A_1386 : memref<8x4x768xf32, #tpu.memory_space<vmem>>)
    %add3A_1393 = arith.constant 88 : i32
    %add3A_1394 = arith.addi %mul3A_2, %add3A_1393 : i32
    %dma_start3A_1395 = arith.constant 2 : i32
    %dma_start3A_1396 = arith.constant 0 : i32
    %dma_start3A_1397 = arith.constant 0 : i32
    %dma_start3A_1398 = arith.constant 0 : i32
    %dma_start3A_1399 = tpu.memref_slice %arg7[%dma_start3A_1395, %dma_start3A_1396, %dma_start3A_1397, %dma_start3A_1398] : memref<5x8x4x768xf32, #tpu.memory_space<vmem>> -> memref<1x8x4x768xf32, #tpu.memory_space<vmem>>
    %dma_start3A_1400 = tpu.memref_squeeze %dma_start3A_1399 : memref<1x8x4x768xf32, #tpu.memory_space<vmem>> -> memref<8x4x768xf32, #tpu.memory_space<vmem>>
    %dma_start3A_1401 = arith.constant 0 : i32
    %dma_start3A_1402 = arith.constant 0 : i32
    %dma_start3A_1403 = tpu.memref_slice %arg4[%add3A_1394, %dma_start3A_1401, %dma_start3A_1402] : memref<4096x4x768xf32, #tpu.memory_space<hbm>> -> memref<8x4x768xf32, #tpu.memory_space<hbm>>
    %dma_start3A_1404 = arith.constant 0 : i32
    %dma_start3A_1405 = arith.constant 0 : i32
    %dma_start3A_1406 = tpu.memref_slice %arg4[%add3A_1394, %dma_start3A_1404, %dma_start3A_1405] : memref<4096x4x768xf32, #tpu.memory_space<hbm>> -> memref<8x4x768xf32, #tpu.memory_space<hbm>>
    %dma_start3A_1407 = arith.constant 0 : i32
    %dma_start3A_1408 = arith.constant 0 : i32
    %dma_start3A_1409 = arith.constant 0 : i32
    %dma_start3A_1410 = tpu.memref_slice %arg7[%dma_start3A_1395, %dma_start3A_1407, %dma_start3A_1408, %dma_start3A_1409] : memref<5x8x4x768xf32, #tpu.memory_space<vmem>> -> memref<1x8x4x768xf32, #tpu.memory_space<vmem>>
    %dma_start3A_1411 = tpu.memref_squeeze %dma_start3A_1410 : memref<1x8x4x768xf32, #tpu.memory_space<vmem>> -> memref<8x4x768xf32, #tpu.memory_space<vmem>>
    tpu.enqueue_dma source(%dma_start3A_1411 : memref<8x4x768xf32, #tpu.memory_space<vmem>>) target(%dma_start3A_1406 : memref<8x4x768xf32, #tpu.memory_space<hbm>>) target_semaphore(%arg15 : memref<!tpu.dma_semaphore, #tpu.memory_space<semaphore_mem>>)
    %dma_wait3A_1412 = arith.constant 2 : i32
    %dma_wait3A_1413 = arith.constant 0 : i32
    %dma_wait3A_1414 = arith.constant 0 : i32
    %dma_wait3A_1415 = arith.constant 0 : i32
    %dma_wait3A_1416 = tpu.memref_slice %arg7[%dma_wait3A_1412, %dma_wait3A_1413, %dma_wait3A_1414, %dma_wait3A_1415] : memref<5x8x4x768xf32, #tpu.memory_space<vmem>> -> memref<1x8x4x768xf32, #tpu.memory_space<vmem>>
    %dma_wait3A_1417 = tpu.memref_squeeze %dma_wait3A_1416 : memref<1x8x4x768xf32, #tpu.memory_space<vmem>> -> memref<8x4x768xf32, #tpu.memory_space<vmem>>
    %dma_wait3A_1418 = arith.constant 0 : i32
    %dma_wait3A_1419 = arith.constant 0 : i32
    %dma_wait3A_1420 = tpu.memref_slice %arg4[%add3A_1394, %dma_wait3A_1418, %dma_wait3A_1419] : memref<4096x4x768xf32, #tpu.memory_space<hbm>> -> memref<8x4x768xf32, #tpu.memory_space<hbm>>
    %dma_wait3A_1421 = arith.constant 0 : i32
    %dma_wait3A_1422 = arith.constant 0 : i32
    %dma_wait3A_1423 = tpu.memref_slice %arg4[%add3A_1394, %dma_wait3A_1421, %dma_wait3A_1422] : memref<4096x4x768xf32, #tpu.memory_space<hbm>> -> memref<8x4x768xf32, #tpu.memory_space<hbm>>
    %dma_wait3A_1424 = arith.constant 0 : i32
    %dma_wait3A_1425 = arith.constant 0 : i32
    %dma_wait3A_1426 = arith.constant 0 : i32
    %dma_wait3A_1427 = tpu.memref_slice %arg7[%dma_wait3A_1412, %dma_wait3A_1424, %dma_wait3A_1425, %dma_wait3A_1426] : memref<5x8x4x768xf32, #tpu.memory_space<vmem>> -> memref<1x8x4x768xf32, #tpu.memory_space<vmem>>
    %dma_wait3A_1428 = tpu.memref_squeeze %dma_wait3A_1427 : memref<1x8x4x768xf32, #tpu.memory_space<vmem>> -> memref<8x4x768xf32, #tpu.memory_space<vmem>>
    tpu.wait_dma2 semaphore(%arg15 : memref<!tpu.dma_semaphore, #tpu.memory_space<semaphore_mem>>) src(%dma_wait3A_1428 : memref<8x4x768xf32, #tpu.memory_space<vmem>>) dst(%dma_wait3A_1423 : memref<8x4x768xf32, #tpu.memory_space<hbm>>)
    %dma_start3A_1429 = arith.constant 2 : i32
    %dma_start3A_1430 = arith.constant 0 : i32
    %dma_start3A_1431 = arith.constant 0 : i32
    %dma_start3A_1432 = arith.constant 0 : i32
    %dma_start3A_1433 = tpu.memref_slice %arg7[%dma_start3A_1429, %dma_start3A_1430, %dma_start3A_1431, %dma_start3A_1432] : memref<5x8x4x768xf32, #tpu.memory_space<vmem>> -> memref<1x8x4x768xf32, #tpu.memory_space<vmem>>
    %dma_start3A_1434 = tpu.memref_squeeze %dma_start3A_1433 : memref<1x8x4x768xf32, #tpu.memory_space<vmem>> -> memref<8x4x768xf32, #tpu.memory_space<vmem>>
    %dma_start3A_1435 = arith.constant 104 : i32
    %dma_start3A_1436 = tpu.memref_slice %arg6[%dma_start3A_1435] : memref<128xi32, #tpu.memory_space<vmem>> -> memref<8xi32, #tpu.memory_space<vmem>>
    %dma_start3A_1437 = arith.constant 0 : i32
    %dma_start3A_1438 = arith.constant 4 : i32
    %dma_start3A_1439 = arith.constant 0 : i32
    %dma_start3A_1440 = tpu.memref_slice %arg2[%dma_start3A_1437, %dma_start3A_1438, %dma_start3A_1439] : memref<100x8x768xf32, #tpu.memory_space<hbm>> -> memref<100x4x768xf32, #tpu.memory_space<hbm>>
    tpu.enqueue_indirect_dma source(%dma_start3A_1440 : memref<100x4x768xf32, #tpu.memory_space<hbm>>) target(%dma_start3A_1434 : memref<8x4x768xf32, #tpu.memory_space<vmem>>) offsets(%dma_start3A_1436 : memref<8xi32, #tpu.memory_space<vmem>>) semaphore(%arg10 : memref<!tpu.dma_semaphore, #tpu.memory_space<semaphore_mem>>)
    %dma_wait3A_1441 = arith.constant 3 : i32
    %dma_wait3A_1442 = arith.constant 0 : i32
    %dma_wait3A_1443 = arith.constant 0 : i32
    %dma_wait3A_1444 = arith.constant 0 : i32
    %dma_wait3A_1445 = tpu.memref_slice %arg7[%dma_wait3A_1441, %dma_wait3A_1442, %dma_wait3A_1443, %dma_wait3A_1444] : memref<5x8x4x768xf32, #tpu.memory_space<vmem>> -> memref<1x8x4x768xf32, #tpu.memory_space<vmem>>
    %dma_wait3A_1446 = tpu.memref_squeeze %dma_wait3A_1445 : memref<1x8x4x768xf32, #tpu.memory_space<vmem>> -> memref<8x4x768xf32, #tpu.memory_space<vmem>>
    %dma_wait3A_1447 = arith.constant 88 : i32
    %dma_wait3A_1448 = tpu.memref_slice %arg6[%dma_wait3A_1447] : memref<128xi32, #tpu.memory_space<vmem>> -> memref<8xi32, #tpu.memory_space<vmem>>
    %dma_wait3A_1449 = arith.constant 0 : i32
    %dma_wait3A_1450 = arith.constant 4 : i32
    %dma_wait3A_1451 = arith.constant 0 : i32
    %dma_wait3A_1452 = tpu.memref_slice %arg2[%dma_wait3A_1449, %dma_wait3A_1450, %dma_wait3A_1451] : memref<100x8x768xf32, #tpu.memory_space<hbm>> -> memref<100x4x768xf32, #tpu.memory_space<hbm>>
    tpu.wait_indirect_dma semaphore(%arg11 : memref<!tpu.dma_semaphore, #tpu.memory_space<semaphore_mem>>) src(%dma_wait3A_1452 : memref<100x4x768xf32, #tpu.memory_space<hbm>>) dst(%dma_wait3A_1446 : memref<8x4x768xf32, #tpu.memory_space<vmem>>)
    %add3A_1453 = arith.constant 88 : i32
    %add3A_1454 = arith.addi %mul3A_2, %add3A_1453 : i32
    %dma_start3A_1455 = arith.constant 3 : i32
    %dma_start3A_1456 = arith.constant 0 : i32
    %dma_start3A_1457 = arith.constant 0 : i32
    %dma_start3A_1458 = arith.constant 0 : i32
    %dma_start3A_1459 = tpu.memref_slice %arg7[%dma_start3A_1455, %dma_start3A_1456, %dma_start3A_1457, %dma_start3A_1458] : memref<5x8x4x768xf32, #tpu.memory_space<vmem>> -> memref<1x8x4x768xf32, #tpu.memory_space<vmem>>
    %dma_start3A_1460 = tpu.memref_squeeze %dma_start3A_1459 : memref<1x8x4x768xf32, #tpu.memory_space<vmem>> -> memref<8x4x768xf32, #tpu.memory_space<vmem>>
    %dma_start3A_1461 = arith.constant 0 : i32
    %dma_start3A_1462 = arith.constant 0 : i32
    %dma_start3A_1463 = tpu.memref_slice %arg5[%add3A_1454, %dma_start3A_1461, %dma_start3A_1462] : memref<4096x4x768xf32, #tpu.memory_space<hbm>> -> memref<8x4x768xf32, #tpu.memory_space<hbm>>
    %dma_start3A_1464 = arith.constant 0 : i32
    %dma_start3A_1465 = arith.constant 0 : i32
    %dma_start3A_1466 = tpu.memref_slice %arg5[%add3A_1454, %dma_start3A_1464, %dma_start3A_1465] : memref<4096x4x768xf32, #tpu.memory_space<hbm>> -> memref<8x4x768xf32, #tpu.memory_space<hbm>>
    %dma_start3A_1467 = arith.constant 0 : i32
    %dma_start3A_1468 = arith.constant 0 : i32
    %dma_start3A_1469 = arith.constant 0 : i32
    %dma_start3A_1470 = tpu.memref_slice %arg7[%dma_start3A_1455, %dma_start3A_1467, %dma_start3A_1468, %dma_start3A_1469] : memref<5x8x4x768xf32, #tpu.memory_space<vmem>> -> memref<1x8x4x768xf32, #tpu.memory_space<vmem>>
    %dma_start3A_1471 = tpu.memref_squeeze %dma_start3A_1470 : memref<1x8x4x768xf32, #tpu.memory_space<vmem>> -> memref<8x4x768xf32, #tpu.memory_space<vmem>>
    tpu.enqueue_dma source(%dma_start3A_1471 : memref<8x4x768xf32, #tpu.memory_space<vmem>>) target(%dma_start3A_1466 : memref<8x4x768xf32, #tpu.memory_space<hbm>>) target_semaphore(%arg16 : memref<!tpu.dma_semaphore, #tpu.memory_space<semaphore_mem>>)
    %dma_wait3A_1472 = arith.constant 3 : i32
    %dma_wait3A_1473 = arith.constant 0 : i32
    %dma_wait3A_1474 = arith.constant 0 : i32
    %dma_wait3A_1475 = arith.constant 0 : i32
    %dma_wait3A_1476 = tpu.memref_slice %arg7[%dma_wait3A_1472, %dma_wait3A_1473, %dma_wait3A_1474, %dma_wait3A_1475] : memref<5x8x4x768xf32, #tpu.memory_space<vmem>> -> memref<1x8x4x768xf32, #tpu.memory_space<vmem>>
    %dma_wait3A_1477 = tpu.memref_squeeze %dma_wait3A_1476 : memref<1x8x4x768xf32, #tpu.memory_space<vmem>> -> memref<8x4x768xf32, #tpu.memory_space<vmem>>
    %dma_wait3A_1478 = arith.constant 0 : i32
    %dma_wait3A_1479 = arith.constant 0 : i32
    %dma_wait3A_1480 = tpu.memref_slice %arg5[%add3A_1454, %dma_wait3A_1478, %dma_wait3A_1479] : memref<4096x4x768xf32, #tpu.memory_space<hbm>> -> memref<8x4x768xf32, #tpu.memory_space<hbm>>
    %dma_wait3A_1481 = arith.constant 0 : i32
    %dma_wait3A_1482 = arith.constant 0 : i32
    %dma_wait3A_1483 = tpu.memref_slice %arg5[%add3A_1454, %dma_wait3A_1481, %dma_wait3A_1482] : memref<4096x4x768xf32, #tpu.memory_space<hbm>> -> memref<8x4x768xf32, #tpu.memory_space<hbm>>
    %dma_wait3A_1484 = arith.constant 0 : i32
    %dma_wait3A_1485 = arith.constant 0 : i32
    %dma_wait3A_1486 = arith.constant 0 : i32
    %dma_wait3A_1487 = tpu.memref_slice %arg7[%dma_wait3A_1472, %dma_wait3A_1484, %dma_wait3A_1485, %dma_wait3A_1486] : memref<5x8x4x768xf32, #tpu.memory_space<vmem>> -> memref<1x8x4x768xf32, #tpu.memory_space<vmem>>
    %dma_wait3A_1488 = tpu.memref_squeeze %dma_wait3A_1487 : memref<1x8x4x768xf32, #tpu.memory_space<vmem>> -> memref<8x4x768xf32, #tpu.memory_space<vmem>>
    tpu.wait_dma2 semaphore(%arg16 : memref<!tpu.dma_semaphore, #tpu.memory_space<semaphore_mem>>) src(%dma_wait3A_1488 : memref<8x4x768xf32, #tpu.memory_space<vmem>>) dst(%dma_wait3A_1483 : memref<8x4x768xf32, #tpu.memory_space<hbm>>)
    %dma_start3A_1489 = arith.constant 3 : i32
    %dma_start3A_1490 = arith.constant 0 : i32
    %dma_start3A_1491 = arith.constant 0 : i32
    %dma_start3A_1492 = arith.constant 0 : i32
    %dma_start3A_1493 = tpu.memref_slice %arg7[%dma_start3A_1489, %dma_start3A_1490, %dma_start3A_1491, %dma_start3A_1492] : memref<5x8x4x768xf32, #tpu.memory_space<vmem>> -> memref<1x8x4x768xf32, #tpu.memory_space<vmem>>
    %dma_start3A_1494 = tpu.memref_squeeze %dma_start3A_1493 : memref<1x8x4x768xf32, #tpu.memory_space<vmem>> -> memref<8x4x768xf32, #tpu.memory_space<vmem>>
    %dma_start3A_1495 = arith.constant 112 : i32
    %dma_start3A_1496 = tpu.memref_slice %arg6[%dma_start3A_1495] : memref<128xi32, #tpu.memory_space<vmem>> -> memref<8xi32, #tpu.memory_space<vmem>>
    %dma_start3A_1497 = arith.constant 0 : i32
    %dma_start3A_1498 = arith.constant 0 : i32
    %dma_start3A_1499 = arith.constant 0 : i32
    %dma_start3A_1500 = tpu.memref_slice %arg2[%dma_start3A_1497, %dma_start3A_1498, %dma_start3A_1499] : memref<100x8x768xf32, #tpu.memory_space<hbm>> -> memref<100x4x768xf32, #tpu.memory_space<hbm>>
    tpu.enqueue_indirect_dma source(%dma_start3A_1500 : memref<100x4x768xf32, #tpu.memory_space<hbm>>) target(%dma_start3A_1494 : memref<8x4x768xf32, #tpu.memory_space<vmem>>) offsets(%dma_start3A_1496 : memref<8xi32, #tpu.memory_space<vmem>>) semaphore(%arg11 : memref<!tpu.dma_semaphore, #tpu.memory_space<semaphore_mem>>)
    %dma_wait3A_1501 = arith.constant 4 : i32
    %dma_wait3A_1502 = arith.constant 0 : i32
    %dma_wait3A_1503 = arith.constant 0 : i32
    %dma_wait3A_1504 = arith.constant 0 : i32
    %dma_wait3A_1505 = tpu.memref_slice %arg7[%dma_wait3A_1501, %dma_wait3A_1502, %dma_wait3A_1503, %dma_wait3A_1504] : memref<5x8x4x768xf32, #tpu.memory_space<vmem>> -> memref<1x8x4x768xf32, #tpu.memory_space<vmem>>
    %dma_wait3A_1506 = tpu.memref_squeeze %dma_wait3A_1505 : memref<1x8x4x768xf32, #tpu.memory_space<vmem>> -> memref<8x4x768xf32, #tpu.memory_space<vmem>>
    %dma_wait3A_1507 = arith.constant 96 : i32
    %dma_wait3A_1508 = tpu.memref_slice %arg6[%dma_wait3A_1507] : memref<128xi32, #tpu.memory_space<vmem>> -> memref<8xi32, #tpu.memory_space<vmem>>
    %dma_wait3A_1509 = arith.constant 0 : i32
    %dma_wait3A_1510 = arith.constant 0 : i32
    %dma_wait3A_1511 = arith.constant 0 : i32
    %dma_wait3A_1512 = tpu.memref_slice %arg2[%dma_wait3A_1509, %dma_wait3A_1510, %dma_wait3A_1511] : memref<100x8x768xf32, #tpu.memory_space<hbm>> -> memref<100x4x768xf32, #tpu.memory_space<hbm>>
    tpu.wait_indirect_dma semaphore(%arg12 : memref<!tpu.dma_semaphore, #tpu.memory_space<semaphore_mem>>) src(%dma_wait3A_1512 : memref<100x4x768xf32, #tpu.memory_space<hbm>>) dst(%dma_wait3A_1506 : memref<8x4x768xf32, #tpu.memory_space<vmem>>)
    %add3A_1513 = arith.constant 96 : i32
    %add3A_1514 = arith.addi %mul3A_2, %add3A_1513 : i32
    %dma_start3A_1515 = arith.constant 4 : i32
    %dma_start3A_1516 = arith.constant 0 : i32
    %dma_start3A_1517 = arith.constant 0 : i32
    %dma_start3A_1518 = arith.constant 0 : i32
    %dma_start3A_1519 = tpu.memref_slice %arg7[%dma_start3A_1515, %dma_start3A_1516, %dma_start3A_1517, %dma_start3A_1518] : memref<5x8x4x768xf32, #tpu.memory_space<vmem>> -> memref<1x8x4x768xf32, #tpu.memory_space<vmem>>
    %dma_start3A_1520 = tpu.memref_squeeze %dma_start3A_1519 : memref<1x8x4x768xf32, #tpu.memory_space<vmem>> -> memref<8x4x768xf32, #tpu.memory_space<vmem>>
    %dma_start3A_1521 = arith.constant 0 : i32
    %dma_start3A_1522 = arith.constant 0 : i32
    %dma_start3A_1523 = tpu.memref_slice %arg4[%add3A_1514, %dma_start3A_1521, %dma_start3A_1522] : memref<4096x4x768xf32, #tpu.memory_space<hbm>> -> memref<8x4x768xf32, #tpu.memory_space<hbm>>
    %dma_start3A_1524 = arith.constant 0 : i32
    %dma_start3A_1525 = arith.constant 0 : i32
    %dma_start3A_1526 = tpu.memref_slice %arg4[%add3A_1514, %dma_start3A_1524, %dma_start3A_1525] : memref<4096x4x768xf32, #tpu.memory_space<hbm>> -> memref<8x4x768xf32, #tpu.memory_space<hbm>>
    %dma_start3A_1527 = arith.constant 0 : i32
    %dma_start3A_1528 = arith.constant 0 : i32
    %dma_start3A_1529 = arith.constant 0 : i32
    %dma_start3A_1530 = tpu.memref_slice %arg7[%dma_start3A_1515, %dma_start3A_1527, %dma_start3A_1528, %dma_start3A_1529] : memref<5x8x4x768xf32, #tpu.memory_space<vmem>> -> memref<1x8x4x768xf32, #tpu.memory_space<vmem>>
    %dma_start3A_1531 = tpu.memref_squeeze %dma_start3A_1530 : memref<1x8x4x768xf32, #tpu.memory_space<vmem>> -> memref<8x4x768xf32, #tpu.memory_space<vmem>>
    tpu.enqueue_dma source(%dma_start3A_1531 : memref<8x4x768xf32, #tpu.memory_space<vmem>>) target(%dma_start3A_1526 : memref<8x4x768xf32, #tpu.memory_space<hbm>>) target_semaphore(%arg17 : memref<!tpu.dma_semaphore, #tpu.memory_space<semaphore_mem>>)
    %dma_wait3A_1532 = arith.constant 4 : i32
    %dma_wait3A_1533 = arith.constant 0 : i32
    %dma_wait3A_1534 = arith.constant 0 : i32
    %dma_wait3A_1535 = arith.constant 0 : i32
    %dma_wait3A_1536 = tpu.memref_slice %arg7[%dma_wait3A_1532, %dma_wait3A_1533, %dma_wait3A_1534, %dma_wait3A_1535] : memref<5x8x4x768xf32, #tpu.memory_space<vmem>> -> memref<1x8x4x768xf32, #tpu.memory_space<vmem>>
    %dma_wait3A_1537 = tpu.memref_squeeze %dma_wait3A_1536 : memref<1x8x4x768xf32, #tpu.memory_space<vmem>> -> memref<8x4x768xf32, #tpu.memory_space<vmem>>
    %dma_wait3A_1538 = arith.constant 0 : i32
    %dma_wait3A_1539 = arith.constant 0 : i32
    %dma_wait3A_1540 = tpu.memref_slice %arg4[%add3A_1514, %dma_wait3A_1538, %dma_wait3A_1539] : memref<4096x4x768xf32, #tpu.memory_space<hbm>> -> memref<8x4x768xf32, #tpu.memory_space<hbm>>
    %dma_wait3A_1541 = arith.constant 0 : i32
    %dma_wait3A_1542 = arith.constant 0 : i32
    %dma_wait3A_1543 = tpu.memref_slice %arg4[%add3A_1514, %dma_wait3A_1541, %dma_wait3A_1542] : memref<4096x4x768xf32, #tpu.memory_space<hbm>> -> memref<8x4x768xf32, #tpu.memory_space<hbm>>
    %dma_wait3A_1544 = arith.constant 0 : i32
    %dma_wait3A_1545 = arith.constant 0 : i32
    %dma_wait3A_1546 = arith.constant 0 : i32
    %dma_wait3A_1547 = tpu.memref_slice %arg7[%dma_wait3A_1532, %dma_wait3A_1544, %dma_wait3A_1545, %dma_wait3A_1546] : memref<5x8x4x768xf32, #tpu.memory_space<vmem>> -> memref<1x8x4x768xf32, #tpu.memory_space<vmem>>
    %dma_wait3A_1548 = tpu.memref_squeeze %dma_wait3A_1547 : memref<1x8x4x768xf32, #tpu.memory_space<vmem>> -> memref<8x4x768xf32, #tpu.memory_space<vmem>>
    tpu.wait_dma2 semaphore(%arg17 : memref<!tpu.dma_semaphore, #tpu.memory_space<semaphore_mem>>) src(%dma_wait3A_1548 : memref<8x4x768xf32, #tpu.memory_space<vmem>>) dst(%dma_wait3A_1543 : memref<8x4x768xf32, #tpu.memory_space<hbm>>)
    %dma_start3A_1549 = arith.constant 4 : i32
    %dma_start3A_1550 = arith.constant 0 : i32
    %dma_start3A_1551 = arith.constant 0 : i32
    %dma_start3A_1552 = arith.constant 0 : i32
    %dma_start3A_1553 = tpu.memref_slice %arg7[%dma_start3A_1549, %dma_start3A_1550, %dma_start3A_1551, %dma_start3A_1552] : memref<5x8x4x768xf32, #tpu.memory_space<vmem>> -> memref<1x8x4x768xf32, #tpu.memory_space<vmem>>
    %dma_start3A_1554 = tpu.memref_squeeze %dma_start3A_1553 : memref<1x8x4x768xf32, #tpu.memory_space<vmem>> -> memref<8x4x768xf32, #tpu.memory_space<vmem>>
    %dma_start3A_1555 = arith.constant 112 : i32
    %dma_start3A_1556 = tpu.memref_slice %arg6[%dma_start3A_1555] : memref<128xi32, #tpu.memory_space<vmem>> -> memref<8xi32, #tpu.memory_space<vmem>>
    %dma_start3A_1557 = arith.constant 0 : i32
    %dma_start3A_1558 = arith.constant 4 : i32
    %dma_start3A_1559 = arith.constant 0 : i32
    %dma_start3A_1560 = tpu.memref_slice %arg2[%dma_start3A_1557, %dma_start3A_1558, %dma_start3A_1559] : memref<100x8x768xf32, #tpu.memory_space<hbm>> -> memref<100x4x768xf32, #tpu.memory_space<hbm>>
    tpu.enqueue_indirect_dma source(%dma_start3A_1560 : memref<100x4x768xf32, #tpu.memory_space<hbm>>) target(%dma_start3A_1554 : memref<8x4x768xf32, #tpu.memory_space<vmem>>) offsets(%dma_start3A_1556 : memref<8xi32, #tpu.memory_space<vmem>>) semaphore(%arg12 : memref<!tpu.dma_semaphore, #tpu.memory_space<semaphore_mem>>)
    %dma_wait3A_1561 = arith.constant 0 : i32
    %dma_wait3A_1562 = arith.constant 0 : i32
    %dma_wait3A_1563 = arith.constant 0 : i32
    %dma_wait3A_1564 = arith.constant 0 : i32
    %dma_wait3A_1565 = tpu.memref_slice %arg7[%dma_wait3A_1561, %dma_wait3A_1562, %dma_wait3A_1563, %dma_wait3A_1564] : memref<5x8x4x768xf32, #tpu.memory_space<vmem>> -> memref<1x8x4x768xf32, #tpu.memory_space<vmem>>
    %dma_wait3A_1566 = tpu.memref_squeeze %dma_wait3A_1565 : memref<1x8x4x768xf32, #tpu.memory_space<vmem>> -> memref<8x4x768xf32, #tpu.memory_space<vmem>>
    %dma_wait3A_1567 = arith.constant 96 : i32
    %dma_wait3A_1568 = tpu.memref_slice %arg6[%dma_wait3A_1567] : memref<128xi32, #tpu.memory_space<vmem>> -> memref<8xi32, #tpu.memory_space<vmem>>
    %dma_wait3A_1569 = arith.constant 0 : i32
    %dma_wait3A_1570 = arith.constant 4 : i32
    %dma_wait3A_1571 = arith.constant 0 : i32
    %dma_wait3A_1572 = tpu.memref_slice %arg2[%dma_wait3A_1569, %dma_wait3A_1570, %dma_wait3A_1571] : memref<100x8x768xf32, #tpu.memory_space<hbm>> -> memref<100x4x768xf32, #tpu.memory_space<hbm>>
    tpu.wait_indirect_dma semaphore(%arg8 : memref<!tpu.dma_semaphore, #tpu.memory_space<semaphore_mem>>) src(%dma_wait3A_1572 : memref<100x4x768xf32, #tpu.memory_space<hbm>>) dst(%dma_wait3A_1566 : memref<8x4x768xf32, #tpu.memory_space<vmem>>)
    %add3A_1573 = arith.constant 96 : i32
    %add3A_1574 = arith.addi %mul3A_2, %add3A_1573 : i32
    %dma_start3A_1575 = arith.constant 0 : i32
    %dma_start3A_1576 = arith.constant 0 : i32
    %dma_start3A_1577 = arith.constant 0 : i32
    %dma_start3A_1578 = arith.constant 0 : i32
    %dma_start3A_1579 = tpu.memref_slice %arg7[%dma_start3A_1575, %dma_start3A_1576, %dma_start3A_1577, %dma_start3A_1578] : memref<5x8x4x768xf32, #tpu.memory_space<vmem>> -> memref<1x8x4x768xf32, #tpu.memory_space<vmem>>
    %dma_start3A_1580 = tpu.memref_squeeze %dma_start3A_1579 : memref<1x8x4x768xf32, #tpu.memory_space<vmem>> -> memref<8x4x768xf32, #tpu.memory_space<vmem>>
    %dma_start3A_1581 = arith.constant 0 : i32
    %dma_start3A_1582 = arith.constant 0 : i32
    %dma_start3A_1583 = tpu.memref_slice %arg5[%add3A_1574, %dma_start3A_1581, %dma_start3A_1582] : memref<4096x4x768xf32, #tpu.memory_space<hbm>> -> memref<8x4x768xf32, #tpu.memory_space<hbm>>
    %dma_start3A_1584 = arith.constant 0 : i32
    %dma_start3A_1585 = arith.constant 0 : i32
    %dma_start3A_1586 = tpu.memref_slice %arg5[%add3A_1574, %dma_start3A_1584, %dma_start3A_1585] : memref<4096x4x768xf32, #tpu.memory_space<hbm>> -> memref<8x4x768xf32, #tpu.memory_space<hbm>>
    %dma_start3A_1587 = arith.constant 0 : i32
    %dma_start3A_1588 = arith.constant 0 : i32
    %dma_start3A_1589 = arith.constant 0 : i32
    %dma_start3A_1590 = tpu.memref_slice %arg7[%dma_start3A_1575, %dma_start3A_1587, %dma_start3A_1588, %dma_start3A_1589] : memref<5x8x4x768xf32, #tpu.memory_space<vmem>> -> memref<1x8x4x768xf32, #tpu.memory_space<vmem>>
    %dma_start3A_1591 = tpu.memref_squeeze %dma_start3A_1590 : memref<1x8x4x768xf32, #tpu.memory_space<vmem>> -> memref<8x4x768xf32, #tpu.memory_space<vmem>>
    tpu.enqueue_dma source(%dma_start3A_1591 : memref<8x4x768xf32, #tpu.memory_space<vmem>>) target(%dma_start3A_1586 : memref<8x4x768xf32, #tpu.memory_space<hbm>>) target_semaphore(%arg13 : memref<!tpu.dma_semaphore, #tpu.memory_space<semaphore_mem>>)
    %dma_wait3A_1592 = arith.constant 0 : i32
    %dma_wait3A_1593 = arith.constant 0 : i32
    %dma_wait3A_1594 = arith.constant 0 : i32
    %dma_wait3A_1595 = arith.constant 0 : i32
    %dma_wait3A_1596 = tpu.memref_slice %arg7[%dma_wait3A_1592, %dma_wait3A_1593, %dma_wait3A_1594, %dma_wait3A_1595] : memref<5x8x4x768xf32, #tpu.memory_space<vmem>> -> memref<1x8x4x768xf32, #tpu.memory_space<vmem>>
    %dma_wait3A_1597 = tpu.memref_squeeze %dma_wait3A_1596 : memref<1x8x4x768xf32, #tpu.memory_space<vmem>> -> memref<8x4x768xf32, #tpu.memory_space<vmem>>
    %dma_wait3A_1598 = arith.constant 0 : i32
    %dma_wait3A_1599 = arith.constant 0 : i32
    %dma_wait3A_1600 = tpu.memref_slice %arg5[%add3A_1574, %dma_wait3A_1598, %dma_wait3A_1599] : memref<4096x4x768xf32, #tpu.memory_space<hbm>> -> memref<8x4x768xf32, #tpu.memory_space<hbm>>
    %dma_wait3A_1601 = arith.constant 0 : i32
    %dma_wait3A_1602 = arith.constant 0 : i32
    %dma_wait3A_1603 = tpu.memref_slice %arg5[%add3A_1574, %dma_wait3A_1601, %dma_wait3A_1602] : memref<4096x4x768xf32, #tpu.memory_space<hbm>> -> memref<8x4x768xf32, #tpu.memory_space<hbm>>
    %dma_wait3A_1604 = arith.constant 0 : i32
    %dma_wait3A_1605 = arith.constant 0 : i32
    %dma_wait3A_1606 = arith.constant 0 : i32
    %dma_wait3A_1607 = tpu.memref_slice %arg7[%dma_wait3A_1592, %dma_wait3A_1604, %dma_wait3A_1605, %dma_wait3A_1606] : memref<5x8x4x768xf32, #tpu.memory_space<vmem>> -> memref<1x8x4x768xf32, #tpu.memory_space<vmem>>
    %dma_wait3A_1608 = tpu.memref_squeeze %dma_wait3A_1607 : memref<1x8x4x768xf32, #tpu.memory_space<vmem>> -> memref<8x4x768xf32, #tpu.memory_space<vmem>>
    tpu.wait_dma2 semaphore(%arg13 : memref<!tpu.dma_semaphore, #tpu.memory_space<semaphore_mem>>) src(%dma_wait3A_1608 : memref<8x4x768xf32, #tpu.memory_space<vmem>>) dst(%dma_wait3A_1603 : memref<8x4x768xf32, #tpu.memory_space<hbm>>)
    %dma_start3A_1609 = arith.constant 0 : i32
    %dma_start3A_1610 = arith.constant 0 : i32
    %dma_start3A_1611 = arith.constant 0 : i32
    %dma_start3A_1612 = arith.constant 0 : i32
    %dma_start3A_1613 = tpu.memref_slice %arg7[%dma_start3A_1609, %dma_start3A_1610, %dma_start3A_1611, %dma_start3A_1612] : memref<5x8x4x768xf32, #tpu.memory_space<vmem>> -> memref<1x8x4x768xf32, #tpu.memory_space<vmem>>
    %dma_start3A_1614 = tpu.memref_squeeze %dma_start3A_1613 : memref<1x8x4x768xf32, #tpu.memory_space<vmem>> -> memref<8x4x768xf32, #tpu.memory_space<vmem>>
    %dma_start3A_1615 = arith.constant 120 : i32
    %dma_start3A_1616 = tpu.memref_slice %arg6[%dma_start3A_1615] : memref<128xi32, #tpu.memory_space<vmem>> -> memref<8xi32, #tpu.memory_space<vmem>>
    %dma_start3A_1617 = arith.constant 0 : i32
    %dma_start3A_1618 = arith.constant 0 : i32
    %dma_start3A_1619 = arith.constant 0 : i32
    %dma_start3A_1620 = tpu.memref_slice %arg2[%dma_start3A_1617, %dma_start3A_1618, %dma_start3A_1619] : memref<100x8x768xf32, #tpu.memory_space<hbm>> -> memref<100x4x768xf32, #tpu.memory_space<hbm>>
    tpu.enqueue_indirect_dma source(%dma_start3A_1620 : memref<100x4x768xf32, #tpu.memory_space<hbm>>) target(%dma_start3A_1614 : memref<8x4x768xf32, #tpu.memory_space<vmem>>) offsets(%dma_start3A_1616 : memref<8xi32, #tpu.memory_space<vmem>>) semaphore(%arg8 : memref<!tpu.dma_semaphore, #tpu.memory_space<semaphore_mem>>)
    %dma_wait3A_1621 = arith.constant 1 : i32
    %dma_wait3A_1622 = arith.constant 0 : i32
    %dma_wait3A_1623 = arith.constant 0 : i32
    %dma_wait3A_1624 = arith.constant 0 : i32
    %dma_wait3A_1625 = tpu.memref_slice %arg7[%dma_wait3A_1621, %dma_wait3A_1622, %dma_wait3A_1623, %dma_wait3A_1624] : memref<5x8x4x768xf32, #tpu.memory_space<vmem>> -> memref<1x8x4x768xf32, #tpu.memory_space<vmem>>
    %dma_wait3A_1626 = tpu.memref_squeeze %dma_wait3A_1625 : memref<1x8x4x768xf32, #tpu.memory_space<vmem>> -> memref<8x4x768xf32, #tpu.memory_space<vmem>>
    %dma_wait3A_1627 = arith.constant 104 : i32
    %dma_wait3A_1628 = tpu.memref_slice %arg6[%dma_wait3A_1627] : memref<128xi32, #tpu.memory_space<vmem>> -> memref<8xi32, #tpu.memory_space<vmem>>
    %dma_wait3A_1629 = arith.constant 0 : i32
    %dma_wait3A_1630 = arith.constant 0 : i32
    %dma_wait3A_1631 = arith.constant 0 : i32
    %dma_wait3A_1632 = tpu.memref_slice %arg2[%dma_wait3A_1629, %dma_wait3A_1630, %dma_wait3A_1631] : memref<100x8x768xf32, #tpu.memory_space<hbm>> -> memref<100x4x768xf32, #tpu.memory_space<hbm>>
    tpu.wait_indirect_dma semaphore(%arg9 : memref<!tpu.dma_semaphore, #tpu.memory_space<semaphore_mem>>) src(%dma_wait3A_1632 : memref<100x4x768xf32, #tpu.memory_space<hbm>>) dst(%dma_wait3A_1626 : memref<8x4x768xf32, #tpu.memory_space<vmem>>)
    %add3A_1633 = arith.constant 104 : i32
    %add3A_1634 = arith.addi %mul3A_2, %add3A_1633 : i32
    %dma_start3A_1635 = arith.constant 1 : i32
    %dma_start3A_1636 = arith.constant 0 : i32
    %dma_start3A_1637 = arith.constant 0 : i32
    %dma_start3A_1638 = arith.constant 0 : i32
    %dma_start3A_1639 = tpu.memref_slice %arg7[%dma_start3A_1635, %dma_start3A_1636, %dma_start3A_1637, %dma_start3A_1638] : memref<5x8x4x768xf32, #tpu.memory_space<vmem>> -> memref<1x8x4x768xf32, #tpu.memory_space<vmem>>
    %dma_start3A_1640 = tpu.memref_squeeze %dma_start3A_1639 : memref<1x8x4x768xf32, #tpu.memory_space<vmem>> -> memref<8x4x768xf32, #tpu.memory_space<vmem>>
    %dma_start3A_1641 = arith.constant 0 : i32
    %dma_start3A_1642 = arith.constant 0 : i32
    %dma_start3A_1643 = tpu.memref_slice %arg4[%add3A_1634, %dma_start3A_1641, %dma_start3A_1642] : memref<4096x4x768xf32, #tpu.memory_space<hbm>> -> memref<8x4x768xf32, #tpu.memory_space<hbm>>
    %dma_start3A_1644 = arith.constant 0 : i32
    %dma_start3A_1645 = arith.constant 0 : i32
    %dma_start3A_1646 = tpu.memref_slice %arg4[%add3A_1634, %dma_start3A_1644, %dma_start3A_1645] : memref<4096x4x768xf32, #tpu.memory_space<hbm>> -> memref<8x4x768xf32, #tpu.memory_space<hbm>>
    %dma_start3A_1647 = arith.constant 0 : i32
    %dma_start3A_1648 = arith.constant 0 : i32
    %dma_start3A_1649 = arith.constant 0 : i32
    %dma_start3A_1650 = tpu.memref_slice %arg7[%dma_start3A_1635, %dma_start3A_1647, %dma_start3A_1648, %dma_start3A_1649] : memref<5x8x4x768xf32, #tpu.memory_space<vmem>> -> memref<1x8x4x768xf32, #tpu.memory_space<vmem>>
    %dma_start3A_1651 = tpu.memref_squeeze %dma_start3A_1650 : memref<1x8x4x768xf32, #tpu.memory_space<vmem>> -> memref<8x4x768xf32, #tpu.memory_space<vmem>>
    tpu.enqueue_dma source(%dma_start3A_1651 : memref<8x4x768xf32, #tpu.memory_space<vmem>>) target(%dma_start3A_1646 : memref<8x4x768xf32, #tpu.memory_space<hbm>>) target_semaphore(%arg14 : memref<!tpu.dma_semaphore, #tpu.memory_space<semaphore_mem>>)
    %dma_wait3A_1652 = arith.constant 1 : i32
    %dma_wait3A_1653 = arith.constant 0 : i32
    %dma_wait3A_1654 = arith.constant 0 : i32
    %dma_wait3A_1655 = arith.constant 0 : i32
    %dma_wait3A_1656 = tpu.memref_slice %arg7[%dma_wait3A_1652, %dma_wait3A_1653, %dma_wait3A_1654, %dma_wait3A_1655] : memref<5x8x4x768xf32, #tpu.memory_space<vmem>> -> memref<1x8x4x768xf32, #tpu.memory_space<vmem>>
    %dma_wait3A_1657 = tpu.memref_squeeze %dma_wait3A_1656 : memref<1x8x4x768xf32, #tpu.memory_space<vmem>> -> memref<8x4x768xf32, #tpu.memory_space<vmem>>
    %dma_wait3A_1658 = arith.constant 0 : i32
    %dma_wait3A_1659 = arith.constant 0 : i32
    %dma_wait3A_1660 = tpu.memref_slice %arg4[%add3A_1634, %dma_wait3A_1658, %dma_wait3A_1659] : memref<4096x4x768xf32, #tpu.memory_space<hbm>> -> memref<8x4x768xf32, #tpu.memory_space<hbm>>
    %dma_wait3A_1661 = arith.constant 0 : i32
    %dma_wait3A_1662 = arith.constant 0 : i32
    %dma_wait3A_1663 = tpu.memref_slice %arg4[%add3A_1634, %dma_wait3A_1661, %dma_wait3A_1662] : memref<4096x4x768xf32, #tpu.memory_space<hbm>> -> memref<8x4x768xf32, #tpu.memory_space<hbm>>
    %dma_wait3A_1664 = arith.constant 0 : i32
    %dma_wait3A_1665 = arith.constant 0 : i32
    %dma_wait3A_1666 = arith.constant 0 : i32
    %dma_wait3A_1667 = tpu.memref_slice %arg7[%dma_wait3A_1652, %dma_wait3A_1664, %dma_wait3A_1665, %dma_wait3A_1666] : memref<5x8x4x768xf32, #tpu.memory_space<vmem>> -> memref<1x8x4x768xf32, #tpu.memory_space<vmem>>
    %dma_wait3A_1668 = tpu.memref_squeeze %dma_wait3A_1667 : memref<1x8x4x768xf32, #tpu.memory_space<vmem>> -> memref<8x4x768xf32, #tpu.memory_space<vmem>>
    tpu.wait_dma2 semaphore(%arg14 : memref<!tpu.dma_semaphore, #tpu.memory_space<semaphore_mem>>) src(%dma_wait3A_1668 : memref<8x4x768xf32, #tpu.memory_space<vmem>>) dst(%dma_wait3A_1663 : memref<8x4x768xf32, #tpu.memory_space<hbm>>)
    %dma_start3A_1669 = arith.constant 1 : i32
    %dma_start3A_1670 = arith.constant 0 : i32
    %dma_start3A_1671 = arith.constant 0 : i32
    %dma_start3A_1672 = arith.constant 0 : i32
    %dma_start3A_1673 = tpu.memref_slice %arg7[%dma_start3A_1669, %dma_start3A_1670, %dma_start3A_1671, %dma_start3A_1672] : memref<5x8x4x768xf32, #tpu.memory_space<vmem>> -> memref<1x8x4x768xf32, #tpu.memory_space<vmem>>
    %dma_start3A_1674 = tpu.memref_squeeze %dma_start3A_1673 : memref<1x8x4x768xf32, #tpu.memory_space<vmem>> -> memref<8x4x768xf32, #tpu.memory_space<vmem>>
    %dma_start3A_1675 = arith.constant 120 : i32
    %dma_start3A_1676 = tpu.memref_slice %arg6[%dma_start3A_1675] : memref<128xi32, #tpu.memory_space<vmem>> -> memref<8xi32, #tpu.memory_space<vmem>>
    %dma_start3A_1677 = arith.constant 0 : i32
    %dma_start3A_1678 = arith.constant 4 : i32
    %dma_start3A_1679 = arith.constant 0 : i32
    %dma_start3A_1680 = tpu.memref_slice %arg2[%dma_start3A_1677, %dma_start3A_1678, %dma_start3A_1679] : memref<100x8x768xf32, #tpu.memory_space<hbm>> -> memref<100x4x768xf32, #tpu.memory_space<hbm>>
    tpu.enqueue_indirect_dma source(%dma_start3A_1680 : memref<100x4x768xf32, #tpu.memory_space<hbm>>) target(%dma_start3A_1674 : memref<8x4x768xf32, #tpu.memory_space<vmem>>) offsets(%dma_start3A_1676 : memref<8xi32, #tpu.memory_space<vmem>>) semaphore(%arg9 : memref<!tpu.dma_semaphore, #tpu.memory_space<semaphore_mem>>)
    %dma_wait3A_1681 = arith.constant 2 : i32
    %dma_wait3A_1682 = arith.constant 0 : i32
    %dma_wait3A_1683 = arith.constant 0 : i32
    %dma_wait3A_1684 = arith.constant 0 : i32
    %dma_wait3A_1685 = tpu.memref_slice %arg7[%dma_wait3A_1681, %dma_wait3A_1682, %dma_wait3A_1683, %dma_wait3A_1684] : memref<5x8x4x768xf32, #tpu.memory_space<vmem>> -> memref<1x8x4x768xf32, #tpu.memory_space<vmem>>
    %dma_wait3A_1686 = tpu.memref_squeeze %dma_wait3A_1685 : memref<1x8x4x768xf32, #tpu.memory_space<vmem>> -> memref<8x4x768xf32, #tpu.memory_space<vmem>>
    %dma_wait3A_1687 = arith.constant 104 : i32
    %dma_wait3A_1688 = tpu.memref_slice %arg6[%dma_wait3A_1687] : memref<128xi32, #tpu.memory_space<vmem>> -> memref<8xi32, #tpu.memory_space<vmem>>
    %dma_wait3A_1689 = arith.constant 0 : i32
    %dma_wait3A_1690 = arith.constant 4 : i32
    %dma_wait3A_1691 = arith.constant 0 : i32
    %dma_wait3A_1692 = tpu.memref_slice %arg2[%dma_wait3A_1689, %dma_wait3A_1690, %dma_wait3A_1691] : memref<100x8x768xf32, #tpu.memory_space<hbm>> -> memref<100x4x768xf32, #tpu.memory_space<hbm>>
    tpu.wait_indirect_dma semaphore(%arg10 : memref<!tpu.dma_semaphore, #tpu.memory_space<semaphore_mem>>) src(%dma_wait3A_1692 : memref<100x4x768xf32, #tpu.memory_space<hbm>>) dst(%dma_wait3A_1686 : memref<8x4x768xf32, #tpu.memory_space<vmem>>)
    %add3A_1693 = arith.constant 104 : i32
    %add3A_1694 = arith.addi %mul3A_2, %add3A_1693 : i32
    %dma_start3A_1695 = arith.constant 2 : i32
    %dma_start3A_1696 = arith.constant 0 : i32
    %dma_start3A_1697 = arith.constant 0 : i32
    %dma_start3A_1698 = arith.constant 0 : i32
    %dma_start3A_1699 = tpu.memref_slice %arg7[%dma_start3A_1695, %dma_start3A_1696, %dma_start3A_1697, %dma_start3A_1698] : memref<5x8x4x768xf32, #tpu.memory_space<vmem>> -> memref<1x8x4x768xf32, #tpu.memory_space<vmem>>
    %dma_start3A_1700 = tpu.memref_squeeze %dma_start3A_1699 : memref<1x8x4x768xf32, #tpu.memory_space<vmem>> -> memref<8x4x768xf32, #tpu.memory_space<vmem>>
    %dma_start3A_1701 = arith.constant 0 : i32
    %dma_start3A_1702 = arith.constant 0 : i32
    %dma_start3A_1703 = tpu.memref_slice %arg5[%add3A_1694, %dma_start3A_1701, %dma_start3A_1702] : memref<4096x4x768xf32, #tpu.memory_space<hbm>> -> memref<8x4x768xf32, #tpu.memory_space<hbm>>
    %dma_start3A_1704 = arith.constant 0 : i32
    %dma_start3A_1705 = arith.constant 0 : i32
    %dma_start3A_1706 = tpu.memref_slice %arg5[%add3A_1694, %dma_start3A_1704, %dma_start3A_1705] : memref<4096x4x768xf32, #tpu.memory_space<hbm>> -> memref<8x4x768xf32, #tpu.memory_space<hbm>>
    %dma_start3A_1707 = arith.constant 0 : i32
    %dma_start3A_1708 = arith.constant 0 : i32
    %dma_start3A_1709 = arith.constant 0 : i32
    %dma_start3A_1710 = tpu.memref_slice %arg7[%dma_start3A_1695, %dma_start3A_1707, %dma_start3A_1708, %dma_start3A_1709] : memref<5x8x4x768xf32, #tpu.memory_space<vmem>> -> memref<1x8x4x768xf32, #tpu.memory_space<vmem>>
    %dma_start3A_1711 = tpu.memref_squeeze %dma_start3A_1710 : memref<1x8x4x768xf32, #tpu.memory_space<vmem>> -> memref<8x4x768xf32, #tpu.memory_space<vmem>>
    tpu.enqueue_dma source(%dma_start3A_1711 : memref<8x4x768xf32, #tpu.memory_space<vmem>>) target(%dma_start3A_1706 : memref<8x4x768xf32, #tpu.memory_space<hbm>>) target_semaphore(%arg15 : memref<!tpu.dma_semaphore, #tpu.memory_space<semaphore_mem>>)
    %dma_wait3A_1712 = arith.constant 3 : i32
    %dma_wait3A_1713 = arith.constant 0 : i32
    %dma_wait3A_1714 = arith.constant 0 : i32
    %dma_wait3A_1715 = arith.constant 0 : i32
    %dma_wait3A_1716 = tpu.memref_slice %arg7[%dma_wait3A_1712, %dma_wait3A_1713, %dma_wait3A_1714, %dma_wait3A_1715] : memref<5x8x4x768xf32, #tpu.memory_space<vmem>> -> memref<1x8x4x768xf32, #tpu.memory_space<vmem>>
    %dma_wait3A_1717 = tpu.memref_squeeze %dma_wait3A_1716 : memref<1x8x4x768xf32, #tpu.memory_space<vmem>> -> memref<8x4x768xf32, #tpu.memory_space<vmem>>
    %dma_wait3A_1718 = arith.constant 112 : i32
    %dma_wait3A_1719 = tpu.memref_slice %arg6[%dma_wait3A_1718] : memref<128xi32, #tpu.memory_space<vmem>> -> memref<8xi32, #tpu.memory_space<vmem>>
    %dma_wait3A_1720 = arith.constant 0 : i32
    %dma_wait3A_1721 = arith.constant 0 : i32
    %dma_wait3A_1722 = arith.constant 0 : i32
    %dma_wait3A_1723 = tpu.memref_slice %arg2[%dma_wait3A_1720, %dma_wait3A_1721, %dma_wait3A_1722] : memref<100x8x768xf32, #tpu.memory_space<hbm>> -> memref<100x4x768xf32, #tpu.memory_space<hbm>>
    tpu.wait_indirect_dma semaphore(%arg11 : memref<!tpu.dma_semaphore, #tpu.memory_space<semaphore_mem>>) src(%dma_wait3A_1723 : memref<100x4x768xf32, #tpu.memory_space<hbm>>) dst(%dma_wait3A_1717 : memref<8x4x768xf32, #tpu.memory_space<vmem>>)
    %add3A_1724 = arith.constant 112 : i32
    %add3A_1725 = arith.addi %mul3A_2, %add3A_1724 : i32
    %dma_start3A_1726 = arith.constant 3 : i32
    %dma_start3A_1727 = arith.constant 0 : i32
    %dma_start3A_1728 = arith.constant 0 : i32
    %dma_start3A_1729 = arith.constant 0 : i32
    %dma_start3A_1730 = tpu.memref_slice %arg7[%dma_start3A_1726, %dma_start3A_1727, %dma_start3A_1728, %dma_start3A_1729] : memref<5x8x4x768xf32, #tpu.memory_space<vmem>> -> memref<1x8x4x768xf32, #tpu.memory_space<vmem>>
    %dma_start3A_1731 = tpu.memref_squeeze %dma_start3A_1730 : memref<1x8x4x768xf32, #tpu.memory_space<vmem>> -> memref<8x4x768xf32, #tpu.memory_space<vmem>>
    %dma_start3A_1732 = arith.constant 0 : i32
    %dma_start3A_1733 = arith.constant 0 : i32
    %dma_start3A_1734 = tpu.memref_slice %arg4[%add3A_1725, %dma_start3A_1732, %dma_start3A_1733] : memref<4096x4x768xf32, #tpu.memory_space<hbm>> -> memref<8x4x768xf32, #tpu.memory_space<hbm>>
    %dma_start3A_1735 = arith.constant 0 : i32
    %dma_start3A_1736 = arith.constant 0 : i32
    %dma_start3A_1737 = tpu.memref_slice %arg4[%add3A_1725, %dma_start3A_1735, %dma_start3A_1736] : memref<4096x4x768xf32, #tpu.memory_space<hbm>> -> memref<8x4x768xf32, #tpu.memory_space<hbm>>
    %dma_start3A_1738 = arith.constant 0 : i32
    %dma_start3A_1739 = arith.constant 0 : i32
    %dma_start3A_1740 = arith.constant 0 : i32
    %dma_start3A_1741 = tpu.memref_slice %arg7[%dma_start3A_1726, %dma_start3A_1738, %dma_start3A_1739, %dma_start3A_1740] : memref<5x8x4x768xf32, #tpu.memory_space<vmem>> -> memref<1x8x4x768xf32, #tpu.memory_space<vmem>>
    %dma_start3A_1742 = tpu.memref_squeeze %dma_start3A_1741 : memref<1x8x4x768xf32, #tpu.memory_space<vmem>> -> memref<8x4x768xf32, #tpu.memory_space<vmem>>
    tpu.enqueue_dma source(%dma_start3A_1742 : memref<8x4x768xf32, #tpu.memory_space<vmem>>) target(%dma_start3A_1737 : memref<8x4x768xf32, #tpu.memory_space<hbm>>) target_semaphore(%arg16 : memref<!tpu.dma_semaphore, #tpu.memory_space<semaphore_mem>>)
    %dma_wait3A_1743 = arith.constant 4 : i32
    %dma_wait3A_1744 = arith.constant 0 : i32
    %dma_wait3A_1745 = arith.constant 0 : i32
    %dma_wait3A_1746 = arith.constant 0 : i32
    %dma_wait3A_1747 = tpu.memref_slice %arg7[%dma_wait3A_1743, %dma_wait3A_1744, %dma_wait3A_1745, %dma_wait3A_1746] : memref<5x8x4x768xf32, #tpu.memory_space<vmem>> -> memref<1x8x4x768xf32, #tpu.memory_space<vmem>>
    %dma_wait3A_1748 = tpu.memref_squeeze %dma_wait3A_1747 : memref<1x8x4x768xf32, #tpu.memory_space<vmem>> -> memref<8x4x768xf32, #tpu.memory_space<vmem>>
    %dma_wait3A_1749 = arith.constant 112 : i32
    %dma_wait3A_1750 = tpu.memref_slice %arg6[%dma_wait3A_1749] : memref<128xi32, #tpu.memory_space<vmem>> -> memref<8xi32, #tpu.memory_space<vmem>>
    %dma_wait3A_1751 = arith.constant 0 : i32
    %dma_wait3A_1752 = arith.constant 4 : i32
    %dma_wait3A_1753 = arith.constant 0 : i32
    %dma_wait3A_1754 = tpu.memref_slice %arg2[%dma_wait3A_1751, %dma_wait3A_1752, %dma_wait3A_1753] : memref<100x8x768xf32, #tpu.memory_space<hbm>> -> memref<100x4x768xf32, #tpu.memory_space<hbm>>
    tpu.wait_indirect_dma semaphore(%arg12 : memref<!tpu.dma_semaphore, #tpu.memory_space<semaphore_mem>>) src(%dma_wait3A_1754 : memref<100x4x768xf32, #tpu.memory_space<hbm>>) dst(%dma_wait3A_1748 : memref<8x4x768xf32, #tpu.memory_space<vmem>>)
    %add3A_1755 = arith.constant 112 : i32
    %add3A_1756 = arith.addi %mul3A_2, %add3A_1755 : i32
    %dma_start3A_1757 = arith.constant 4 : i32
    %dma_start3A_1758 = arith.constant 0 : i32
    %dma_start3A_1759 = arith.constant 0 : i32
    %dma_start3A_1760 = arith.constant 0 : i32
    %dma_start3A_1761 = tpu.memref_slice %arg7[%dma_start3A_1757, %dma_start3A_1758, %dma_start3A_1759, %dma_start3A_1760] : memref<5x8x4x768xf32, #tpu.memory_space<vmem>> -> memref<1x8x4x768xf32, #tpu.memory_space<vmem>>
    %dma_start3A_1762 = tpu.memref_squeeze %dma_start3A_1761 : memref<1x8x4x768xf32, #tpu.memory_space<vmem>> -> memref<8x4x768xf32, #tpu.memory_space<vmem>>
    %dma_start3A_1763 = arith.constant 0 : i32
    %dma_start3A_1764 = arith.constant 0 : i32
    %dma_start3A_1765 = tpu.memref_slice %arg5[%add3A_1756, %dma_start3A_1763, %dma_start3A_1764] : memref<4096x4x768xf32, #tpu.memory_space<hbm>> -> memref<8x4x768xf32, #tpu.memory_space<hbm>>
    %dma_start3A_1766 = arith.constant 0 : i32
    %dma_start3A_1767 = arith.constant 0 : i32
    %dma_start3A_1768 = tpu.memref_slice %arg5[%add3A_1756, %dma_start3A_1766, %dma_start3A_1767] : memref<4096x4x768xf32, #tpu.memory_space<hbm>> -> memref<8x4x768xf32, #tpu.memory_space<hbm>>
    %dma_start3A_1769 = arith.constant 0 : i32
    %dma_start3A_1770 = arith.constant 0 : i32
    %dma_start3A_1771 = arith.constant 0 : i32
    %dma_start3A_1772 = tpu.memref_slice %arg7[%dma_start3A_1757, %dma_start3A_1769, %dma_start3A_1770, %dma_start3A_1771] : memref<5x8x4x768xf32, #tpu.memory_space<vmem>> -> memref<1x8x4x768xf32, #tpu.memory_space<vmem>>
    %dma_start3A_1773 = tpu.memref_squeeze %dma_start3A_1772 : memref<1x8x4x768xf32, #tpu.memory_space<vmem>> -> memref<8x4x768xf32, #tpu.memory_space<vmem>>
    tpu.enqueue_dma source(%dma_start3A_1773 : memref<8x4x768xf32, #tpu.memory_space<vmem>>) target(%dma_start3A_1768 : memref<8x4x768xf32, #tpu.memory_space<hbm>>) target_semaphore(%arg17 : memref<!tpu.dma_semaphore, #tpu.memory_space<semaphore_mem>>)
    %dma_wait3A_1774 = arith.constant 0 : i32
    %dma_wait3A_1775 = arith.constant 0 : i32
    %dma_wait3A_1776 = arith.constant 0 : i32
    %dma_wait3A_1777 = arith.constant 0 : i32
    %dma_wait3A_1778 = tpu.memref_slice %arg7[%dma_wait3A_1774, %dma_wait3A_1775, %dma_wait3A_1776, %dma_wait3A_1777] : memref<5x8x4x768xf32, #tpu.memory_space<vmem>> -> memref<1x8x4x768xf32, #tpu.memory_space<vmem>>
    %dma_wait3A_1779 = tpu.memref_squeeze %dma_wait3A_1778 : memref<1x8x4x768xf32, #tpu.memory_space<vmem>> -> memref<8x4x768xf32, #tpu.memory_space<vmem>>
    %dma_wait3A_1780 = arith.constant 120 : i32
    %dma_wait3A_1781 = tpu.memref_slice %arg6[%dma_wait3A_1780] : memref<128xi32, #tpu.memory_space<vmem>> -> memref<8xi32, #tpu.memory_space<vmem>>
    %dma_wait3A_1782 = arith.constant 0 : i32
    %dma_wait3A_1783 = arith.constant 0 : i32
    %dma_wait3A_1784 = arith.constant 0 : i32
    %dma_wait3A_1785 = tpu.memref_slice %arg2[%dma_wait3A_1782, %dma_wait3A_1783, %dma_wait3A_1784] : memref<100x8x768xf32, #tpu.memory_space<hbm>> -> memref<100x4x768xf32, #tpu.memory_space<hbm>>
    tpu.wait_indirect_dma semaphore(%arg8 : memref<!tpu.dma_semaphore, #tpu.memory_space<semaphore_mem>>) src(%dma_wait3A_1785 : memref<100x4x768xf32, #tpu.memory_space<hbm>>) dst(%dma_wait3A_1779 : memref<8x4x768xf32, #tpu.memory_space<vmem>>)
    %add3A_1786 = arith.constant 120 : i32
    %add3A_1787 = arith.addi %mul3A_2, %add3A_1786 : i32
    %dma_start3A_1788 = arith.constant 0 : i32
    %dma_start3A_1789 = arith.constant 0 : i32
    %dma_start3A_1790 = arith.constant 0 : i32
    %dma_start3A_1791 = arith.constant 0 : i32
    %dma_start3A_1792 = tpu.memref_slice %arg7[%dma_start3A_1788, %dma_start3A_1789, %dma_start3A_1790, %dma_start3A_1791] : memref<5x8x4x768xf32, #tpu.memory_space<vmem>> -> memref<1x8x4x768xf32, #tpu.memory_space<vmem>>
    %dma_start3A_1793 = tpu.memref_squeeze %dma_start3A_1792 : memref<1x8x4x768xf32, #tpu.memory_space<vmem>> -> memref<8x4x768xf32, #tpu.memory_space<vmem>>
    %dma_start3A_1794 = arith.constant 0 : i32
    %dma_start3A_1795 = arith.constant 0 : i32
    %dma_start3A_1796 = tpu.memref_slice %arg4[%add3A_1787, %dma_start3A_1794, %dma_start3A_1795] : memref<4096x4x768xf32, #tpu.memory_space<hbm>> -> memref<8x4x768xf32, #tpu.memory_space<hbm>>
    %dma_start3A_1797 = arith.constant 0 : i32
    %dma_start3A_1798 = arith.constant 0 : i32
    %dma_start3A_1799 = tpu.memref_slice %arg4[%add3A_1787, %dma_start3A_1797, %dma_start3A_1798] : memref<4096x4x768xf32, #tpu.memory_space<hbm>> -> memref<8x4x768xf32, #tpu.memory_space<hbm>>
    %dma_start3A_1800 = arith.constant 0 : i32
    %dma_start3A_1801 = arith.constant 0 : i32
    %dma_start3A_1802 = arith.constant 0 : i32
    %dma_start3A_1803 = tpu.memref_slice %arg7[%dma_start3A_1788, %dma_start3A_1800, %dma_start3A_1801, %dma_start3A_1802] : memref<5x8x4x768xf32, #tpu.memory_space<vmem>> -> memref<1x8x4x768xf32, #tpu.memory_space<vmem>>
    %dma_start3A_1804 = tpu.memref_squeeze %dma_start3A_1803 : memref<1x8x4x768xf32, #tpu.memory_space<vmem>> -> memref<8x4x768xf32, #tpu.memory_space<vmem>>
    tpu.enqueue_dma source(%dma_start3A_1804 : memref<8x4x768xf32, #tpu.memory_space<vmem>>) target(%dma_start3A_1799 : memref<8x4x768xf32, #tpu.memory_space<hbm>>) target_semaphore(%arg13 : memref<!tpu.dma_semaphore, #tpu.memory_space<semaphore_mem>>)
    %dma_wait3A_1805 = arith.constant 1 : i32
    %dma_wait3A_1806 = arith.constant 0 : i32
    %dma_wait3A_1807 = arith.constant 0 : i32
    %dma_wait3A_1808 = arith.constant 0 : i32
    %dma_wait3A_1809 = tpu.memref_slice %arg7[%dma_wait3A_1805, %dma_wait3A_1806, %dma_wait3A_1807, %dma_wait3A_1808] : memref<5x8x4x768xf32, #tpu.memory_space<vmem>> -> memref<1x8x4x768xf32, #tpu.memory_space<vmem>>
    %dma_wait3A_1810 = tpu.memref_squeeze %dma_wait3A_1809 : memref<1x8x4x768xf32, #tpu.memory_space<vmem>> -> memref<8x4x768xf32, #tpu.memory_space<vmem>>
    %dma_wait3A_1811 = arith.constant 120 : i32
    %dma_wait3A_1812 = tpu.memref_slice %arg6[%dma_wait3A_1811] : memref<128xi32, #tpu.memory_space<vmem>> -> memref<8xi32, #tpu.memory_space<vmem>>
    %dma_wait3A_1813 = arith.constant 0 : i32
    %dma_wait3A_1814 = arith.constant 4 : i32
    %dma_wait3A_1815 = arith.constant 0 : i32
    %dma_wait3A_1816 = tpu.memref_slice %arg2[%dma_wait3A_1813, %dma_wait3A_1814, %dma_wait3A_1815] : memref<100x8x768xf32, #tpu.memory_space<hbm>> -> memref<100x4x768xf32, #tpu.memory_space<hbm>>
    tpu.wait_indirect_dma semaphore(%arg9 : memref<!tpu.dma_semaphore, #tpu.memory_space<semaphore_mem>>) src(%dma_wait3A_1816 : memref<100x4x768xf32, #tpu.memory_space<hbm>>) dst(%dma_wait3A_1810 : memref<8x4x768xf32, #tpu.memory_space<vmem>>)
    %add3A_1817 = arith.constant 120 : i32
    %add3A_1818 = arith.addi %mul3A_2, %add3A_1817 : i32
    %dma_start3A_1819 = arith.constant 1 : i32
    %dma_start3A_1820 = arith.constant 0 : i32
    %dma_start3A_1821 = arith.constant 0 : i32
    %dma_start3A_1822 = arith.constant 0 : i32
    %dma_start3A_1823 = tpu.memref_slice %arg7[%dma_start3A_1819, %dma_start3A_1820, %dma_start3A_1821, %dma_start3A_1822] : memref<5x8x4x768xf32, #tpu.memory_space<vmem>> -> memref<1x8x4x768xf32, #tpu.memory_space<vmem>>
    %dma_start3A_1824 = tpu.memref_squeeze %dma_start3A_1823 : memref<1x8x4x768xf32, #tpu.memory_space<vmem>> -> memref<8x4x768xf32, #tpu.memory_space<vmem>>
    %dma_start3A_1825 = arith.constant 0 : i32
    %dma_start3A_1826 = arith.constant 0 : i32
    %dma_start3A_1827 = tpu.memref_slice %arg5[%add3A_1818, %dma_start3A_1825, %dma_start3A_1826] : memref<4096x4x768xf32, #tpu.memory_space<hbm>> -> memref<8x4x768xf32, #tpu.memory_space<hbm>>
    %dma_start3A_1828 = arith.constant 0 : i32
    %dma_start3A_1829 = arith.constant 0 : i32
    %dma_start3A_1830 = tpu.memref_slice %arg5[%add3A_1818, %dma_start3A_1828, %dma_start3A_1829] : memref<4096x4x768xf32, #tpu.memory_space<hbm>> -> memref<8x4x768xf32, #tpu.memory_space<hbm>>
    %dma_start3A_1831 = arith.constant 0 : i32
    %dma_start3A_1832 = arith.constant 0 : i32
    %dma_start3A_1833 = arith.constant 0 : i32
    %dma_start3A_1834 = tpu.memref_slice %arg7[%dma_start3A_1819, %dma_start3A_1831, %dma_start3A_1832, %dma_start3A_1833] : memref<5x8x4x768xf32, #tpu.memory_space<vmem>> -> memref<1x8x4x768xf32, #tpu.memory_space<vmem>>
    %dma_start3A_1835 = tpu.memref_squeeze %dma_start3A_1834 : memref<1x8x4x768xf32, #tpu.memory_space<vmem>> -> memref<8x4x768xf32, #tpu.memory_space<vmem>>
    tpu.enqueue_dma source(%dma_start3A_1835 : memref<8x4x768xf32, #tpu.memory_space<vmem>>) target(%dma_start3A_1830 : memref<8x4x768xf32, #tpu.memory_space<hbm>>) target_semaphore(%arg14 : memref<!tpu.dma_semaphore, #tpu.memory_space<semaphore_mem>>)
    %dma_wait3A_1836 = arith.constant 2 : i32
    %dma_wait3A_1837 = arith.constant 0 : i32
    %dma_wait3A_1838 = arith.constant 0 : i32
    %dma_wait3A_1839 = arith.constant 0 : i32
    %dma_wait3A_1840 = tpu.memref_slice %arg7[%dma_wait3A_1836, %dma_wait3A_1837, %dma_wait3A_1838, %dma_wait3A_1839] : memref<5x8x4x768xf32, #tpu.memory_space<vmem>> -> memref<1x8x4x768xf32, #tpu.memory_space<vmem>>
    %dma_wait3A_1841 = tpu.memref_squeeze %dma_wait3A_1840 : memref<1x8x4x768xf32, #tpu.memory_space<vmem>> -> memref<8x4x768xf32, #tpu.memory_space<vmem>>
    %dma_wait3A_1842 = arith.constant 0 : i32
    %dma_wait3A_1843 = arith.constant 0 : i32
    %dma_wait3A_1844 = tpu.memref_slice %arg5[%add3A_1694, %dma_wait3A_1842, %dma_wait3A_1843] : memref<4096x4x768xf32, #tpu.memory_space<hbm>> -> memref<8x4x768xf32, #tpu.memory_space<hbm>>
    %dma_wait3A_1845 = arith.constant 0 : i32
    %dma_wait3A_1846 = arith.constant 0 : i32
    %dma_wait3A_1847 = tpu.memref_slice %arg5[%add3A_1694, %dma_wait3A_1845, %dma_wait3A_1846] : memref<4096x4x768xf32, #tpu.memory_space<hbm>> -> memref<8x4x768xf32, #tpu.memory_space<hbm>>
    %dma_wait3A_1848 = arith.constant 0 : i32
    %dma_wait3A_1849 = arith.constant 0 : i32
    %dma_wait3A_1850 = arith.constant 0 : i32
    %dma_wait3A_1851 = tpu.memref_slice %arg7[%dma_wait3A_1836, %dma_wait3A_1848, %dma_wait3A_1849, %dma_wait3A_1850] : memref<5x8x4x768xf32, #tpu.memory_space<vmem>> -> memref<1x8x4x768xf32, #tpu.memory_space<vmem>>
    %dma_wait3A_1852 = tpu.memref_squeeze %dma_wait3A_1851 : memref<1x8x4x768xf32, #tpu.memory_space<vmem>> -> memref<8x4x768xf32, #tpu.memory_space<vmem>>
    tpu.wait_dma2 semaphore(%arg15 : memref<!tpu.dma_semaphore, #tpu.memory_space<semaphore_mem>>) src(%dma_wait3A_1852 : memref<8x4x768xf32, #tpu.memory_space<vmem>>) dst(%dma_wait3A_1847 : memref<8x4x768xf32, #tpu.memory_space<hbm>>)
    %dma_wait3A_1853 = arith.constant 3 : i32
    %dma_wait3A_1854 = arith.constant 0 : i32
    %dma_wait3A_1855 = arith.constant 0 : i32
    %dma_wait3A_1856 = arith.constant 0 : i32
    %dma_wait3A_1857 = tpu.memref_slice %arg7[%dma_wait3A_1853, %dma_wait3A_1854, %dma_wait3A_1855, %dma_wait3A_1856] : memref<5x8x4x768xf32, #tpu.memory_space<vmem>> -> memref<1x8x4x768xf32, #tpu.memory_space<vmem>>
    %dma_wait3A_1858 = tpu.memref_squeeze %dma_wait3A_1857 : memref<1x8x4x768xf32, #tpu.memory_space<vmem>> -> memref<8x4x768xf32, #tpu.memory_space<vmem>>
    %dma_wait3A_1859 = arith.constant 0 : i32
    %dma_wait3A_1860 = arith.constant 0 : i32
    %dma_wait3A_1861 = tpu.memref_slice %arg4[%add3A_1725, %dma_wait3A_1859, %dma_wait3A_1860] : memref<4096x4x768xf32, #tpu.memory_space<hbm>> -> memref<8x4x768xf32, #tpu.memory_space<hbm>>
    %dma_wait3A_1862 = arith.constant 0 : i32
    %dma_wait3A_1863 = arith.constant 0 : i32
    %dma_wait3A_1864 = tpu.memref_slice %arg4[%add3A_1725, %dma_wait3A_1862, %dma_wait3A_1863] : memref<4096x4x768xf32, #tpu.memory_space<hbm>> -> memref<8x4x768xf32, #tpu.memory_space<hbm>>
    %dma_wait3A_1865 = arith.constant 0 : i32
    %dma_wait3A_1866 = arith.constant 0 : i32
    %dma_wait3A_1867 = arith.constant 0 : i32
    %dma_wait3A_1868 = tpu.memref_slice %arg7[%dma_wait3A_1853, %dma_wait3A_1865, %dma_wait3A_1866, %dma_wait3A_1867] : memref<5x8x4x768xf32, #tpu.memory_space<vmem>> -> memref<1x8x4x768xf32, #tpu.memory_space<vmem>>
    %dma_wait3A_1869 = tpu.memref_squeeze %dma_wait3A_1868 : memref<1x8x4x768xf32, #tpu.memory_space<vmem>> -> memref<8x4x768xf32, #tpu.memory_space<vmem>>
    tpu.wait_dma2 semaphore(%arg16 : memref<!tpu.dma_semaphore, #tpu.memory_space<semaphore_mem>>) src(%dma_wait3A_1869 : memref<8x4x768xf32, #tpu.memory_space<vmem>>) dst(%dma_wait3A_1864 : memref<8x4x768xf32, #tpu.memory_space<hbm>>)
    %dma_wait3A_1870 = arith.constant 4 : i32
    %dma_wait3A_1871 = arith.constant 0 : i32
    %dma_wait3A_1872 = arith.constant 0 : i32
    %dma_wait3A_1873 = arith.constant 0 : i32
    %dma_wait3A_1874 = tpu.memref_slice %arg7[%dma_wait3A_1870, %dma_wait3A_1871, %dma_wait3A_1872, %dma_wait3A_1873] : memref<5x8x4x768xf32, #tpu.memory_space<vmem>> -> memref<1x8x4x768xf32, #tpu.memory_space<vmem>>
    %dma_wait3A_1875 = tpu.memref_squeeze %dma_wait3A_1874 : memref<1x8x4x768xf32, #tpu.memory_space<vmem>> -> memref<8x4x768xf32, #tpu.memory_space<vmem>>
    %dma_wait3A_1876 = arith.constant 0 : i32
    %dma_wait3A_1877 = arith.constant 0 : i32
    %dma_wait3A_1878 = tpu.memref_slice %arg5[%add3A_1756, %dma_wait3A_1876, %dma_wait3A_1877] : memref<4096x4x768xf32, #tpu.memory_space<hbm>> -> memref<8x4x768xf32, #tpu.memory_space<hbm>>
    %dma_wait3A_1879 = arith.constant 0 : i32
    %dma_wait3A_1880 = arith.constant 0 : i32
    %dma_wait3A_1881 = tpu.memref_slice %arg5[%add3A_1756, %dma_wait3A_1879, %dma_wait3A_1880] : memref<4096x4x768xf32, #tpu.memory_space<hbm>> -> memref<8x4x768xf32, #tpu.memory_space<hbm>>
    %dma_wait3A_1882 = arith.constant 0 : i32
    %dma_wait3A_1883 = arith.constant 0 : i32
    %dma_wait3A_1884 = arith.constant 0 : i32
    %dma_wait3A_1885 = tpu.memref_slice %arg7[%dma_wait3A_1870, %dma_wait3A_1882, %dma_wait3A_1883, %dma_wait3A_1884] : memref<5x8x4x768xf32, #tpu.memory_space<vmem>> -> memref<1x8x4x768xf32, #tpu.memory_space<vmem>>
    %dma_wait3A_1886 = tpu.memref_squeeze %dma_wait3A_1885 : memref<1x8x4x768xf32, #tpu.memory_space<vmem>> -> memref<8x4x768xf32, #tpu.memory_space<vmem>>
    tpu.wait_dma2 semaphore(%arg17 : memref<!tpu.dma_semaphore, #tpu.memory_space<semaphore_mem>>) src(%dma_wait3A_1886 : memref<8x4x768xf32, #tpu.memory_space<vmem>>) dst(%dma_wait3A_1881 : memref<8x4x768xf32, #tpu.memory_space<hbm>>)
    %dma_wait3A_1887 = arith.constant 0 : i32
    %dma_wait3A_1888 = arith.constant 0 : i32
    %dma_wait3A_1889 = arith.constant 0 : i32
    %dma_wait3A_1890 = arith.constant 0 : i32
    %dma_wait3A_1891 = tpu.memref_slice %arg7[%dma_wait3A_1887, %dma_wait3A_1888, %dma_wait3A_1889, %dma_wait3A_1890] : memref<5x8x4x768xf32, #tpu.memory_space<vmem>> -> memref<1x8x4x768xf32, #tpu.memory_space<vmem>>
    %dma_wait3A_1892 = tpu.memref_squeeze %dma_wait3A_1891 : memref<1x8x4x768xf32, #tpu.memory_space<vmem>> -> memref<8x4x768xf32, #tpu.memory_space<vmem>>
    %dma_wait3A_1893 = arith.constant 0 : i32
    %dma_wait3A_1894 = arith.constant 0 : i32
    %dma_wait3A_1895 = tpu.memref_slice %arg4[%add3A_1787, %dma_wait3A_1893, %dma_wait3A_1894] : memref<4096x4x768xf32, #tpu.memory_space<hbm>> -> memref<8x4x768xf32, #tpu.memory_space<hbm>>
    %dma_wait3A_1896 = arith.constant 0 : i32
    %dma_wait3A_1897 = arith.constant 0 : i32
    %dma_wait3A_1898 = tpu.memref_slice %arg4[%add3A_1787, %dma_wait3A_1896, %dma_wait3A_1897] : memref<4096x4x768xf32, #tpu.memory_space<hbm>> -> memref<8x4x768xf32, #tpu.memory_space<hbm>>
    %dma_wait3A_1899 = arith.constant 0 : i32
    %dma_wait3A_1900 = arith.constant 0 : i32
    %dma_wait3A_1901 = arith.constant 0 : i32
    %dma_wait3A_1902 = tpu.memref_slice %arg7[%dma_wait3A_1887, %dma_wait3A_1899, %dma_wait3A_1900, %dma_wait3A_1901] : memref<5x8x4x768xf32, #tpu.memory_space<vmem>> -> memref<1x8x4x768xf32, #tpu.memory_space<vmem>>
    %dma_wait3A_1903 = tpu.memref_squeeze %dma_wait3A_1902 : memref<1x8x4x768xf32, #tpu.memory_space<vmem>> -> memref<8x4x768xf32, #tpu.memory_space<vmem>>
    tpu.wait_dma2 semaphore(%arg13 : memref<!tpu.dma_semaphore, #tpu.memory_space<semaphore_mem>>) src(%dma_wait3A_1903 : memref<8x4x768xf32, #tpu.memory_space<vmem>>) dst(%dma_wait3A_1898 : memref<8x4x768xf32, #tpu.memory_space<hbm>>)
    %dma_wait3A_1904 = arith.constant 1 : i32
    %dma_wait3A_1905 = arith.constant 0 : i32
    %dma_wait3A_1906 = arith.constant 0 : i32
    %dma_wait3A_1907 = arith.constant 0 : i32
    %dma_wait3A_1908 = tpu.memref_slice %arg7[%dma_wait3A_1904, %dma_wait3A_1905, %dma_wait3A_1906, %dma_wait3A_1907] : memref<5x8x4x768xf32, #tpu.memory_space<vmem>> -> memref<1x8x4x768xf32, #tpu.memory_space<vmem>>
    %dma_wait3A_1909 = tpu.memref_squeeze %dma_wait3A_1908 : memref<1x8x4x768xf32, #tpu.memory_space<vmem>> -> memref<8x4x768xf32, #tpu.memory_space<vmem>>
    %dma_wait3A_1910 = arith.constant 0 : i32
    %dma_wait3A_1911 = arith.constant 0 : i32
    %dma_wait3A_1912 = tpu.memref_slice %arg5[%add3A_1818, %dma_wait3A_1910, %dma_wait3A_1911] : memref<4096x4x768xf32, #tpu.memory_space<hbm>> -> memref<8x4x768xf32, #tpu.memory_space<hbm>>
    %dma_wait3A_1913 = arith.constant 0 : i32
    %dma_wait3A_1914 = arith.constant 0 : i32
    %dma_wait3A_1915 = tpu.memref_slice %arg5[%add3A_1818, %dma_wait3A_1913, %dma_wait3A_1914] : memref<4096x4x768xf32, #tpu.memory_space<hbm>> -> memref<8x4x768xf32, #tpu.memory_space<hbm>>
    %dma_wait3A_1916 = arith.constant 0 : i32
    %dma_wait3A_1917 = arith.constant 0 : i32
    %dma_wait3A_1918 = arith.constant 0 : i32
    %dma_wait3A_1919 = tpu.memref_slice %arg7[%dma_wait3A_1904, %dma_wait3A_1916, %dma_wait3A_1917, %dma_wait3A_1918] : memref<5x8x4x768xf32, #tpu.memory_space<vmem>> -> memref<1x8x4x768xf32, #tpu.memory_space<vmem>>
    %dma_wait3A_1920 = tpu.memref_squeeze %dma_wait3A_1919 : memref<1x8x4x768xf32, #tpu.memory_space<vmem>> -> memref<8x4x768xf32, #tpu.memory_space<vmem>>
    tpu.wait_dma2 semaphore(%arg14 : memref<!tpu.dma_semaphore, #tpu.memory_space<semaphore_mem>>) src(%dma_wait3A_1920 : memref<8x4x768xf32, #tpu.memory_space<vmem>>) dst(%dma_wait3A_1915 : memref<8x4x768xf32, #tpu.memory_space<hbm>>)
    return
  }
}

module attributes {stable_mosaic.version = 14 : i64} {
  func.func @_tc_scores_body(%arg0: i32, %arg1: memref<512x768xf32, #tpu.memory_space<vmem>>, %arg2: memref<100x768xf32, #tpu.memory_space<vmem>>, %arg3: memref<512x768xf32, #tpu.memory_space<vmem>>, %arg4: memref<512xi32, #tpu.memory_space<vmem>>, %arg5: memref<512x768xf32, #tpu.memory_space<vmem>>) attributes {dimension_semantics = [#tpu.dimension_semantics<arbitrary>], iteration_bounds = array<i64: 8>, scalar_prefetch = 0 : i64, scratch_operands = 0 : i64, tpu.core_type = #tpu.core_type<tc>, window_params = [{transform_indices = @transform_0, window_bounds = array<i64: 512, 768>}, {pipeline_mode = #tpu.pipeline_mode<synchronous>, transform_indices = @transform_1, window_bounds = array<i64: 100, 768>}, {transform_indices = @transform_2, window_bounds = array<i64: 512, 768>}, {transform_indices = @transform_3, window_bounds = array<i64: 512>}, {transform_indices = @transform_4, window_bounds = array<i64: 512, 768>}]} {
    %get3A = arith.constant 0 : index
    %get3A_0 = arith.constant 0 : index
    %get3A_1 = vector.load %arg1[%get3A, %get3A_0] : memref<512x768xf32, #tpu.memory_space<vmem>>, vector<512x768xf32>
    %get3A_2 = arith.constant 0 : index
    %get3A_3 = arith.constant 0 : index
    %get3A_4 = vector.load %arg2[%get3A_2, %get3A_3] : memref<100x768xf32, #tpu.memory_space<vmem>>, vector<100x768xf32>
    %mul3A = arith.mulf %get3A_4, %get3A_4 : vector<100x768xf32>
    %reduce_sum3A = arith.constant dense<0.000000e+00> : vector<100xf32>
    %reduce_sum3A_5 = vector.multi_reduction <add>, %mul3A, %reduce_sum3A [1] : vector<100x768xf32> to vector<100xf32>
    %broadcast_in_dim3A = vector.shape_cast %reduce_sum3A_5 : vector<100xf32> to vector<100x1xf32>
    %sqrt3A = math.sqrt %broadcast_in_dim3A : vector<100x1xf32>
    %max3A = arith.constant 9.99999996E-13 : f32
    %max3A_6 = vector.broadcast %max3A : f32 to vector<100x1xf32>
    %max3A_7 = arith.maximumf %sqrt3A, %max3A_6 : vector<100x1xf32>
    %div3A = vector.broadcast %max3A_7 : vector<100x1xf32> to vector<100x768xf32>
    %div3A_8 = arith.divf %get3A_4, %div3A : vector<100x768xf32>
    %mul3A_9 = arith.mulf %get3A_1, %get3A_1 : vector<512x768xf32>
    %reduce_sum3A_10 = arith.constant dense<0.000000e+00> : vector<512xf32>
    %reduce_sum3A_11 = vector.multi_reduction <add>, %mul3A_9, %reduce_sum3A_10 [1] : vector<512x768xf32> to vector<512xf32>
    %broadcast_in_dim3A_12 = vector.shape_cast %reduce_sum3A_11 : vector<512xf32> to vector<512x1xf32>
    %sqrt3A_13 = math.sqrt %broadcast_in_dim3A_12 : vector<512x1xf32>
    %max3A_14 = arith.constant 9.99999996E-13 : f32
    %max3A_15 = vector.broadcast %max3A_14 : f32 to vector<512x1xf32>
    %max3A_16 = arith.maximumf %sqrt3A_13, %max3A_15 : vector<512x1xf32>
    %div3A_17 = vector.broadcast %max3A_16 : vector<512x1xf32> to vector<512x768xf32>
    %div3A_18 = arith.divf %get3A_1, %div3A_17 : vector<512x768xf32>
    %dot_general3A = arith.constant dense<0.000000e+00> : vector<512x100xf32>
    %dot_general3A_19 = tpu.matmul %div3A_18, %div3A_8, %dot_general3A {dimension_numbers = #tpu.dot_dimension_numbers<[1], [1], [0], [0], [0, 0, 1, 0], [], []>, transpose_lhs_hint = false} : vector<512x768xf32>, vector<100x768xf32>, vector<512x100xf32> -> vector<512x100xf32>
    %argmax3A = tpu.reduce_index %dot_general3A_19 {axis = 1 : i32, kind = #tpu.reduction_kind<arg_max>} : vector<512x100xf32> -> vector<512xi32>
    %swap3A = arith.constant 0 : index
    %swap3A_20 = vector.load %arg4[%swap3A] : memref<512xi32, #tpu.memory_space<vmem>>, vector<512xi32>
    tpu.vector_store %arg4[%swap3A], %argmax3A {strides = array<i32>} : memref<512xi32, #tpu.memory_space<vmem>>, vector<512xi32>,
    %get3A_21 = arith.constant 0 : index
    %get3A_22 = arith.constant 0 : index
    %get3A_23 = vector.load %arg3[%get3A_21, %get3A_22] : memref<512x768xf32, #tpu.memory_space<vmem>>, vector<512x768xf32>
    %swap3A_24 = arith.constant 0 : index
    %swap3A_25 = arith.constant 0 : index
    %swap3A_26 = vector.load %arg5[%swap3A_24, %swap3A_25] : memref<512x768xf32, #tpu.memory_space<vmem>>, vector<512x768xf32>
    tpu.vector_store %arg5[%swap3A_24, %swap3A_25], %get3A_23 {strides = array<i32>} : memref<512x768xf32, #tpu.memory_space<vmem>>, vector<512x768xf32>,
    return
  }
  func.func @transform_0(%arg0: i32) -> (i32, i32) {
    %c0_i32 = arith.constant 0 : i32
    %c0_i32_0 = arith.constant 0 : i32
    return %arg0, %c0_i32 : i32, i32
  }
  func.func @transform_1(%arg0: i32) -> (i32, i32) {
    %c0_i32 = arith.constant 0 : i32
    %c0_i32_0 = arith.constant 0 : i32
    %c0_i32_1 = arith.constant 0 : i32
    return %c0_i32, %c0_i32_0 : i32, i32
  }
  func.func @transform_2(%arg0: i32) -> (i32, i32) {
    %c0_i32 = arith.constant 0 : i32
    %c0_i32_0 = arith.constant 0 : i32
    return %arg0, %c0_i32 : i32, i32
  }
  func.func @transform_3(%arg0: i32) -> i32 {
    %c0_i32 = arith.constant 0 : i32
    return %arg0 : i32
  }
  func.func @transform_4(%arg0: i32) -> (i32, i32) {
    %c0_i32 = arith.constant 0 : i32
    %c0_i32_0 = arith.constant 0 : i32
    return %arg0, %c0_i32 : i32, i32
  }
}

</mosaic_0001>

<sc_bundles>
// kernel: kernel.4.cloned.1.call-start
scs
__scs_entry_jumppad:
0x0: {  	(pc) =	sbr.rel $0x88, $3  }
0x1: {  	(tag) =	ssettag $0x0;
	lr =	simm.s32 $0x1  }
0x2: {  	[smem:$0x3F9D] =	sst lr;
	_ =	strace $0xD0000000  }
0x3: {  	_ = 	snop  }
0x4: {  	_ = 	snop  }
0x5: {  	_ = 	snop  }
0x6: {  	_ = 	snop  }
0x7: {  	_ = 	snop  }
__scs_overlays_trampoline_lowered:
0x8: {  	[smem:$0x3FAC] =	sst s0  }
0x9: {  	[smem:$0x3FAD] =	sst s1  }
0xa: {  	[smem:$0x3FAE] =	sst s2  }
0xb: {  	[smem:$0x3FAF] =	sst s3  }
0xc: {  	[smem:$0x3FB0] =	sst s4  }
0xd: {  	[smem:$0x3FB1] =	sst s5  }
0xe: {  	[smem:$0x3FB2] =	sst s6  }
0xf: {  	[smem:$0x3FB3] =	sst s7  }
0x10: {  	[smem:$0x3FB4] =	sst s8  }
0x11: {  	[smem:$0x3FB5] =	sst s9;
	s0 =	simm.s32 @!p0 $0x0  }
0x12: {  	s1 =	sld [smem:$0x3F9B];
	s0 =	simm.s32 @p0 $0x1  }
0x13: {  	[smem:$0x3FB6] =	sst s0;
	s0 =	simm.s32 @!p1 $0x0  }
0x14: {  	s2 =	sld [smem:$0x3F9A];
	s0 =	simm.s32 @p1 $0x1  }
0x15: {  	[smem:$0x3FB7] =	sst s0;
	s0 =	simm.s32 @!p2 $0x0  }
0x16: {  	s3 =	sld [smem:$0x3FDB];
	s0 =	simm.s32 @p2 $0x1  }
0x17: {  	s4 =	simm.s32 $0x1BF5;
	[smem:$0x3FB9] =	sst s0  }
0x18: {  	s0 =	sld [smem:$0x3F9C];
	_ =	swait.ge [sflag:s4], $0x0  }
0x19: {  	s7 =	sld [smem:$0x3F9D]  }
0x1a: {  	s8 =	sadd.s32 $0xFFFFE003, lr  }
0x1b: {  	s9 =	sadd.s32 $0xFFFFFEF7, lr;
	s5 =	simm.s32 $0xFFFFFFFF;
	p2 =	slt.u32 s8, $0xFFFFF086  }
0x1c: {  	p1 =	slt.u32 s9, $0xF7A;
	s5 =	simm.s32 @!p2 $0x0  }
0x1d: {  	s5 =	simm.s32 @p1 $0x1;
	p0 =	seq.s32 s7, s2  }
0x1e: {  	s7 =	smul.u32 @!p0 $0xF7A, s2;
	p2 =	seq.s32 @!p0 s5, $0x0  }
0x1f: {  	s9 =	smul.u32 $0xF7A, s1;
	s8 =	simm.s32 @!p0 $0x1BF5;
	p2 =	por !p2, p0  }
0x20: {  	[sflag:s8] =	ssyncset.s32 @!p0 $0xFFFFF086;
	s6 =	sadd.s32 @!p0 s3, s7;
	s7 =	simm.s32 @!p0 $0x108  }
0x21: {  	s3 =	sadd.s32 s3, s9;
	s6 =	sadd.s32 @!p0 $0x88, s6;
	s7 =	simm.s32 @p2 $0x1082  }
0x22: {  	[simem:s7], [sflag:s8] =	dma.local @!p0 [hbm:s6], $0xF7A  }
0x23: {  	s9 =	sor.u32 $0xD0000000, s2;
	s6 =	simm.s32 $0x108;
	_ =	swait.ge @!p0 [sflag:s8], $0x0  }
0x24: {  	s3 =	sadd.s32 $0x88, s3;
	s6 =	simm.s32 @!p1 $0x1082;
	[sflag:s4] =	ssyncset.s32 $0xFFFFF086  }
0x25: {  	[simem:s6], [sflag:s4] =	dma.local [hbm:s3], $0xF7A  }
0x26: {  	[smem:$0x3F9D] =	sst s1;
	(tag) =	ssettag s2;
	_ =	strace s9  }
0x27: {  	s1 =	sld [smem:$0x3FAD]  }
0x28: {  	s2 =	sld [smem:$0x3FAE]  }
0x29: {  	s4 =	sld [smem:$0x3FB0]  }
0x2a: {  	p0 =	seq.s32 s5, $0x0;
	s5 =	sld [smem:$0x3FB1]  }
0x2b: {  	s6 =	sld [smem:$0x3FB2]  }
0x2c: {  	s7 =	sld [smem:$0x3FB3]  }
0x2d: {  	s3 =	simm.s32 $0x108;
	s8 =	sld [smem:$0x3FB4]  }
0x2e: {  	s3 =	simm.s32 @!p0 $0x1082;
	s9 =	sld [smem:$0x3FB5]  }
0x2f: {  	lr =	sadd.s32 s0, s3;
	s0 =	sld [smem:$0x3FAC]  }
0x30: {  	s3 =	sld [smem:$0x3FAF]  }
0x31: {  	[smem:$0x3FB8] =	sst s10  }
0x32: {  	s10 =	sld [smem:$0x3FB6];
	_ =	sdelay $0x3  }
0x33: {  	p0 =	seq.s32 s10, $0x1;
	s10 =	sld [smem:$0x3FB8];
	_ =	sdelay $0x3  }
0x34: {  	[smem:$0x3FB8] =	sst s10  }
0x35: {  	s10 =	sld [smem:$0x3FB7];
	_ =	sdelay $0x3  }
0x36: {  	p1 =	seq.s32 s10, $0x1;
	s10 =	sld [smem:$0x3FB8];
	_ =	sdelay $0x3  }
0x37: {  	[smem:$0x3FB8] =	sst s10  }
0x38: {  	s10 =	sld [smem:$0x3FB9]  }
0x39: {  	_ = 	snop;
	(pc) =	sbr.ind lr, $3  }
0x3a: {  	_ = 	snop  }
0x3b: {  	_ = 	snop  }
0x3c: {  	p2 =	seq.s32 s10, $0x1;
	s10 =	sld [smem:$0x3FB8]  }
0x3d: {  	_ =	shalt  }
0x3e: {  	_ =	shalt  }
0x3f: {  	_ =	shalt  }
0x40: {  	_ =	shalt  }
0x41: {  	_ =	shalt  }
0x42: {  	_ =	shalt  }
0x43: {  	_ =	shalt  }
0x44: {  	_ =	shalt  }
0x45: {  	_ =	shalt  }
0x46: {  	_ =	shalt  }
0x47: {  	_ =	shalt  }
0x48: {  	_ =	shalt  }
0x49: {  	_ =	shalt  }
0x4a: {  	_ =	shalt  }
0x4b: {  	_ =	shalt  }
0x4c: {  	_ =	shalt  }
0x4d: {  	_ =	shalt  }
0x4e: {  	_ =	shalt  }
0x4f: {  	_ =	shalt  }
0x50: {  	_ =	shalt  }
0x51: {  	_ =	shalt  }
0x52: {  	_ =	shalt  }
0x53: {  	_ =	shalt  }
0x54: {  	_ =	shalt  }
0x55: {  	_ =	shalt  }
0x56: {  	_ =	shalt  }
0x57: {  	_ =	shalt  }
0x58: {  	_ =	shalt  }
0x59: {  	_ =	shalt  }
0x5a: {  	_ =	shalt  }
0x5b: {  	_ =	shalt  }
0x5c: {  	_ =	shalt  }
0x5d: {  	_ =	shalt  }
0x5e: {  	_ =	shalt  }
0x5f: {  	_ =	shalt  }
0x60: {  	_ =	shalt  }
0x61: {  	_ =	shalt  }
0x62: {  	_ =	shalt  }
0x63: {  	_ =	shalt  }
0x64: {  	_ =	shalt  }
0x65: {  	_ =	shalt  }
0x66: {  	_ =	shalt  }
0x67: {  	_ =	shalt  }
0x68: {  	_ =	shalt  }
0x69: {  	_ =	shalt  }
0x6a: {  	_ =	shalt  }
0x6b: {  	_ =	shalt  }
0x6c: {  	_ =	shalt  }
0x6d: {  	_ =	shalt  }
0x6e: {  	_ =	shalt  }
0x6f: {  	_ =	shalt  }
0x70: {  	_ =	shalt  }
0x71: {  	_ =	shalt  }
0x72: {  	_ =	shalt  }
0x73: {  	_ =	shalt  }
0x74: {  	_ =	shalt  }
0x75: {  	_ =	shalt  }
0x76: {  	_ =	shalt  }
0x77: {  	_ =	shalt  }
0x78: {  	_ =	shalt  }
0x79: {  	_ =	shalt  }
0x7a: {  	_ =	shalt  }
0x7b: {  	_ =	shalt  }
0x7c: {  	_ =	shalt  }
0x7d: {  	_ =	shalt  }
0x7e: {  	_ =	shalt  }
0x7f: {  	_ =	shalt  }
0x80: {  	_ =	shalt  }
0x81: {  	_ =	shalt  }
0x82: {  	_ =	shalt  }
0x83: {  	_ =	shalt  }
0x84: {  	_ =	shalt  }
0x85: {  	_ =	shalt  }
0x86: {  	_ =	shalt  }
0x87: {  	_ =	shalt  }
.Lfunc_end0:
.L_simem_size_0:
called_computation_lowered:
.L_overlay_start_0:
0x88: {  	s2 =	sld [smem:$0x3FD9]  }
0x89: {  	s3 =	sld [smem:$0x3FFE];
	_ =	sdelay $0x1  }
0x8a: {  	s1 =	srdreg.scid  }
0x8b: {  	s0 =	sand.u32 $0x1, s1  }
0x8c: {  	s14 =	sshll.u32 s0, $0xA;
	s2 =	sadd.s32 s3, s2  }
0x8d: {  	s2 =	sadd.s32 s2, s14  }
0x8e: {  	[smem:$0x3FC4] =	sst s2  }
0x8f: {  	_ = 	snop  }
0x90: {  	s2 =	sld [smem:$0x3FD0];
	_ =	sdelay $0x2  }
0x91: {  	s4 =	simm.s32 $0xA;
	s5 =	simm.s32 $0x10;
	s15 =	sld [smem:$0x3FC7]  }
0x92: {  	[smem:s5], [sflag:s4] =	dma.local [hbm:s2], $0x1  }
0x93: {  	_ =	swait.eq [sflag:s4], $0x1  }
0x94: {  	[sflag:s4] =	ssyncset.done $0x0  }
0x95: {  	s16 =	sld [smem:$0x10];
	[sflag:s4] =	ssyncadd.s32 $0xFFFFFFFF  }
0x96: {  	s17 =	sld [smem:$0x11];
	(tm) =	ssettm $0x1  }
0x97: {  	s18 =	sld [smem:$0x3FFB];
	_ =	sdelay $0x3  }
0x98: {  	_ =	strace s18  }
0x99: {  	s5 =	sld [smem:$0x3FFC];
	_ =	sdelay $0x3  }
0x9a: {  	_ =	strace s5  }
0x9b: {  	s5 =	sld [smem:$0x3FFD];
	_ =	sdelay $0x3  }
0x9c: {  	_ =	strace s5  }
0x9d: {  	_ =	strace $0x8FFFFFFF  }
0x9e: {  	s19 =	sld [smem:$0x3FDB];
	_ =	sdelay $0x1  }
0x9f: {  	s6 =	simm.s32 $_scs_section_size  }
0xa0: {  	s7 =	simm.s32 $_size__tile_overlayer_lowered;
	s8 =	simm.s32 $_tile_overlayer_lowered  }
0xa1: {  	s22 =	simm.s32 $0x1BFF;
	s21 =	sshll.u32 s8, $0x1;
	s5 =	sadd.s32 s6, s19  }
0xa2: {  	s9 =	simm.s32 $0x0;
	s20 =	sshll.u32 s7, $0x1;
	s7 =	sadd.s32 s21, s5  }
0xa3: {  	[timem:s9], [sflag:s22] =	dma.local [hbm:s7], s20  }
0xa4: {  	_ =	swait.ge [sflag:s22], s20  }
0xa5: {  	s6 =	ssub.s32 $0x0, s20;
	[sflag:s22] =	ssyncset.done $0x0  }
0xa6: {  	[sflag:s22] =	ssyncadd.s32 s6;
	_ =	sdelay $0x1  }
0xa7: {  	s23 =	simm.s32 $0x1B8B  }
0xa8: {  	_ =	swait.ge [sflag:s23], $0x1  }
0xa9: {  	[sflag:s23] =	ssyncset.done $0x0  }
0xaa: {  	s25 =	simm.s32 $0x1B8E;
	s24 =	sld [smem:$0x3FFE];
	[sflag:s23] =	ssyncadd.s32 $0xFFFFFFFF  }
0xab: {  	s26 =	simm.s32 $execute0_lowered;
	[smem:$0x3FD2] =	sst s25  }
0xac: {  	s7 =	sshll.u32 s26, $0x1;
	_ =	strace $0x80000046;
	[dreg:$0x1] =	wrdreg $0xFFFFFFFF  }
0xad: {  	s28 =	simm.s32 $_size_execute0_lowered;
	s5 =	sadd.s32 s5, s7;
	[dreg:$0x0] =	wrdreg $0x0  }
0xae: {  	s7 =	sshll.u32 s28, $0x1;
	[dreg:$0x2] =	wrdreg s5  }
0xaf: {  	[dreg:$0x3] =	wrdreg s7  }
0xb0: {  	[dreg:$0x4] =	wrdreg $0xC0  }
0xb1: {  	_ =	task [dreg:s9], $0x5FFFF  }
0xb2: {  	[dreg:$0x1] =	wrdreg $0xFFFFFFFF  }
0xb3: {  	[dreg:$0x0] =	wrdreg $0x60  }
0xb4: {  	[dreg:$0x2] =	wrdreg s15  }
0xb5: {  	[dreg:$0x3] =	wrdreg s24  }
0xb6: {  	[dreg:$0x4] =	wrdreg s16  }
0xb7: {  	[dreg:$0x5] =	wrdreg s17  }
0xb8: {  	[dreg:$0x6] =	wrdreg $0x9  }
0xb9: {  	_ =	task.clear_ibuf [dreg:s9], $0x7FFFF;
	_ =	strace $0x90000046  }
0xba: {  	s29 =	simm.s32 $0x9;
	_ =	strace $0x80000048  }
0xbb: {  	_ =	swait.ge [sflag:s29], $0x1  }
0xbc: {  	[sflag:s29] =	ssyncadd.s32 $0xFFFFFFFF  }
0xbd: {  	_ =	strace $0x90000048  }
0xbe: {  	_ =	sfence  }
0xbf: {  	s30 =	sld [smem:$0x0];
	_ =	sdelay $0x2  }
0xc0: {  	s31 =	sshll.u32 s1, $0xD;
	s1 =	sshrl.u32 s1, $0x2  }
0xc1: {  	s3 =	sand.u32 $0x4000, s31;
	s1 =	sadd.s32 s1, s30  }
0xc2: {  	s0 =	sor.u32 s3, s0;
	s1 =	sshll.u32 s1, $0x11  }
0xc3: {  	s0 =	sor.u32 s1, s0  }
0xc4: {  	s0 =	sadd.s32 $0x8F2B, s0  }
0xc5: {  	[sflag:s0] =	ssyncadd.remote.s32 $0x1  }
0xc6: {  	_ =	sfence.sel $0xFFFF  }
0xc7: {  	[dreg:$0x0] =	wrdreg $0xFFFFFFFF;
	(pc) =	sbr.abs _section_cstart, $3  }
0xc8: {  	[dreg:$0x1] =	wrdreg $0xFFFFFFFF  }
0xc9: {  	_ =	task.clear_ibuf [dreg:s9], $0x2FFFF;
	_ =	strace $0x9FFFFFFF  }
0xca: {  	(tm) =	ssettm $0x7FFFFFFF  }
0xcb: {  	_ =	shalt  }
tec
execute0_lowered:
.L_overlay_start_1:
0x0: {  	(tag) =	ssettag $0x1  }
0x1: {  	s2 =	srdreg.scid  }
0x2: {  	s1 =	rddreg [dreg:$0x0];
	s0 =	stileid.u32;
	s5 =	sand.u32 $0x1, s2  }
0x3: {  	s6 =	rddreg [dreg:$0x1];
	s3 =	sshll.u32 s0, $0x8;
	s7 =	sshll.u32 s5, $0x7  }
0x4: {  	s4 =	rddreg [dreg:$0x2];
	s7 =	sor.u32 s7, s3  }
0x5: {  	s2 =	rddreg [dreg:$0x3];
	s8 =	sshrl.u32 s7, $0x3  }
0x6: {  	s3 =	simm.s32 $0x0;
	s21 =	smul.u32 $0x180, s7;
	s6 =	sadd.s32 s8, s6  }
0x7: {  	[smem:$0x7FF] =	sst s3;
	s6 =	sadd.s32 $0x1000, s6  }
0x8: {  	_ =	strace $0x80000047;
	s22 =	sadd.s32 s4, s21;
	[dreg:$0x5] =	wrdreg s6  }
0x9: {  	s23 =	sadd.s32 s2, s21;
	s9 =	sor.u32 $0xC00, s21;
	[dreg:$0x6] =	wrdreg s22  }
0xa: {  	[dreg:$0x7] =	wrdreg s23;
	s24 =	sadd.s32 s4, s9  }
0xb: {  	s26 =	sor.u32 $0x1800, s21;
	s25 =	sadd.s32 s2, s9;
	[dreg:$0x8] =	wrdreg s24  }
0xc: {  	s0 =	sadd.s32 s4, s26;
	[dreg:$0x9] =	wrdreg s25  }
0xd: {  	s10 =	sor.u32 $0x2400, s21;
	s9 =	sadd.s32 s2, s26;
	[dreg:$0xa] =	wrdreg s0  }
0xe: {  	s11 =	sadd.s32 s4, s10;
	[dreg:$0xb] =	wrdreg s9  }
0xf: {  	s13 =	sor.u32 $0x3000, s21;
	s12 =	sadd.s32 s2, s10;
	[dreg:$0xc] =	wrdreg s11  }
0x10: {  	s7 =	smul.u32 $0xC00, s7;
	s14 =	sadd.s32 s4, s13;
	[dreg:$0xd] =	wrdreg s12  }
0x11: {  	s8 =	sor.u32 $0x3C00, s21;
	s15 =	sadd.s32 s2, s13;
	[dreg:$0xe] =	wrdreg s14  }
0x12: {  	s16 =	sadd.s32 s4, s8;
	s6 =	sshrl.u32 s7, $0x3;
	[dreg:$0xf] =	wrdreg s15  }
0x13: {  	s17 =	sadd.s32 s2, s8;
	[dreg:$0x10] =	wrdreg s16;
	s18 =	sadd.s32 $0x4800, s6  }
0x14: {  	s28 =	simm.s32 $0x8;
	[dreg:$0x11] =	wrdreg s17;
	s19 =	sadd.s32 s4, s18  }
0x15: {  	vm0 =	vcmask $0x300;
	v0 =	vimm.s32 $0xC00;
	s21 =	sadd.s32 $0x5400, s6;
	s20 =	sadd.s32 s2, s18;
	[dreg:$0x12] =	wrdreg s19  }
0x16: {  	vm12 =	vcmask $0x704;
	s29 =	simm.s32 $0x4;
	v0 =	vsel vm0, $0x0, v0;
	s22 =	sadd.s32 s4, s21;
	[dreg:$0x13] =	wrdreg s20  }
0x17: {  	vm11 =	vcmask $0xB08;
	v0 =	vsel vm12, $0x400, v0;
	s24 =	sadd.s32 $0x6000, s6;
	s23 =	sadd.s32 s2, s21;
	[dreg:$0x14] =	wrdreg s22  }
0x18: {  	vm10 =	vcmask $0x1310;
	s30 =	simm.s32 $0x9;
	v0 =	vsel vm11, $0x800, v0;
	s25 =	sadd.s32 s4, s24;
	[dreg:$0x15] =	wrdreg s23  }
0x19: {  	vm7 =	vcmask $0x1714;
	vm8 =	vcmask $0x1B18;
	v0 =	vsel vm10, $0x1000, v0;
	s0 =	sadd.s32 $0x6C00, s6;
	s26 =	sadd.s32 s2, s24;
	[dreg:$0x16] =	wrdreg s25  }
0x1a: {  	vm9 =	vcmask $0x1F1C;
	vm4 =	vcmask $0x2320;
	s31 =	simm.s32 $0x5;
	v0 =	vsel vm7, $0x1400, v0;
	s9 =	sadd.s32 s4, s0;
	[dreg:$0x17] =	wrdreg s26  }
0x1b: {  	v1 =	vimm.s32 $0x2;
	vm5 =	vcmask $0x2B28;
	v0 =	vsel vm8, $0x0, v0;
	s11 =	sadd.s32 $0x7800, s6;
	s10 =	sadd.s32 s2, s0;
	[dreg:$0x18] =	wrdreg s9  }
0x1c: {  	vm1 =	vcmask $0x1700;
	vm2 =	vcmask $0x2F2C;
	s5 =	ssub.s32 $0x2, s5;
	v0 =	vsel vm9, $0x400, v0;
	s12 =	sadd.s32 s4, s11;
	[dreg:$0x19] =	wrdreg s10  }
0x1d: {  	vm3 =	vcmask $0x3330;
	v3 =	vimm.s32 $0x1400;
	s14 =	sadd.s32 $0x8400, s6;
	v0 =	vsel vm4, $0x800, v0;
	s13 =	sadd.s32 s2, s11;
	[dreg:$0x1a] =	wrdreg s12  }
0x1e: {  	vm6 =	vcmask $0x2F18;
	v3 =	vsel vm0, $0x800, v3;
	s7 =	simm.s32 $0x80;
	s15 =	sadd.s32 s4, s14;
	v0 =	vsel vm5, $0x1000, v0;
	[dreg:$0x1b] =	wrdreg s13  }
0x1f: {  	v1 =	vsel vm1, $0x0, v1;
	v3 =	vsel vm12, $0xC00, v3;
	s17 =	sadd.s32 $0x9000, s6;
	s16 =	sadd.s32 s2, s14;
	[dreg:$0x1c] =	wrdreg s15;
	v0 =	vsel vm2, $0x1400, v0  }
0x20: {  	vm1 =	vcmask $0x3734;
	v3 =	vsel vm11, $0x1000, v3;
	s8 =	simm.s32 $0x2080;
	s18 =	sadd.s32 s4, s17;
	[dreg:$0x1d] =	wrdreg s16;
	v2 =	vsel vm3, $0x0, v0  }
0x21: {  	s11 =	simm.s32 $0x8080;
	s14 =	simm.s32 $0xE080;
	[dreg:$0x1e] =	wrdreg s18;
	v0 =	vsel vm6, $0x1, v1;
	v1 =	vsel vm1, $0x400, v2;
	v2 =	vimm.s32 $0x400  }
0x22: {  	v3 =	vsel vm10, $0x0, v3;
	s19 =	sadd.s32 s2, s17;
	s20 =	sadd.s32 $0x9C00, s6;
	s23 =	sadd.s32 $0xA800, s6;
	v2 =	vsel vm0, $0x1000, v2  }
0x23: {  	v4 =	vimm.s32 $0x3030202;
	v3 =	vsel vm7, $0x400, v3;
	s6 =	sadd.s32 $0xB400, s6;
	s26 =	sshrl.u32 s5, $0x1;
	s9 =	simm.s32 $0x4080;
	v2 =	vsel vm12, $0x1400, v2  }
0x24: {  	vm13 =	vcmask $0xF00;
	v3 =	vsel vm8, $0x800, v3;
	s10 =	simm.s32 $0x6080;
	s12 =	simm.s32 $0xA080;
	s13 =	simm.s32 $0xC080;
	v2 =	vsel vm11, $0x0, v2  }
0x25: {  	vm14 =	vcmask $0x1F10;
	v3 =	vsel vm9, $0xC00, v3;
	s15 =	simm.s32 $0x10080;
	s16 =	simm.s32 $0x12080;
	s17 =	simm.s32 $0x14080;
	v2 =	vsel vm10, $0x800, v2  }
0x26: {  	v4 =	vunpack.c.0.s8.s32 v4;
	v3 =	vsel vm4, $0x1000, v3;
	s18 =	simm.s32 $0x16080;
	[dreg:$0x1f] =	wrdreg s19;
	s21 =	sadd.s32 s4, s20;
	v2 =	vsel vm7, $0xC00, v2  }
0x27: {  	vm15 =	vcmask $0x3720;
	v3 =	vsel vm5, $0x0, v3;
	s22 =	sadd.s32 s2, s20;
	s24 =	sadd.s32 s4, s23;
	[smem:$0x7F8] =	sst s21;
	v2 =	vsel vm8, $0x1000, v2  }
0x28: {  	v4 =	vnsel vm13, $0x5, v4;
	v3 =	vsel vm2, $0x400, v3;
	s25 =	sadd.s32 s2, s23;
	s4 =	sadd.s32 s4, s6;
	[smem:$0x7F9] =	sst s22;
	v2 =	vsel vm9, $0x1400, v2  }
0x29: {  	v4 =	vsel vm14, $0x3, v4;
	s2 =	sadd.s32 s2, s6;
	s5 =	ssub.s32 s5, s26;
	v3 =	vsel vm3, $0x800, v3;
	[smem:$0x7FA] =	sst s24;
	v2 =	vsel vm4, $0x0, v2  }
0x2a: {  	vm6 =	vcmask $0x3B38;
	s6 =	simm.s32 $0xB;
	s19 =	simm.s32 $0x18080;
	[smem:$0x7FB] =	sst s25;
	v6 =	vsel vm1, $0xC00, v3;
	v2 =	vsel vm5, $0x800, v2  }
0x2b: {  	s20 =	simm.s32 $0x1A080;
	s23 =	simm.s32 $0x6;
	[smem:$0x7FC] =	sst s4;
	v1 =	vsel vm6, $0x800, v1;
	vm0 =	vmmov $0xffff;
	v5 =	vsel vm2, $0xC00, v2  }
0x2c: {  	s26 =	simm.s32 $0x3;
	s4 =	sadd.s32 $0x40, s1;
	[smem:$0x7FD] =	sst s2;
	v2 =	vsel vm15, $0x4, v4;
	v4 =	vsel vm3, $0x1000, v5;
	v5 =	vimm.s32 $0x7  }
0x2d: {  	s5 =	smax.u32 s5, $0x1;
	s21 =	simm.s32 $0x1C080;
	s22 =	simm.s32 $0x1;
	vm2 =	vcmask $0x2710;
	v4 =	vsel vm1, $0x1400, v4;
	v5 =	vsel vm13, $0x5, v5  }
0x2e: {  	s24 =	simm.s32 $0x2;
	s25 =	simm.s32 $0x7;
	s2 =	simm.s32 $0xA;
	v3 =	vsel vm6, $0x0, v4;
	v4 =	vsel vm2, $0x6, v5;
	v5 =	vsel vm6, $0x1000, v6  }
.LBB2_1:
0x2f: {  	s0 =	rddreg [dreg:$0x5]  }
0x30: {  	[tilespmem:s3], [sflag:$0xB] =	stream.linear.gather [hbm4b:s0+s3], $0x80, $0x38;
	[tilespmem:$0x1E080] =	vst v63  }
0x31: {  	_ =	swait.ge [sflag:s6], $0x80  }
0x32: {  	[sflag:s6] =	ssyncset.done $0x0  }
0x33: {  	[sflag:s6] =	ssyncadd.s32 $0xFFFFFF80  }
0x34: {  	v6 =	vld.msk [tilespmem:$0x0], $0xff;
	_ =	sdelay $0x4  }
0x35: {  	v6 =	vmul.u32 $0x1800, v6;
	_ =	sdelay $0x1  }
0x36: {  	v7 =	vperm.xlane v6, v0;
	_ =	sdelay $0x1  }
0x37: {  	v8 =	vperm.xlane v6, v2;
	v7 =	vadd.s32 v1, v7;
	_ =	sdelay $0x1  }
0x38: {  	v6 =	vperm.xlane v6, v4;
	v8 =	vadd.s32 v3, v8;
	_ =	sdelay $0x1  }
0x39: {  	v6 =	vadd.s32 v5, v6  }
0x3a: {  	[tilespmem:s7], [sflag:$0x1] =	stream.indirect_vreg.gather [hbm4b:s1+s3], $0x200, v7, vm0, $0x38;
	[tilespmem:$0x1E080] =	vst v63  }
0x3b: {  	_ = 	snop  }
0x3c: {  	[tilespmem:s8], [sflag:$0x1] =	stream.indirect_vreg.gather [hbm4b:s1+s3], $0x200, v8, vm0, $0x38;
	[tilespmem:$0x1E080] =	vst v63  }
0x3d: {  	_ = 	snop  }
0x3e: {  	[tilespmem:s9], [sflag:$0x1] =	stream.indirect_vreg.gather [hbm4b:s1+s3], $0x200, v6, vm0, $0x38;
	[tilespmem:$0x1E080] =	vst v63  }
0x3f: {  	v6 =	vld.msk [tilespmem:$0x0], $0xff;
	_ =	sdelay $0x4  }
0x40: {  	v6 =	vmul.u32 $0x1800, v6;
	_ =	sdelay $0x1  }
0x41: {  	v7 =	vperm.xlane v6, v0;
	_ =	sdelay $0x1  }
0x42: {  	v33 =	vperm.xlane v6, v2;
	v7 =	vadd.s32 v1, v7;
	_ =	sdelay $0x1  }
0x43: {  	v6 =	vperm.xlane v6, v4;
	v8 =	vadd.s32 v3, v33;
	_ =	sdelay $0x1  }
0x44: {  	v6 =	vadd.s32 v5, v6  }
0x45: {  	[tilespmem:s10], [sflag:$0x2] =	stream.indirect_vreg.gather [hbm4b:s4+s3], $0x200, v7, vm0, $0x38;
	[tilespmem:$0x1E080] =	vst v63  }
0x46: {  	_ = 	snop  }
0x47: {  	[tilespmem:s11], [sflag:$0x2] =	stream.indirect_vreg.gather [hbm4b:s4+s3], $0x200, v8, vm0, $0x38;
	[tilespmem:$0x1E080] =	vst v63  }
0x48: {  	_ = 	snop  }
0x49: {  	[tilespmem:s12], [sflag:$0x2] =	stream.indirect_vreg.gather [hbm4b:s4+s3], $0x200, v6, vm0, $0x38;
	[tilespmem:$0x1E080] =	vst v63  }
0x4a: {  	v6 =	vld.msk [tilespmem:$0x8], $0xff;
	_ =	sdelay $0x4  }
0x4b: {  	v6 =	vmul.u32 $0x1800, v6;
	_ =	sdelay $0x1  }
0x4c: {  	v7 =	vperm.xlane v6, v0;
	_ =	sdelay $0x1  }
0x4d: {  	v34 =	vperm.xlane v6, v2;
	v7 =	vadd.s32 v1, v7;
	_ =	sdelay $0x1  }
0x4e: {  	v6 =	vperm.xlane v6, v4;
	v8 =	vadd.s32 v3, v34;
	_ =	sdelay $0x1  }
0x4f: {  	v6 =	vadd.s32 v5, v6  }
0x50: {  	[tilespmem:s13], [sflag:$0x3] =	stream.indirect_vreg.gather [hbm4b:s1+s3], $0x200, v7, vm0, $0x38;
	[tilespmem:$0x1E080] =	vst v63  }
0x51: {  	_ = 	snop  }
0x52: {  	[tilespmem:s14], [sflag:$0x3] =	stream.indirect_vreg.gather [hbm4b:s1+s3], $0x200, v8, vm0, $0x38;
	[tilespmem:$0x1E080] =	vst v63  }
0x53: {  	_ = 	snop  }
0x54: {  	[tilespmem:s15], [sflag:$0x3] =	stream.indirect_vreg.gather [hbm4b:s1+s3], $0x200, v6, vm0, $0x38;
	[tilespmem:$0x1E080] =	vst v63  }
0x55: {  	v6 =	vld.msk [tilespmem:$0x8], $0xff;
	_ =	sdelay $0x4  }
0x56: {  	v6 =	vmul.u32 $0x1800, v6;
	_ =	sdelay $0x1  }
0x57: {  	v7 =	vperm.xlane v6, v0;
	_ =	sdelay $0x1  }
0x58: {  	v35 =	vperm.xlane v6, v2;
	v7 =	vadd.s32 v1, v7;
	_ =	sdelay $0x1  }
0x59: {  	v6 =	vperm.xlane v6, v4;
	v8 =	vadd.s32 v3, v35;
	_ =	sdelay $0x1  }
0x5a: {  	v6 =	vadd.s32 v5, v6  }
0x5b: {  	[tilespmem:s16], [sflag:$0x4] =	stream.indirect_vreg.gather [hbm4b:s4+s3], $0x200, v7, vm0, $0x38;
	[tilespmem:$0x1E080] =	vst v63  }
0x5c: {  	_ = 	snop  }
0x5d: {  	[tilespmem:s17], [sflag:$0x4] =	stream.indirect_vreg.gather [hbm4b:s4+s3], $0x200, v8, vm0, $0x38;
	[tilespmem:$0x1E080] =	vst v63  }
0x5e: {  	_ = 	snop  }
0x5f: {  	[tilespmem:s18], [sflag:$0x4] =	stream.indirect_vreg.gather [hbm4b:s4+s3], $0x200, v6, vm0, $0x38;
	[tilespmem:$0x1E080] =	vst v63  }
0x60: {  	v6 =	vld.msk [tilespmem:$0x10], $0xff;
	_ =	sdelay $0x4  }
0x61: {  	v6 =	vmul.u32 $0x1800, v6;
	_ =	sdelay $0x1  }
0x62: {  	v7 =	vperm.xlane v6, v0;
	_ =	sdelay $0x1  }
0x63: {  	v36 =	vperm.xlane v6, v2;
	v7 =	vadd.s32 v1, v7;
	_ =	sdelay $0x1  }
0x64: {  	v6 =	vperm.xlane v6, v4;
	v8 =	vadd.s32 v3, v36;
	_ =	sdelay $0x1  }
0x65: {  	v6 =	vadd.s32 v5, v6  }
0x66: {  	[tilespmem:s19], [sflag:$0x5] =	stream.indirect_vreg.gather [hbm4b:s1+s3], $0x200, v7, vm0, $0x38;
	[tilespmem:$0x1E080] =	vst v63  }
0x67: {  	_ = 	snop  }
0x68: {  	[tilespmem:s20], [sflag:$0x5] =	stream.indirect_vreg.gather [hbm4b:s1+s3], $0x200, v8, vm0, $0x38;
	[tilespmem:$0x1E080] =	vst v63  }
0x69: {  	_ = 	snop  }
0x6a: {  	[tilespmem:s21], [sflag:$0x5] =	stream.indirect_vreg.gather [hbm4b:s1+s3], $0x200, v6, vm0, $0x38;
	[tilespmem:$0x1E080] =	vst v63  }
0x6b: {  	_ =	swait.ge [sflag:s22], $0x6000  }
0x6c: {  	[sflag:s22] =	ssyncset.done $0x0  }
0x6d: {  	s0 =	rddreg [dreg:$0x6];
	[sflag:s22] =	ssyncadd.s32 $0xFFFFA000  }
0x6e: {  	[hbm4b:s0+s3] =	stream.linear.scatter [tilespmem:s7], [sflag:$0x6], $0x6000, $0x38;
	[tilespmem:$0x1E080] =	vst v63  }
0x6f: {  	_ =	swait.ge [sflag:s23], $0x6000  }
0x70: {  	[sflag:s23] =	ssyncset.done $0x0  }
0x71: {  	[sflag:s23] =	ssyncadd.s32 $0xFFFFA000  }
0x72: {  	v6 =	vld.msk [tilespmem:$0x10], $0xff;
	_ =	sdelay $0x4  }
0x73: {  	v6 =	vmul.u32 $0x1800, v6;
	_ =	sdelay $0x1  }
0x74: {  	v7 =	vperm.xlane v6, v0;
	_ =	sdelay $0x1  }
0x75: {  	v37 =	vperm.xlane v6, v2;
	v7 =	vadd.s32 v1, v7;
	_ =	sdelay $0x1  }
0x76: {  	v6 =	vperm.xlane v6, v4;
	v8 =	vadd.s32 v3, v37;
	_ =	sdelay $0x1  }
0x77: {  	v6 =	vadd.s32 v5, v6  }
0x78: {  	[tilespmem:s7], [sflag:$0x1] =	stream.indirect_vreg.gather [hbm4b:s4+s3], $0x200, v7, vm0, $0x38;
	[tilespmem:$0x1E080] =	vst v63  }
0x79: {  	_ = 	snop  }
0x7a: {  	[tilespmem:s8], [sflag:$0x1] =	stream.indirect_vreg.gather [hbm4b:s4+s3], $0x200, v8, vm0, $0x38;
	[tilespmem:$0x1E080] =	vst v63  }
0x7b: {  	_ = 	snop  }
0x7c: {  	[tilespmem:s9], [sflag:$0x1] =	stream.indirect_vreg.gather [hbm4b:s4+s3], $0x200, v6, vm0, $0x38;
	[tilespmem:$0x1E080] =	vst v63  }
0x7d: {  	_ =	swait.ge [sflag:s24], $0x6000  }
0x7e: {  	[sflag:s24] =	ssyncset.done $0x0  }
0x7f: {  	s0 =	rddreg [dreg:$0x7];
	[sflag:s24] =	ssyncadd.s32 $0xFFFFA000  }
0x80: {  	[hbm4b:s0+s3] =	stream.linear.scatter [tilespmem:s10], [sflag:$0x7], $0x6000, $0x38;
	[tilespmem:$0x1E080] =	vst v63  }
0x81: {  	_ =	swait.ge [sflag:s25], $0x6000  }
0x82: {  	[sflag:s25] =	ssyncset.done $0x0  }
0x83: {  	[sflag:s25] =	ssyncadd.s32 $0xFFFFA000  }
0x84: {  	v6 =	vld.msk [tilespmem:$0x18], $0xff;
	_ =	sdelay $0x4  }
0x85: {  	v6 =	vmul.u32 $0x1800, v6;
	_ =	sdelay $0x1  }
0x86: {  	v7 =	vperm.xlane v6, v0;
	_ =	sdelay $0x1  }
0x87: {  	v38 =	vperm.xlane v6, v2;
	v7 =	vadd.s32 v1, v7;
	_ =	sdelay $0x1  }
0x88: {  	v6 =	vperm.xlane v6, v4;
	v8 =	vadd.s32 v3, v38;
	_ =	sdelay $0x1  }
0x89: {  	v6 =	vadd.s32 v5, v6  }
0x8a: {  	[tilespmem:s10], [sflag:$0x2] =	stream.indirect_vreg.gather [hbm4b:s1+s3], $0x200, v7, vm0, $0x38;
	[tilespmem:$0x1E080] =	vst v63  }
0x8b: {  	_ = 	snop  }
0x8c: {  	[tilespmem:s11], [sflag:$0x2] =	stream.indirect_vreg.gather [hbm4b:s1+s3], $0x200, v8, vm0, $0x38;
	[tilespmem:$0x1E080] =	vst v63  }
0x8d: {  	_ = 	snop  }
0x8e: {  	[tilespmem:s12], [sflag:$0x2] =	stream.indirect_vreg.gather [hbm4b:s1+s3], $0x200, v6, vm0, $0x38;
	[tilespmem:$0x1E080] =	vst v63  }
0x8f: {  	_ =	swait.ge [sflag:s26], $0x6000  }
0x90: {  	[sflag:s26] =	ssyncset.done $0x0  }
0x91: {  	s0 =	rddreg [dreg:$0x8];
	[sflag:s26] =	ssyncadd.s32 $0xFFFFA000  }
0x92: {  	[hbm4b:s0+s3] =	stream.linear.scatter [tilespmem:s13], [sflag:$0x8], $0x6000, $0x38;
	[tilespmem:$0x1E080] =	vst v63  }
0x93: {  	_ =	swait.ge [sflag:s28], $0x6000  }
0x94: {  	[sflag:s28] =	ssyncset.done $0x0  }
0x95: {  	[sflag:s28] =	ssyncadd.s32 $0xFFFFA000  }
0x96: {  	v6 =	vld.msk [tilespmem:$0x18], $0xff;
	_ =	sdelay $0x4  }
0x97: {  	v6 =	vmul.u32 $0x1800, v6;
	_ =	sdelay $0x1  }
0x98: {  	v7 =	vperm.xlane v6, v0;
	_ =	sdelay $0x1  }
0x99: {  	v39 =	vperm.xlane v6, v2;
	v7 =	vadd.s32 v1, v7;
	_ =	sdelay $0x1  }
0x9a: {  	v6 =	vperm.xlane v6, v4;
	v8 =	vadd.s32 v3, v39;
	_ =	sdelay $0x1  }
0x9b: {  	v6 =	vadd.s32 v5, v6  }
0x9c: {  	[tilespmem:s13], [sflag:$0x3] =	stream.indirect_vreg.gather [hbm4b:s4+s3], $0x200, v7, vm0, $0x38;
	[tilespmem:$0x1E080] =	vst v63  }
0x9d: {  	_ = 	snop  }
0x9e: {  	[tilespmem:s14], [sflag:$0x3] =	stream.indirect_vreg.gather [hbm4b:s4+s3], $0x200, v8, vm0, $0x38;
	[tilespmem:$0x1E080] =	vst v63  }
0x9f: {  	_ = 	snop  }
0xa0: {  	[tilespmem:s15], [sflag:$0x3] =	stream.indirect_vreg.gather [hbm4b:s4+s3], $0x200, v6, vm0, $0x38;
	[tilespmem:$0x1E080] =	vst v63  }
0xa1: {  	_ =	swait.ge [sflag:s29], $0x6000  }
0xa2: {  	[sflag:s29] =	ssyncset.done $0x0  }
0xa3: {  	s0 =	rddreg [dreg:$0x9];
	[sflag:s29] =	ssyncadd.s32 $0xFFFFA000  }
0xa4: {  	[hbm4b:s0+s3] =	stream.linear.scatter [tilespmem:s16], [sflag:$0x9], $0x6000, $0x38;
	[tilespmem:$0x1E080] =	vst v63  }
0xa5: {  	_ =	swait.ge [sflag:s30], $0x6000  }
0xa6: {  	[sflag:s30] =	ssyncset.done $0x0  }
0xa7: {  	[sflag:s30] =	ssyncadd.s32 $0xFFFFA000  }
0xa8: {  	v6 =	vld.msk [tilespmem:$0x20], $0xff;
	_ =	sdelay $0x4  }
0xa9: {  	v6 =	vmul.u32 $0x1800, v6;
	_ =	sdelay $0x1  }
0xaa: {  	v7 =	vperm.xlane v6, v0;
	_ =	sdelay $0x1  }
0xab: {  	v40 =	vperm.xlane v6, v2;
	v7 =	vadd.s32 v1, v7;
	_ =	sdelay $0x1  }
0xac: {  	v6 =	vperm.xlane v6, v4;
	v8 =	vadd.s32 v3, v40;
	_ =	sdelay $0x1  }
0xad: {  	v6 =	vadd.s32 v5, v6  }
0xae: {  	[tilespmem:s16], [sflag:$0x4] =	stream.indirect_vreg.gather [hbm4b:s1+s3], $0x200, v7, vm0, $0x38;
	[tilespmem:$0x1E080] =	vst v63  }
0xaf: {  	_ = 	snop  }
0xb0: {  	[tilespmem:s17], [sflag:$0x4] =	stream.indirect_vreg.gather [hbm4b:s1+s3], $0x200, v8, vm0, $0x38;
	[tilespmem:$0x1E080] =	vst v63  }
0xb1: {  	_ = 	snop  }
0xb2: {  	[tilespmem:s18], [sflag:$0x4] =	stream.indirect_vreg.gather [hbm4b:s1+s3], $0x200, v6, vm0, $0x38;
	[tilespmem:$0x1E080] =	vst v63  }
0xb3: {  	_ =	swait.ge [sflag:s31], $0x6000  }
0xb4: {  	[sflag:s31] =	ssyncset.done $0x0  }
0xb5: {  	s0 =	rddreg [dreg:$0xa];
	[sflag:s31] =	ssyncadd.s32 $0xFFFFA000  }
0xb6: {  	[hbm4b:s0+s3] =	stream.linear.scatter [tilespmem:s19], [sflag:$0xA], $0x6000, $0x38;
	[tilespmem:$0x1E080] =	vst v63  }
0xb7: {  	_ =	swait.ge [sflag:s2], $0x6000  }
0xb8: {  	[sflag:s2] =	ssyncset.done $0x0  }
0xb9: {  	[sflag:s2] =	ssyncadd.s32 $0xFFFFA000  }
0xba: {  	v6 =	vld.msk [tilespmem:$0x20], $0xff;
	_ =	sdelay $0x4  }
0xbb: {  	v6 =	vmul.u32 $0x1800, v6;
	_ =	sdelay $0x1  }
0xbc: {  	v7 =	vperm.xlane v6, v0;
	_ =	sdelay $0x1  }
0xbd: {  	v41 =	vperm.xlane v6, v2;
	v7 =	vadd.s32 v1, v7;
	_ =	sdelay $0x1  }
0xbe: {  	v6 =	vperm.xlane v6, v4;
	v8 =	vadd.s32 v3, v41;
	_ =	sdelay $0x1  }
0xbf: {  	v6 =	vadd.s32 v5, v6  }
0xc0: {  	[tilespmem:s19], [sflag:$0x5] =	stream.indirect_vreg.gather [hbm4b:s4+s3], $0x200, v7, vm0, $0x38;
	[tilespmem:$0x1E080] =	vst v63  }
0xc1: {  	_ = 	snop  }
0xc2: {  	[tilespmem:s20], [sflag:$0x5] =	stream.indirect_vreg.gather [hbm4b:s4+s3], $0x200, v8, vm0, $0x38;
	[tilespmem:$0x1E080] =	vst v63  }
0xc3: {  	_ = 	snop  }
0xc4: {  	[tilespmem:s21], [sflag:$0x5] =	stream.indirect_vreg.gather [hbm4b:s4+s3], $0x200, v6, vm0, $0x38;
	[tilespmem:$0x1E080] =	vst v63  }
0xc5: {  	_ =	swait.ge [sflag:s22], $0x6000  }
0xc6: {  	[sflag:s22] =	ssyncset.done $0x0  }
0xc7: {  	s0 =	rddreg [dreg:$0xb];
	[sflag:s22] =	ssyncadd.s32 $0xFFFFA000  }
0xc8: {  	[hbm4b:s0+s3] =	stream.linear.scatter [tilespmem:s7], [sflag:$0x6], $0x6000, $0x38;
	[tilespmem:$0x1E080] =	vst v63  }
0xc9: {  	_ =	swait.ge [sflag:s23], $0x6000  }
0xca: {  	[sflag:s23] =	ssyncset.done $0x0  }
0xcb: {  	[sflag:s23] =	ssyncadd.s32 $0xFFFFA000  }
0xcc: {  	v6 =	vld.msk [tilespmem:$0x28], $0xff;
	_ =	sdelay $0x4  }
0xcd: {  	v6 =	vmul.u32 $0x1800, v6;
	_ =	sdelay $0x1  }
0xce: {  	v7 =	vperm.xlane v6, v0;
	_ =	sdelay $0x1  }
0xcf: {  	v42 =	vperm.xlane v6, v2;
	v7 =	vadd.s32 v1, v7;
	_ =	sdelay $0x1  }
0xd0: {  	v6 =	vperm.xlane v6, v4;
	v8 =	vadd.s32 v3, v42;
	_ =	sdelay $0x1  }
0xd1: {  	v6 =	vadd.s32 v5, v6  }
0xd2: {  	[tilespmem:s7], [sflag:$0x1] =	stream.indirect_vreg.gather [hbm4b:s1+s3], $0x200, v7, vm0, $0x38;
	[tilespmem:$0x1E080] =	vst v63  }
0xd3: {  	_ = 	snop  }
0xd4: {  	[tilespmem:s8], [sflag:$0x1] =	stream.indirect_vreg.gather [hbm4b:s1+s3], $0x200, v8, vm0, $0x38;
	[tilespmem:$0x1E080] =	vst v63  }
0xd5: {  	_ = 	snop  }
0xd6: {  	[tilespmem:s9], [sflag:$0x1] =	stream.indirect_vreg.gather [hbm4b:s1+s3], $0x200, v6, vm0, $0x38;
	[tilespmem:$0x1E080] =	vst v63  }
0xd7: {  	_ =	swait.ge [sflag:s24], $0x6000  }
0xd8: {  	[sflag:s24] =	ssyncset.done $0x0  }
0xd9: {  	s0 =	rddreg [dreg:$0xc];
	[sflag:s24] =	ssyncadd.s32 $0xFFFFA000  }
0xda: {  	[hbm4b:s0+s3] =	stream.linear.scatter [tilespmem:s10], [sflag:$0x7], $0x6000, $0x38;
	[tilespmem:$0x1E080] =	vst v63  }
0xdb: {  	_ =	swait.ge [sflag:s25], $0x6000  }
0xdc: {  	[sflag:s25] =	ssyncset.done $0x0  }
0xdd: {  	[sflag:s25] =	ssyncadd.s32 $0xFFFFA000  }
0xde: {  	v6 =	vld.msk [tilespmem:$0x28], $0xff;
	_ =	sdelay $0x4  }
0xdf: {  	v6 =	vmul.u32 $0x1800, v6;
	_ =	sdelay $0x1  }
0xe0: {  	v7 =	vperm.xlane v6, v0;
	_ =	sdelay $0x1  }
0xe1: {  	v43 =	vperm.xlane v6, v2;
	v7 =	vadd.s32 v1, v7;
	_ =	sdelay $0x1  }
0xe2: {  	v6 =	vperm.xlane v6, v4;
	v8 =	vadd.s32 v3, v43;
	_ =	sdelay $0x1  }
0xe3: {  	v6 =	vadd.s32 v5, v6  }
0xe4: {  	[tilespmem:s10], [sflag:$0x2] =	stream.indirect_vreg.gather [hbm4b:s4+s3], $0x200, v7, vm0, $0x38;
	[tilespmem:$0x1E080] =	vst v63  }
0xe5: {  	_ = 	snop  }
0xe6: {  	[tilespmem:s11], [sflag:$0x2] =	stream.indirect_vreg.gather [hbm4b:s4+s3], $0x200, v8, vm0, $0x38;
	[tilespmem:$0x1E080] =	vst v63  }
0xe7: {  	_ = 	snop  }
0xe8: {  	[tilespmem:s12], [sflag:$0x2] =	stream.indirect_vreg.gather [hbm4b:s4+s3], $0x200, v6, vm0, $0x38;
	[tilespmem:$0x1E080] =	vst v63  }
0xe9: {  	_ =	swait.ge [sflag:s26], $0x6000  }
0xea: {  	[sflag:s26] =	ssyncset.done $0x0  }
0xeb: {  	s0 =	rddreg [dreg:$0xd];
	[sflag:s26] =	ssyncadd.s32 $0xFFFFA000  }
0xec: {  	[hbm4b:s0+s3] =	stream.linear.scatter [tilespmem:s13], [sflag:$0x8], $0x6000, $0x38;
	[tilespmem:$0x1E080] =	vst v63  }
0xed: {  	_ =	swait.ge [sflag:s28], $0x6000  }
0xee: {  	[sflag:s28] =	ssyncset.done $0x0  }
0xef: {  	[sflag:s28] =	ssyncadd.s32 $0xFFFFA000  }
0xf0: {  	v6 =	vld.msk [tilespmem:$0x30], $0xff;
	_ =	sdelay $0x4  }
0xf1: {  	v6 =	vmul.u32 $0x1800, v6;
	_ =	sdelay $0x1  }
0xf2: {  	v7 =	vperm.xlane v6, v0;
	_ =	sdelay $0x1  }
0xf3: {  	v44 =	vperm.xlane v6, v2;
	v7 =	vadd.s32 v1, v7;
	_ =	sdelay $0x1  }
0xf4: {  	v6 =	vperm.xlane v6, v4;
	v8 =	vadd.s32 v3, v44;
	_ =	sdelay $0x1  }
0xf5: {  	v6 =	vadd.s32 v5, v6  }
0xf6: {  	[tilespmem:s13], [sflag:$0x3] =	stream.indirect_vreg.gather [hbm4b:s1+s3], $0x200, v7, vm0, $0x38;
	[tilespmem:$0x1E080] =	vst v63  }
0xf7: {  	_ = 	snop  }
0xf8: {  	[tilespmem:s14], [sflag:$0x3] =	stream.indirect_vreg.gather [hbm4b:s1+s3], $0x200, v8, vm0, $0x38;
	[tilespmem:$0x1E080] =	vst v63  }
0xf9: {  	_ = 	snop  }
0xfa: {  	[tilespmem:s15], [sflag:$0x3] =	stream.indirect_vreg.gather [hbm4b:s1+s3], $0x200, v6, vm0, $0x38;
	[tilespmem:$0x1E080] =	vst v63  }
0xfb: {  	_ =	swait.ge [sflag:s29], $0x6000  }
0xfc: {  	[sflag:s29] =	ssyncset.done $0x0  }
0xfd: {  	s0 =	rddreg [dreg:$0xe];
	[sflag:s29] =	ssyncadd.s32 $0xFFFFA000  }
0xfe: {  	[hbm4b:s0+s3] =	stream.linear.scatter [tilespmem:s16], [sflag:$0x9], $0x6000, $0x38;
	[tilespmem:$0x1E080] =	vst v63  }
0xff: {  	_ =	swait.ge [sflag:s30], $0x6000  }
0x100: {  	[sflag:s30] =	ssyncset.done $0x0  }
0x101: {  	[sflag:s30] =	ssyncadd.s32 $0xFFFFA000  }
0x102: {  	v6 =	vld.msk [tilespmem:$0x30], $0xff;
	_ =	sdelay $0x4  }
0x103: {  	v6 =	vmul.u32 $0x1800, v6;
	_ =	sdelay $0x1  }
0x104: {  	v7 =	vperm.xlane v6, v0;
	_ =	sdelay $0x1  }
0x105: {  	v45 =	vperm.xlane v6, v2;
	v7 =	vadd.s32 v1, v7;
	_ =	sdelay $0x1  }
0x106: {  	v6 =	vperm.xlane v6, v4;
	v8 =	vadd.s32 v3, v45;
	_ =	sdelay $0x1  }
0x107: {  	v6 =	vadd.s32 v5, v6  }
0x108: {  	[tilespmem:s16], [sflag:$0x4] =	stream.indirect_vreg.gather [hbm4b:s4+s3], $0x200, v7, vm0, $0x38;
	[tilespmem:$0x1E080] =	vst v63  }
0x109: {  	_ = 	snop  }
0x10a: {  	[tilespmem:s17], [sflag:$0x4] =	stream.indirect_vreg.gather [hbm4b:s4+s3], $0x200, v8, vm0, $0x38;
	[tilespmem:$0x1E080] =	vst v63  }
0x10b: {  	_ = 	snop  }
0x10c: {  	[tilespmem:s18], [sflag:$0x4] =	stream.indirect_vreg.gather [hbm4b:s4+s3], $0x200, v6, vm0, $0x38;
	[tilespmem:$0x1E080] =	vst v63  }
0x10d: {  	_ =	swait.ge [sflag:s31], $0x6000  }
0x10e: {  	[sflag:s31] =	ssyncset.done $0x0  }
0x10f: {  	s0 =	rddreg [dreg:$0xf];
	[sflag:s31] =	ssyncadd.s32 $0xFFFFA000  }
0x110: {  	[hbm4b:s0+s3] =	stream.linear.scatter [tilespmem:s19], [sflag:$0xA], $0x6000, $0x38;
	[tilespmem:$0x1E080] =	vst v63  }
0x111: {  	_ =	swait.ge [sflag:s2], $0x6000  }
0x112: {  	[sflag:s2] =	ssyncset.done $0x0  }
0x113: {  	[sflag:s2] =	ssyncadd.s32 $0xFFFFA000  }
0x114: {  	v6 =	vld.msk [tilespmem:$0x38], $0xff;
	_ =	sdelay $0x4  }
0x115: {  	v6 =	vmul.u32 $0x1800, v6;
	_ =	sdelay $0x1  }
0x116: {  	v7 =	vperm.xlane v6, v0;
	_ =	sdelay $0x1  }
0x117: {  	v46 =	vperm.xlane v6, v2;
	v7 =	vadd.s32 v1, v7;
	_ =	sdelay $0x1  }
0x118: {  	v6 =	vperm.xlane v6, v4;
	v8 =	vadd.s32 v3, v46;
	_ =	sdelay $0x1  }
0x119: {  	v6 =	vadd.s32 v5, v6  }
0x11a: {  	[tilespmem:s19], [sflag:$0x5] =	stream.indirect_vreg.gather [hbm4b:s1+s3], $0x200, v7, vm0, $0x38;
	[tilespmem:$0x1E080] =	vst v63  }
0x11b: {  	_ = 	snop  }
0x11c: {  	[tilespmem:s20], [sflag:$0x5] =	stream.indirect_vreg.gather [hbm4b:s1+s3], $0x200, v8, vm0, $0x38;
	[tilespmem:$0x1E080] =	vst v63  }
0x11d: {  	_ = 	snop  }
0x11e: {  	[tilespmem:s21], [sflag:$0x5] =	stream.indirect_vreg.gather [hbm4b:s1+s3], $0x200, v6, vm0, $0x38;
	[tilespmem:$0x1E080] =	vst v63  }
0x11f: {  	_ =	swait.ge [sflag:s22], $0x6000  }
0x120: {  	[sflag:s22] =	ssyncset.done $0x0  }
0x121: {  	s0 =	rddreg [dreg:$0x10];
	[sflag:s22] =	ssyncadd.s32 $0xFFFFA000  }
0x122: {  	[hbm4b:s0+s3] =	stream.linear.scatter [tilespmem:s7], [sflag:$0x6], $0x6000, $0x38;
	[tilespmem:$0x1E080] =	vst v63  }
0x123: {  	_ =	swait.ge [sflag:s23], $0x6000  }
0x124: {  	[sflag:s23] =	ssyncset.done $0x0  }
0x125: {  	[sflag:s23] =	ssyncadd.s32 $0xFFFFA000  }
0x126: {  	v6 =	vld.msk [tilespmem:$0x38], $0xff;
	_ =	sdelay $0x4  }
0x127: {  	v6 =	vmul.u32 $0x1800, v6;
	_ =	sdelay $0x1  }
0x128: {  	v7 =	vperm.xlane v6, v0;
	_ =	sdelay $0x1  }
0x129: {  	v47 =	vperm.xlane v6, v2;
	v7 =	vadd.s32 v1, v7;
	_ =	sdelay $0x1  }
0x12a: {  	v6 =	vperm.xlane v6, v4;
	v8 =	vadd.s32 v3, v47;
	_ =	sdelay $0x1  }
0x12b: {  	v6 =	vadd.s32 v5, v6  }
0x12c: {  	[tilespmem:s7], [sflag:$0x1] =	stream.indirect_vreg.gather [hbm4b:s4+s3], $0x200, v7, vm0, $0x38;
	[tilespmem:$0x1E080] =	vst v63  }
0x12d: {  	_ = 	snop  }
0x12e: {  	[tilespmem:s8], [sflag:$0x1] =	stream.indirect_vreg.gather [hbm4b:s4+s3], $0x200, v8, vm0, $0x38;
	[tilespmem:$0x1E080] =	vst v63  }
0x12f: {  	_ = 	snop  }
0x130: {  	[tilespmem:s9], [sflag:$0x1] =	stream.indirect_vreg.gather [hbm4b:s4+s3], $0x200, v6, vm0, $0x38;
	[tilespmem:$0x1E080] =	vst v63  }
0x131: {  	_ =	swait.ge [sflag:s24], $0x6000  }
0x132: {  	[sflag:s24] =	ssyncset.done $0x0  }
0x133: {  	s0 =	rddreg [dreg:$0x11];
	[sflag:s24] =	ssyncadd.s32 $0xFFFFA000  }
0x134: {  	[hbm4b:s0+s3] =	stream.linear.scatter [tilespmem:s10], [sflag:$0x7], $0x6000, $0x38;
	[tilespmem:$0x1E080] =	vst v63  }
0x135: {  	_ =	swait.ge [sflag:s25], $0x6000  }
0x136: {  	[sflag:s25] =	ssyncset.done $0x0  }
0x137: {  	[sflag:s25] =	ssyncadd.s32 $0xFFFFA000  }
0x138: {  	v6 =	vld.msk [tilespmem:$0x40], $0xff;
	_ =	sdelay $0x4  }
0x139: {  	v6 =	vmul.u32 $0x1800, v6;
	_ =	sdelay $0x1  }
0x13a: {  	v7 =	vperm.xlane v6, v0;
	_ =	sdelay $0x1  }
0x13b: {  	v48 =	vperm.xlane v6, v2;
	v7 =	vadd.s32 v1, v7;
	_ =	sdelay $0x1  }
0x13c: {  	v6 =	vperm.xlane v6, v4;
	v8 =	vadd.s32 v3, v48;
	_ =	sdelay $0x1  }
0x13d: {  	v6 =	vadd.s32 v5, v6  }
0x13e: {  	[tilespmem:s10], [sflag:$0x2] =	stream.indirect_vreg.gather [hbm4b:s1+s3], $0x200, v7, vm0, $0x38;
	[tilespmem:$0x1E080] =	vst v63  }
0x13f: {  	_ = 	snop  }
0x140: {  	[tilespmem:s11], [sflag:$0x2] =	stream.indirect_vreg.gather [hbm4b:s1+s3], $0x200, v8, vm0, $0x38;
	[tilespmem:$0x1E080] =	vst v63  }
0x141: {  	_ = 	snop  }
0x142: {  	[tilespmem:s12], [sflag:$0x2] =	stream.indirect_vreg.gather [hbm4b:s1+s3], $0x200, v6, vm0, $0x38;
	[tilespmem:$0x1E080] =	vst v63  }
0x143: {  	_ =	swait.ge [sflag:s26], $0x6000  }
0x144: {  	[sflag:s26] =	ssyncset.done $0x0  }
0x145: {  	s0 =	rddreg [dreg:$0x12];
	[sflag:s26] =	ssyncadd.s32 $0xFFFFA000  }
0x146: {  	[hbm4b:s0+s3] =	stream.linear.scatter [tilespmem:s13], [sflag:$0x8], $0x6000, $0x38;
	[tilespmem:$0x1E080] =	vst v63  }
0x147: {  	_ =	swait.ge [sflag:s28], $0x6000  }
0x148: {  	[sflag:s28] =	ssyncset.done $0x0  }
0x149: {  	[sflag:s28] =	ssyncadd.s32 $0xFFFFA000  }
0x14a: {  	v6 =	vld.msk [tilespmem:$0x40], $0xff;
	_ =	sdelay $0x4  }
0x14b: {  	v6 =	vmul.u32 $0x1800, v6;
	_ =	sdelay $0x1  }
0x14c: {  	v7 =	vperm.xlane v6, v0;
	_ =	sdelay $0x1  }
0x14d: {  	v49 =	vperm.xlane v6, v2;
	v7 =	vadd.s32 v1, v7;
	_ =	sdelay $0x1  }
0x14e: {  	v6 =	vperm.xlane v6, v4;
	v8 =	vadd.s32 v3, v49;
	_ =	sdelay $0x1  }
0x14f: {  	v6 =	vadd.s32 v5, v6  }
0x150: {  	[tilespmem:s13], [sflag:$0x3] =	stream.indirect_vreg.gather [hbm4b:s4+s3], $0x200, v7, vm0, $0x38;
	[tilespmem:$0x1E080] =	vst v63  }
0x151: {  	_ = 	snop  }
0x152: {  	[tilespmem:s14], [sflag:$0x3] =	stream.indirect_vreg.gather [hbm4b:s4+s3], $0x200, v8, vm0, $0x38;
	[tilespmem:$0x1E080] =	vst v63  }
0x153: {  	_ = 	snop  }
0x154: {  	[tilespmem:s15], [sflag:$0x3] =	stream.indirect_vreg.gather [hbm4b:s4+s3], $0x200, v6, vm0, $0x38;
	[tilespmem:$0x1E080] =	vst v63  }
0x155: {  	_ =	swait.ge [sflag:s29], $0x6000  }
0x156: {  	[sflag:s29] =	ssyncset.done $0x0  }
0x157: {  	s0 =	rddreg [dreg:$0x13];
	[sflag:s29] =	ssyncadd.s32 $0xFFFFA000  }
0x158: {  	[hbm4b:s0+s3] =	stream.linear.scatter [tilespmem:s16], [sflag:$0x9], $0x6000, $0x38;
	[tilespmem:$0x1E080] =	vst v63  }
0x159: {  	_ =	swait.ge [sflag:s30], $0x6000  }
0x15a: {  	[sflag:s30] =	ssyncset.done $0x0  }
0x15b: {  	[sflag:s30] =	ssyncadd.s32 $0xFFFFA000  }
0x15c: {  	v6 =	vld.msk [tilespmem:$0x48], $0xff;
	_ =	sdelay $0x4  }
0x15d: {  	v6 =	vmul.u32 $0x1800, v6;
	_ =	sdelay $0x1  }
0x15e: {  	v7 =	vperm.xlane v6, v0;
	_ =	sdelay $0x1  }
0x15f: {  	v50 =	vperm.xlane v6, v2;
	v7 =	vadd.s32 v1, v7;
	_ =	sdelay $0x1  }
0x160: {  	v6 =	vperm.xlane v6, v4;
	v8 =	vadd.s32 v3, v50;
	_ =	sdelay $0x1  }
0x161: {  	v6 =	vadd.s32 v5, v6  }
0x162: {  	[tilespmem:s16], [sflag:$0x4] =	stream.indirect_vreg.gather [hbm4b:s1+s3], $0x200, v7, vm0, $0x38;
	[tilespmem:$0x1E080] =	vst v63  }
0x163: {  	_ = 	snop  }
0x164: {  	[tilespmem:s17], [sflag:$0x4] =	stream.indirect_vreg.gather [hbm4b:s1+s3], $0x200, v8, vm0, $0x38;
	[tilespmem:$0x1E080] =	vst v63  }
0x165: {  	_ = 	snop  }
0x166: {  	[tilespmem:s18], [sflag:$0x4] =	stream.indirect_vreg.gather [hbm4b:s1+s3], $0x200, v6, vm0, $0x38;
	[tilespmem:$0x1E080] =	vst v63  }
0x167: {  	_ =	swait.ge [sflag:s31], $0x6000  }
0x168: {  	[sflag:s31] =	ssyncset.done $0x0  }
0x169: {  	s0 =	rddreg [dreg:$0x14];
	[sflag:s31] =	ssyncadd.s32 $0xFFFFA000  }
0x16a: {  	[hbm4b:s0+s3] =	stream.linear.scatter [tilespmem:s19], [sflag:$0xA], $0x6000, $0x38;
	[tilespmem:$0x1E080] =	vst v63  }
0x16b: {  	_ =	swait.ge [sflag:s2], $0x6000  }
0x16c: {  	[sflag:s2] =	ssyncset.done $0x0  }
0x16d: {  	[sflag:s2] =	ssyncadd.s32 $0xFFFFA000  }
0x16e: {  	v6 =	vld.msk [tilespmem:$0x48], $0xff;
	_ =	sdelay $0x4  }
0x16f: {  	v6 =	vmul.u32 $0x1800, v6;
	_ =	sdelay $0x1  }
0x170: {  	v7 =	vperm.xlane v6, v0;
	_ =	sdelay $0x1  }
0x171: {  	v51 =	vperm.xlane v6, v2;
	v7 =	vadd.s32 v1, v7;
	_ =	sdelay $0x1  }
0x172: {  	v6 =	vperm.xlane v6, v4;
	v8 =	vadd.s32 v3, v51;
	_ =	sdelay $0x1  }
0x173: {  	v6 =	vadd.s32 v5, v6  }
0x174: {  	[tilespmem:s19], [sflag:$0x5] =	stream.indirect_vreg.gather [hbm4b:s4+s3], $0x200, v7, vm0, $0x38;
	[tilespmem:$0x1E080] =	vst v63  }
0x175: {  	_ = 	snop  }
0x176: {  	[tilespmem:s20], [sflag:$0x5] =	stream.indirect_vreg.gather [hbm4b:s4+s3], $0x200, v8, vm0, $0x38;
	[tilespmem:$0x1E080] =	vst v63  }
0x177: {  	_ = 	snop  }
0x178: {  	[tilespmem:s21], [sflag:$0x5] =	stream.indirect_vreg.gather [hbm4b:s4+s3], $0x200, v6, vm0, $0x38;
	[tilespmem:$0x1E080] =	vst v63  }
0x179: {  	_ =	swait.ge [sflag:s22], $0x6000  }
0x17a: {  	[sflag:s22] =	ssyncset.done $0x0  }
0x17b: {  	s0 =	rddreg [dreg:$0x15];
	[sflag:s22] =	ssyncadd.s32 $0xFFFFA000  }
0x17c: {  	[hbm4b:s0+s3] =	stream.linear.scatter [tilespmem:s7], [sflag:$0x6], $0x6000, $0x38;
	[tilespmem:$0x1E080] =	vst v63  }
0x17d: {  	_ =	swait.ge [sflag:s23], $0x6000  }
0x17e: {  	[sflag:s23] =	ssyncset.done $0x0  }
0x17f: {  	[sflag:s23] =	ssyncadd.s32 $0xFFFFA000  }
0x180: {  	v6 =	vld.msk [tilespmem:$0x50], $0xff;
	_ =	sdelay $0x4  }
0x181: {  	v6 =	vmul.u32 $0x1800, v6;
	_ =	sdelay $0x1  }
0x182: {  	v7 =	vperm.xlane v6, v0;
	_ =	sdelay $0x1  }
0x183: {  	v52 =	vperm.xlane v6, v2;
	v7 =	vadd.s32 v1, v7;
	_ =	sdelay $0x1  }
0x184: {  	v6 =	vperm.xlane v6, v4;
	v8 =	vadd.s32 v3, v52;
	_ =	sdelay $0x1  }
0x185: {  	v6 =	vadd.s32 v5, v6  }
0x186: {  	[tilespmem:s7], [sflag:$0x1] =	stream.indirect_vreg.gather [hbm4b:s1+s3], $0x200, v7, vm0, $0x38;
	[tilespmem:$0x1E080] =	vst v63  }
0x187: {  	_ = 	snop  }
0x188: {  	[tilespmem:s8], [sflag:$0x1] =	stream.indirect_vreg.gather [hbm4b:s1+s3], $0x200, v8, vm0, $0x38;
	[tilespmem:$0x1E080] =	vst v63  }
0x189: {  	_ = 	snop  }
0x18a: {  	[tilespmem:s9], [sflag:$0x1] =	stream.indirect_vreg.gather [hbm4b:s1+s3], $0x200, v6, vm0, $0x38;
	[tilespmem:$0x1E080] =	vst v63  }
0x18b: {  	_ =	swait.ge [sflag:s24], $0x6000  }
0x18c: {  	[sflag:s24] =	ssyncset.done $0x0  }
0x18d: {  	s0 =	rddreg [dreg:$0x16];
	[sflag:s24] =	ssyncadd.s32 $0xFFFFA000  }
0x18e: {  	[hbm4b:s0+s3] =	stream.linear.scatter [tilespmem:s10], [sflag:$0x7], $0x6000, $0x38;
	[tilespmem:$0x1E080] =	vst v63  }
0x18f: {  	_ =	swait.ge [sflag:s25], $0x6000  }
0x190: {  	[sflag:s25] =	ssyncset.done $0x0  }
0x191: {  	[sflag:s25] =	ssyncadd.s32 $0xFFFFA000  }
0x192: {  	v6 =	vld.msk [tilespmem:$0x50], $0xff;
	_ =	sdelay $0x4  }
0x193: {  	v6 =	vmul.u32 $0x1800, v6;
	_ =	sdelay $0x1  }
0x194: {  	v7 =	vperm.xlane v6, v0;
	_ =	sdelay $0x1  }
0x195: {  	v53 =	vperm.xlane v6, v2;
	v7 =	vadd.s32 v1, v7;
	_ =	sdelay $0x1  }
0x196: {  	v6 =	vperm.xlane v6, v4;
	v8 =	vadd.s32 v3, v53;
	_ =	sdelay $0x1  }
0x197: {  	v6 =	vadd.s32 v5, v6  }
0x198: {  	[tilespmem:s10], [sflag:$0x2] =	stream.indirect_vreg.gather [hbm4b:s4+s3], $0x200, v7, vm0, $0x38;
	[tilespmem:$0x1E080] =	vst v63  }
0x199: {  	_ = 	snop  }
0x19a: {  	[tilespmem:s11], [sflag:$0x2] =	stream.indirect_vreg.gather [hbm4b:s4+s3], $0x200, v8, vm0, $0x38;
	[tilespmem:$0x1E080] =	vst v63  }
0x19b: {  	_ = 	snop  }
0x19c: {  	[tilespmem:s12], [sflag:$0x2] =	stream.indirect_vreg.gather [hbm4b:s4+s3], $0x200, v6, vm0, $0x38;
	[tilespmem:$0x1E080] =	vst v63  }
0x19d: {  	_ =	swait.ge [sflag:s26], $0x6000  }
0x19e: {  	[sflag:s26] =	ssyncset.done $0x0  }
0x19f: {  	s0 =	rddreg [dreg:$0x17];
	[sflag:s26] =	ssyncadd.s32 $0xFFFFA000  }
0x1a0: {  	[hbm4b:s0+s3] =	stream.linear.scatter [tilespmem:s13], [sflag:$0x8], $0x6000, $0x38;
	[tilespmem:$0x1E080] =	vst v63  }
0x1a1: {  	_ =	swait.ge [sflag:s28], $0x6000  }
0x1a2: {  	[sflag:s28] =	ssyncset.done $0x0  }
0x1a3: {  	[sflag:s28] =	ssyncadd.s32 $0xFFFFA000  }
0x1a4: {  	v6 =	vld.msk [tilespmem:$0x58], $0xff;
	_ =	sdelay $0x4  }
0x1a5: {  	v6 =	vmul.u32 $0x1800, v6;
	_ =	sdelay $0x1  }
0x1a6: {  	v7 =	vperm.xlane v6, v0;
	_ =	sdelay $0x1  }
0x1a7: {  	v54 =	vperm.xlane v6, v2;
	v7 =	vadd.s32 v1, v7;
	_ =	sdelay $0x1  }
0x1a8: {  	v6 =	vperm.xlane v6, v4;
	v8 =	vadd.s32 v3, v54;
	_ =	sdelay $0x1  }
0x1a9: {  	v6 =	vadd.s32 v5, v6  }
0x1aa: {  	[tilespmem:s13], [sflag:$0x3] =	stream.indirect_vreg.gather [hbm4b:s1+s3], $0x200, v7, vm0, $0x38;
	[tilespmem:$0x1E080] =	vst v63  }
0x1ab: {  	_ = 	snop  }
0x1ac: {  	[tilespmem:s14], [sflag:$0x3] =	stream.indirect_vreg.gather [hbm4b:s1+s3], $0x200, v8, vm0, $0x38;
	[tilespmem:$0x1E080] =	vst v63  }
0x1ad: {  	_ = 	snop  }
0x1ae: {  	[tilespmem:s15], [sflag:$0x3] =	stream.indirect_vreg.gather [hbm4b:s1+s3], $0x200, v6, vm0, $0x38;
	[tilespmem:$0x1E080] =	vst v63  }
0x1af: {  	_ =	swait.ge [sflag:s29], $0x6000  }
0x1b0: {  	[sflag:s29] =	ssyncset.done $0x0  }
0x1b1: {  	s0 =	rddreg [dreg:$0x18];
	[sflag:s29] =	ssyncadd.s32 $0xFFFFA000  }
0x1b2: {  	[hbm4b:s0+s3] =	stream.linear.scatter [tilespmem:s16], [sflag:$0x9], $0x6000, $0x38;
	[tilespmem:$0x1E080] =	vst v63  }
0x1b3: {  	_ =	swait.ge [sflag:s30], $0x6000  }
0x1b4: {  	[sflag:s30] =	ssyncset.done $0x0  }
0x1b5: {  	[sflag:s30] =	ssyncadd.s32 $0xFFFFA000  }
0x1b6: {  	v6 =	vld.msk [tilespmem:$0x58], $0xff;
	_ =	sdelay $0x4  }
0x1b7: {  	v6 =	vmul.u32 $0x1800, v6;
	_ =	sdelay $0x1  }
0x1b8: {  	v7 =	vperm.xlane v6, v0;
	_ =	sdelay $0x1  }
0x1b9: {  	v55 =	vperm.xlane v6, v2;
	v7 =	vadd.s32 v1, v7;
	_ =	sdelay $0x1  }
0x1ba: {  	v6 =	vperm.xlane v6, v4;
	v8 =	vadd.s32 v3, v55;
	_ =	sdelay $0x1  }
0x1bb: {  	v6 =	vadd.s32 v5, v6  }
0x1bc: {  	[tilespmem:s16], [sflag:$0x4] =	stream.indirect_vreg.gather [hbm4b:s4+s3], $0x200, v7, vm0, $0x38;
	[tilespmem:$0x1E080] =	vst v63  }
0x1bd: {  	_ = 	snop  }
0x1be: {  	[tilespmem:s17], [sflag:$0x4] =	stream.indirect_vreg.gather [hbm4b:s4+s3], $0x200, v8, vm0, $0x38;
	[tilespmem:$0x1E080] =	vst v63  }
0x1bf: {  	_ = 	snop  }
0x1c0: {  	[tilespmem:s18], [sflag:$0x4] =	stream.indirect_vreg.gather [hbm4b:s4+s3], $0x200, v6, vm0, $0x38;
	[tilespmem:$0x1E080] =	vst v63  }
0x1c1: {  	_ =	swait.ge [sflag:s31], $0x6000  }
0x1c2: {  	[sflag:s31] =	ssyncset.done $0x0  }
0x1c3: {  	s0 =	rddreg [dreg:$0x19];
	[sflag:s31] =	ssyncadd.s32 $0xFFFFA000  }
0x1c4: {  	[hbm4b:s0+s3] =	stream.linear.scatter [tilespmem:s19], [sflag:$0xA], $0x6000, $0x38;
	[tilespmem:$0x1E080] =	vst v63  }
0x1c5: {  	_ =	swait.ge [sflag:s2], $0x6000  }
0x1c6: {  	[sflag:s2] =	ssyncset.done $0x0  }
0x1c7: {  	[sflag:s2] =	ssyncadd.s32 $0xFFFFA000  }
0x1c8: {  	v6 =	vld.msk [tilespmem:$0x60], $0xff;
	_ =	sdelay $0x4  }
0x1c9: {  	v6 =	vmul.u32 $0x1800, v6;
	_ =	sdelay $0x1  }
0x1ca: {  	v7 =	vperm.xlane v6, v0;
	_ =	sdelay $0x1  }
0x1cb: {  	v56 =	vperm.xlane v6, v2;
	v7 =	vadd.s32 v1, v7;
	_ =	sdelay $0x1  }
0x1cc: {  	v6 =	vperm.xlane v6, v4;
	v8 =	vadd.s32 v3, v56;
	_ =	sdelay $0x1  }
0x1cd: {  	v6 =	vadd.s32 v5, v6  }
0x1ce: {  	[tilespmem:s19], [sflag:$0x5] =	stream.indirect_vreg.gather [hbm4b:s1+s3], $0x200, v7, vm0, $0x38;
	[tilespmem:$0x1E080] =	vst v63  }
0x1cf: {  	_ = 	snop  }
0x1d0: {  	[tilespmem:s20], [sflag:$0x5] =	stream.indirect_vreg.gather [hbm4b:s1+s3], $0x200, v8, vm0, $0x38;
	[tilespmem:$0x1E080] =	vst v63  }
0x1d1: {  	_ = 	snop  }
0x1d2: {  	[tilespmem:s21], [sflag:$0x5] =	stream.indirect_vreg.gather [hbm4b:s1+s3], $0x200, v6, vm0, $0x38;
	[tilespmem:$0x1E080] =	vst v63  }
0x1d3: {  	_ =	swait.ge [sflag:s22], $0x6000  }
0x1d4: {  	[sflag:s22] =	ssyncset.done $0x0  }
0x1d5: {  	s0 =	rddreg [dreg:$0x1a];
	[sflag:s22] =	ssyncadd.s32 $0xFFFFA000  }
0x1d6: {  	[hbm4b:s0+s3] =	stream.linear.scatter [tilespmem:s7], [sflag:$0x6], $0x6000, $0x38;
	[tilespmem:$0x1E080] =	vst v63  }
0x1d7: {  	_ =	swait.ge [sflag:s23], $0x6000  }
0x1d8: {  	[sflag:s23] =	ssyncset.done $0x0  }
0x1d9: {  	[sflag:s23] =	ssyncadd.s32 $0xFFFFA000  }
0x1da: {  	v6 =	vld.msk [tilespmem:$0x60], $0xff;
	_ =	sdelay $0x4  }
0x1db: {  	v6 =	vmul.u32 $0x1800, v6;
	_ =	sdelay $0x1  }
0x1dc: {  	v7 =	vperm.xlane v6, v0;
	_ =	sdelay $0x1  }
0x1dd: {  	v57 =	vperm.xlane v6, v2;
	v7 =	vadd.s32 v1, v7;
	_ =	sdelay $0x1  }
0x1de: {  	v6 =	vperm.xlane v6, v4;
	v8 =	vadd.s32 v3, v57;
	_ =	sdelay $0x1  }
0x1df: {  	v6 =	vadd.s32 v5, v6  }
0x1e0: {  	[tilespmem:s7], [sflag:$0x1] =	stream.indirect_vreg.gather [hbm4b:s4+s3], $0x200, v7, vm0, $0x38;
	[tilespmem:$0x1E080] =	vst v63  }
0x1e1: {  	_ = 	snop  }
0x1e2: {  	[tilespmem:s8], [sflag:$0x1] =	stream.indirect_vreg.gather [hbm4b:s4+s3], $0x200, v8, vm0, $0x38;
	[tilespmem:$0x1E080] =	vst v63  }
0x1e3: {  	_ = 	snop  }
0x1e4: {  	[tilespmem:s9], [sflag:$0x1] =	stream.indirect_vreg.gather [hbm4b:s4+s3], $0x200, v6, vm0, $0x38;
	[tilespmem:$0x1E080] =	vst v63  }
0x1e5: {  	_ =	swait.ge [sflag:s24], $0x6000  }
0x1e6: {  	[sflag:s24] =	ssyncset.done $0x0  }
0x1e7: {  	s0 =	rddreg [dreg:$0x1b];
	[sflag:s24] =	ssyncadd.s32 $0xFFFFA000  }
0x1e8: {  	[hbm4b:s0+s3] =	stream.linear.scatter [tilespmem:s10], [sflag:$0x7], $0x6000, $0x38;
	[tilespmem:$0x1E080] =	vst v63  }
0x1e9: {  	_ =	swait.ge [sflag:s25], $0x6000  }
0x1ea: {  	[sflag:s25] =	ssyncset.done $0x0  }
0x1eb: {  	[sflag:s25] =	ssyncadd.s32 $0xFFFFA000  }
0x1ec: {  	v6 =	vld.msk [tilespmem:$0x68], $0xff;
	_ =	sdelay $0x4  }
0x1ed: {  	v6 =	vmul.u32 $0x1800, v6;
	_ =	sdelay $0x1  }
0x1ee: {  	v7 =	vperm.xlane v6, v0;
	_ =	sdelay $0x1  }
0x1ef: {  	v58 =	vperm.xlane v6, v2;
	v7 =	vadd.s32 v1, v7;
	_ =	sdelay $0x1  }
0x1f0: {  	v6 =	vperm.xlane v6, v4;
	v8 =	vadd.s32 v3, v58;
	_ =	sdelay $0x1  }
0x1f1: {  	v6 =	vadd.s32 v5, v6  }
0x1f2: {  	[tilespmem:s10], [sflag:$0x2] =	stream.indirect_vreg.gather [hbm4b:s1+s3], $0x200, v7, vm0, $0x38;
	[tilespmem:$0x1E080] =	vst v63  }
0x1f3: {  	_ = 	snop  }
0x1f4: {  	[tilespmem:s11], [sflag:$0x2] =	stream.indirect_vreg.gather [hbm4b:s1+s3], $0x200, v8, vm0, $0x38;
	[tilespmem:$0x1E080] =	vst v63  }
0x1f5: {  	_ = 	snop  }
0x1f6: {  	[tilespmem:s12], [sflag:$0x2] =	stream.indirect_vreg.gather [hbm4b:s1+s3], $0x200, v6, vm0, $0x38;
	[tilespmem:$0x1E080] =	vst v63  }
0x1f7: {  	_ =	swait.ge [sflag:s26], $0x6000  }
0x1f8: {  	[sflag:s26] =	ssyncset.done $0x0  }
0x1f9: {  	s0 =	rddreg [dreg:$0x1c];
	[sflag:s26] =	ssyncadd.s32 $0xFFFFA000  }
0x1fa: {  	[hbm4b:s0+s3] =	stream.linear.scatter [tilespmem:s13], [sflag:$0x8], $0x6000, $0x38;
	[tilespmem:$0x1E080] =	vst v63  }
0x1fb: {  	_ =	swait.ge [sflag:s28], $0x6000  }
0x1fc: {  	[sflag:s28] =	ssyncset.done $0x0  }
0x1fd: {  	[sflag:s28] =	ssyncadd.s32 $0xFFFFA000  }
0x1fe: {  	v6 =	vld.msk [tilespmem:$0x68], $0xff;
	_ =	sdelay $0x4  }
0x1ff: {  	v6 =	vmul.u32 $0x1800, v6;
	_ =	sdelay $0x1  }
0x200: {  	v7 =	vperm.xlane v6, v0;
	_ =	sdelay $0x1  }
0x201: {  	v59 =	vperm.xlane v6, v2;
	v7 =	vadd.s32 v1, v7;
	_ =	sdelay $0x1  }
0x202: {  	v6 =	vperm.xlane v6, v4;
	v8 =	vadd.s32 v3, v59;
	_ =	sdelay $0x1  }
0x203: {  	v6 =	vadd.s32 v5, v6  }
0x204: {  	[tilespmem:s13], [sflag:$0x3] =	stream.indirect_vreg.gather [hbm4b:s4+s3], $0x200, v7, vm0, $0x38;
	[tilespmem:$0x1E080] =	vst v63  }
0x205: {  	_ = 	snop  }
0x206: {  	[tilespmem:s14], [sflag:$0x3] =	stream.indirect_vreg.gather [hbm4b:s4+s3], $0x200, v8, vm0, $0x38;
	[tilespmem:$0x1E080] =	vst v63  }
0x207: {  	_ = 	snop  }
0x208: {  	[tilespmem:s15], [sflag:$0x3] =	stream.indirect_vreg.gather [hbm4b:s4+s3], $0x200, v6, vm0, $0x38;
	[tilespmem:$0x1E080] =	vst v63  }
0x209: {  	_ =	swait.ge [sflag:s29], $0x6000  }
0x20a: {  	[sflag:s29] =	ssyncset.done $0x0  }
0x20b: {  	s0 =	rddreg [dreg:$0x1d];
	[sflag:s29] =	ssyncadd.s32 $0xFFFFA000  }
0x20c: {  	[hbm4b:s0+s3] =	stream.linear.scatter [tilespmem:s16], [sflag:$0x9], $0x6000, $0x38;
	[tilespmem:$0x1E080] =	vst v63  }
0x20d: {  	_ =	swait.ge [sflag:s30], $0x6000  }
0x20e: {  	[sflag:s30] =	ssyncset.done $0x0  }
0x20f: {  	[sflag:s30] =	ssyncadd.s32 $0xFFFFA000  }
0x210: {  	v6 =	vld.msk [tilespmem:$0x70], $0xff;
	_ =	sdelay $0x4  }
0x211: {  	v6 =	vmul.u32 $0x1800, v6;
	_ =	sdelay $0x1  }
0x212: {  	v7 =	vperm.xlane v6, v0;
	_ =	sdelay $0x1  }
0x213: {  	v60 =	vperm.xlane v6, v2;
	v7 =	vadd.s32 v1, v7;
	_ =	sdelay $0x1  }
0x214: {  	v6 =	vperm.xlane v6, v4;
	v8 =	vadd.s32 v3, v60;
	_ =	sdelay $0x1  }
0x215: {  	v6 =	vadd.s32 v5, v6  }
0x216: {  	[tilespmem:s16], [sflag:$0x4] =	stream.indirect_vreg.gather [hbm4b:s1+s3], $0x200, v7, vm0, $0x38;
	[tilespmem:$0x1E080] =	vst v63  }
0x217: {  	_ = 	snop  }
0x218: {  	[tilespmem:s17], [sflag:$0x4] =	stream.indirect_vreg.gather [hbm4b:s1+s3], $0x200, v8, vm0, $0x38;
	[tilespmem:$0x1E080] =	vst v63  }
0x219: {  	_ = 	snop  }
0x21a: {  	[tilespmem:s18], [sflag:$0x4] =	stream.indirect_vreg.gather [hbm4b:s1+s3], $0x200, v6, vm0, $0x38;
	[tilespmem:$0x1E080] =	vst v63  }
0x21b: {  	_ =	swait.ge [sflag:s31], $0x6000  }
0x21c: {  	[sflag:s31] =	ssyncset.done $0x0  }
0x21d: {  	s0 =	rddreg [dreg:$0x1e];
	[sflag:s31] =	ssyncadd.s32 $0xFFFFA000  }
0x21e: {  	[hbm4b:s0+s3] =	stream.linear.scatter [tilespmem:s19], [sflag:$0xA], $0x6000, $0x38;
	[tilespmem:$0x1E080] =	vst v63  }
0x21f: {  	_ =	swait.ge [sflag:s2], $0x6000  }
0x220: {  	[sflag:s2] =	ssyncset.done $0x0  }
0x221: {  	[sflag:s2] =	ssyncadd.s32 $0xFFFFA000  }
0x222: {  	v6 =	vld.msk [tilespmem:$0x70], $0xff;
	_ =	sdelay $0x4  }
0x223: {  	v6 =	vmul.u32 $0x1800, v6;
	_ =	sdelay $0x1  }
0x224: {  	v7 =	vperm.xlane v6, v0;
	_ =	sdelay $0x1  }
0x225: {  	v61 =	vperm.xlane v6, v2;
	v7 =	vadd.s32 v1, v7;
	_ =	sdelay $0x1  }
0x226: {  	v6 =	vperm.xlane v6, v4;
	v8 =	vadd.s32 v3, v61;
	_ =	sdelay $0x1  }
0x227: {  	v6 =	vadd.s32 v5, v6  }
0x228: {  	[tilespmem:s19], [sflag:$0x5] =	stream.indirect_vreg.gather [hbm4b:s4+s3], $0x200, v7, vm0, $0x38;
	[tilespmem:$0x1E080] =	vst v63  }
0x229: {  	_ = 	snop  }
0x22a: {  	[tilespmem:s20], [sflag:$0x5] =	stream.indirect_vreg.gather [hbm4b:s4+s3], $0x200, v8, vm0, $0x38;
	[tilespmem:$0x1E080] =	vst v63  }
0x22b: {  	_ = 	snop  }
0x22c: {  	[tilespmem:s21], [sflag:$0x5] =	stream.indirect_vreg.gather [hbm4b:s4+s3], $0x200, v6, vm0, $0x38;
	[tilespmem:$0x1E080] =	vst v63  }
0x22d: {  	_ =	swait.ge [sflag:s22], $0x6000  }
0x22e: {  	[sflag:s22] =	ssyncset.done $0x0  }
0x22f: {  	s0 =	rddreg [dreg:$0x1f];
	[sflag:s22] =	ssyncadd.s32 $0xFFFFA000  }
0x230: {  	[hbm4b:s0+s3] =	stream.linear.scatter [tilespmem:s7], [sflag:$0x6], $0x6000, $0x38;
	[tilespmem:$0x1E080] =	vst v63  }
0x231: {  	_ =	swait.ge [sflag:s23], $0x6000  }
0x232: {  	[sflag:s23] =	ssyncset.done $0x0  }
0x233: {  	[sflag:s23] =	ssyncadd.s32 $0xFFFFA000  }
0x234: {  	v6 =	vld.msk [tilespmem:$0x78], $0xff;
	_ =	sdelay $0x4  }
0x235: {  	v6 =	vmul.u32 $0x1800, v6;
	_ =	sdelay $0x1  }
0x236: {  	v7 =	vperm.xlane v6, v0;
	_ =	sdelay $0x1  }
0x237: {  	v62 =	vperm.xlane v6, v2;
	v7 =	vadd.s32 v1, v7;
	_ =	sdelay $0x1  }
0x238: {  	v6 =	vperm.xlane v6, v4;
	v8 =	vadd.s32 v3, v62;
	_ =	sdelay $0x1  }
0x239: {  	v6 =	vadd.s32 v5, v6  }
0x23a: {  	[tilespmem:s7], [sflag:$0x1] =	stream.indirect_vreg.gather [hbm4b:s1+s3], $0x200, v7, vm0, $0x38;
	[tilespmem:$0x1E080] =	vst v63  }
0x23b: {  	_ = 	snop  }
0x23c: {  	[tilespmem:s8], [sflag:$0x1] =	stream.indirect_vreg.gather [hbm4b:s1+s3], $0x200, v8, vm0, $0x38;
	[tilespmem:$0x1E080] =	vst v63  }
0x23d: {  	_ = 	snop  }
0x23e: {  	[tilespmem:s9], [sflag:$0x1] =	stream.indirect_vreg.gather [hbm4b:s1+s3], $0x200, v6, vm0, $0x38;
	[tilespmem:$0x1E080] =	vst v63  }
0x23f: {  	_ =	swait.ge [sflag:s24], $0x6000  }
0x240: {  	s0 =	sld [smem:$0x7F8]  }
0x241: {  	[sflag:s24] =	ssyncset.done $0x0  }
0x242: {  	[sflag:s24] =	ssyncadd.s32 $0xFFFFA000  }
0x243: {  	[hbm4b:s0+s3] =	stream.linear.scatter [tilespmem:s10], [sflag:$0x7], $0x6000, $0x38;
	[tilespmem:$0x1E080] =	vst v63  }
0x244: {  	_ =	swait.ge [sflag:s25], $0x6000  }
0x245: {  	[sflag:s25] =	ssyncset.done $0x0  }
0x246: {  	[sflag:s25] =	ssyncadd.s32 $0xFFFFA000  }
0x247: {  	v6 =	vld.msk [tilespmem:$0x78], $0xff;
	_ =	sdelay $0x4  }
0x248: {  	v6 =	vmul.u32 $0x1800, v6;
	_ =	sdelay $0x1  }
0x249: {  	v7 =	vperm.xlane v6, v0;
	_ =	sdelay $0x1  }
0x24a: {  	v63 =	vperm.xlane v6, v2;
	v7 =	vadd.s32 v1, v7;
	_ =	sdelay $0x1  }
0x24b: {  	v6 =	vperm.xlane v6, v4;
	v8 =	vadd.s32 v3, v63;
	_ =	sdelay $0x1  }
0x24c: {  	v6 =	vadd.s32 v5, v6  }
0x24d: {  	[tilespmem:s10], [sflag:$0x2] =	stream.indirect_vreg.gather [hbm4b:s4+s3], $0x200, v7, vm0, $0x38;
	[tilespmem:$0x1E080] =	vst v63  }
0x24e: {  	_ = 	snop  }
0x24f: {  	[tilespmem:s11], [sflag:$0x2] =	stream.indirect_vreg.gather [hbm4b:s4+s3], $0x200, v8, vm0, $0x38;
	[tilespmem:$0x1E080] =	vst v63  }
0x250: {  	_ = 	snop  }
0x251: {  	[tilespmem:s12], [sflag:$0x2] =	stream.indirect_vreg.gather [hbm4b:s4+s3], $0x200, v6, vm0, $0x38;
	[tilespmem:$0x1E080] =	vst v63  }
0x252: {  	_ =	swait.ge [sflag:s26], $0x6000  }
0x253: {  	s0 =	sld [smem:$0x7F9]  }
0x254: {  	[sflag:s26] =	ssyncset.done $0x0  }
0x255: {  	[sflag:s26] =	ssyncadd.s32 $0xFFFFA000  }
0x256: {  	[hbm4b:s0+s3] =	stream.linear.scatter [tilespmem:s13], [sflag:$0x8], $0x6000, $0x38;
	[tilespmem:$0x1E080] =	vst v63  }
0x257: {  	_ =	swait.ge [sflag:s29], $0x6000  }
0x258: {  	s0 =	sld [smem:$0x7FA]  }
0x259: {  	[sflag:s29] =	ssyncset.done $0x0  }
0x25a: {  	[sflag:s29] =	ssyncadd.s32 $0xFFFFA000  }
0x25b: {  	[hbm4b:s0+s3] =	stream.linear.scatter [tilespmem:s16], [sflag:$0x9], $0x6000, $0x38;
	[tilespmem:$0x1E080] =	vst v63  }
0x25c: {  	_ =	swait.ge [sflag:s31], $0x6000  }
0x25d: {  	s0 =	sld [smem:$0x7FB]  }
0x25e: {  	[sflag:s31] =	ssyncset.done $0x0  }
0x25f: {  	[sflag:s31] =	ssyncadd.s32 $0xFFFFA000  }
0x260: {  	[hbm4b:s0+s3] =	stream.linear.scatter [tilespmem:s19], [sflag:$0xA], $0x6000, $0x38;
	[tilespmem:$0x1E080] =	vst v63  }
0x261: {  	_ =	swait.ge [sflag:s22], $0x6000  }
0x262: {  	s0 =	sld [smem:$0x7FC]  }
0x263: {  	[sflag:s22] =	ssyncset.done $0x0  }
0x264: {  	[sflag:s22] =	ssyncadd.s32 $0xFFFFA000  }
0x265: {  	[hbm4b:s0+s3] =	stream.linear.scatter [tilespmem:s7], [sflag:$0x6], $0x6000, $0x38;
	[tilespmem:$0x1E080] =	vst v63  }
0x266: {  	_ =	swait.ge [sflag:s24], $0x6000  }
0x267: {  	s0 =	sld [smem:$0x7FD]  }
0x268: {  	[sflag:s24] =	ssyncset.done $0x0  }
0x269: {  	[sflag:s24] =	ssyncadd.s32 $0xFFFFA000  }
0x26a: {  	[hbm4b:s0+s3] =	stream.linear.scatter [tilespmem:s10], [sflag:$0x7], $0x6000, $0x38;
	[tilespmem:$0x1E080] =	vst v63  }
0x26b: {  	_ =	swait.ge [sflag:s28], $0x6000  }
0x26c: {  	[sflag:s28] =	ssyncset.done $0x0  }
0x26d: {  	[sflag:s28] =	ssyncadd.s32 $0xFFFFA000  }
0x26e: {  	_ =	swait.ge [sflag:s30], $0x6000  }
0x26f: {  	[sflag:s30] =	ssyncset.done $0x0  }
0x270: {  	[sflag:s30] =	ssyncadd.s32 $0xFFFFA000  }
0x271: {  	_ =	swait.ge [sflag:s2], $0x6000  }
0x272: {  	[sflag:s2] =	ssyncset.done $0x0  }
0x273: {  	[sflag:s2] =	ssyncadd.s32 $0xFFFFA000  }
0x274: {  	p0 =	sne.s32 s5, $0x1;
	_ =	swait.ge [sflag:s23], $0x6000  }
.Ltmp0:
0x275: {  	[sflag:s23] =	ssyncset.done $0x0;
	(pc) =	sbr.rel @p0 .LBB2_1-.Ltmp0, $4  }
0x276: {  	[sflag:s23] =	ssyncadd.s32 $0xFFFFA000  }
0x277: {  	_ =	swait.ge [sflag:s25], $0x6000  }
0x278: {  	[sflag:s25] =	ssyncset.done $0x0  }
0x279: {  	s5 =	sadd.s32 $0xFFFFFFFF, s5;
	[sflag:s25] =	ssyncadd.s32 $0xFFFFA000  }
0x27a: {  	_ =	sfence.sel $0x180000  }
0x27b: {  	[bflag:$0x0] =	sbarrier.arrive $0xFFFF  }
0x27c: {  	_ =	strace $0x90000047  }
0x27d: {  	s0 =	stileid.u32;
	[bflag:$0x2] =	sbarrier.arrive $0xFFFF  }
0x27e: {  	p0 =	sne.s32 s0, $0x0;
	s0 =	rddreg [dreg:$0x4]  }
0x27f: {  	s0 =	sadd.s32 @!p0 $0x100000, s0  }
0x280: {  	[sflag:s0] =	ssyncadd.tile.s32 @!p0 $0x1;
	_ =	shalt  }
.Lfunc_end2:
_tile_overlayer_lowered:
.L_overlay_start_2:
0x281: {  	(tag) =	ssettag $0x2  }
0x282: {  	s0 =	rddreg [dreg:$0x0];
	s2 =	stileid.u32  }
0x283: {  	s1 =	rddreg [dreg:$0x1];
	p0 =	sne.s32 s2, $0x0  }
0x284: {  	s3 =	rddreg [dreg:$0x2];
	[bflag:$0x3] =	sbarrier.arrive $0xFFFF;
	s2 =	simm.s32 @!p0 $0x1C0B  }
0x285: {  	[timem:s3], [sflag:s2] =	dma.local @!p0 [hbm:s0], s1  }
0x286: {  	s0 =	simm.s32 @!p0 $0xB  }
0x287: {  	_ =	swait.ge @!p0 [sflag:s0], s1  }
0x288: {  	s1 =	ssub.s32 @!p0 $0x0, s1;
	[sflag:s0] =	ssyncset.done @!p0 $0x0  }
0x289: {  	[sflag:s0] =	ssyncadd.s32 @!p0 s1  }
0x28a: {  	[bflag:$0x3] =	sbarrier.arrive $0xFFFF  }
0x28b: {  	_ =	shalt  }

</sc_bundles>
